<compile_context>
chip_gen: v7x
topology: tpu7x:2x2x1
jax: 0.10.2.dev20260603
libtpu: 0.0.44.dev20260713+nightly
codegen_flags: <defaults>
</compile_context>

<pallas_src>
import functools

import jax
import jax.numpy as jnp
from jax import lax
from jax.experimental import pallas as pl
from jax.experimental.pallas import tpu as pltpu
from jax.experimental.pallas import tpu_sc as plsc

VOC_DIM = 64
NC, NS = 2, 16
NW = NC * NS
LANES = 16

def _project(table_t, W1):
    V = table_t.shape[1]
    blk = 16384
    nblk = (V + blk - 1) // blk

    def body(w_ref, a_ref, o_ref):
        o_ref[...] = lax.dot_general(
            a_ref[...], w_ref[...], (((0,), (1,)), ((), ())),
            preferred_element_type=jnp.float32)

    return pl.pallas_call(
        body,
        grid=(nblk,),
        compiler_params=pltpu.CompilerParams(
            fuse_transposed_lhs_in_matmul=True),
        in_specs=[
            pl.BlockSpec((VOC_DIM, VOC_DIM), lambda i: (0, 0)),
            pl.BlockSpec((VOC_DIM, blk), lambda i: (0, i)),
        ],
        out_specs=pl.BlockSpec((blk, VOC_DIM), lambda i: (i, 0)),
        out_shape=jax.ShapeDtypeStruct((nblk * blk, VOC_DIM), jnp.float32),
    )(W1, table_t)


def _gather_sum(B):
    bpw = B // NW
    mesh = plsc.VectorSubcoreMesh(core_axis_name="c", subcore_axis_name="s")

    @functools.partial(
        pl.kernel,
        out_type=jax.ShapeDtypeStruct((B, VOC_DIM), jnp.float32),
        mesh=mesh,
        scratch_types=[
            pltpu.SMEM((bpw,), jnp.int32),
            pltpu.VMEM((bpw,), jnp.int32),
            pltpu.VMEM((bpw, VOC_DIM), jnp.float32),
            pltpu.VMEM((bpw, VOC_DIM), jnp.float32),
            pltpu.VMEM((bpw, VOC_DIM), jnp.float32),
            pltpu.SemaphoreType.DMA,
            pltpu.SemaphoreType.DMA,
            pltpu.SemaphoreType.DMA,
        ],
    )
    def gather_sum(x1h, x2h, x4h, x5h, tableh, outh,
                   idx_s, idx_v, accv, g2, g3, s1, s2, s3):
        wid = lax.axis_index("s") * NC + lax.axis_index("c")
        base = wid * bpw
        sl = pl.ds(base, bpw)

        def fire(xh, dstv, sem):
            pltpu.sync_copy(xh.at[sl], idx_v)

            def stage16(t, _):
                v = idx_v[pl.ds(t * LANES, LANES)]
                for lane in range(LANES):
                    idx_s[t * LANES + lane] = v[lane]
                return 0
            lax.fori_loop(0, bpw // LANES, stage16, 0)

            def body(j, _):
                i = idx_s[j]
                pltpu.async_copy(
                    tableh.at[pl.ds(i, 1), :],
                    dstv.at[pl.ds(j, 1), :], sem)
                return 0
            lax.fori_loop(0, bpw, body, 0)

        def drain(dstv, sem):
            pltpu.make_async_copy(
                tableh.at[pl.ds(0, bpw), :], dstv, sem).wait()

        def accum(src):
            def body(r, _):
                for c in range(VOC_DIM // LANES):
                    s = pl.ds(c * LANES, LANES)
                    plsc.addupdate(accv.at[r, s], src[r, s])
                return 0
            lax.fori_loop(0, bpw, body, 0)

        fire(x1h, accv, s1)
        fire(x2h, g2, s2)
        fire(x4h, g3, s3)
        drain(accv, s1)
        drain(g2, s2)
        accum(g2)
        drain(g3, s3)
        fire(x5h, g2, s2)
        accum(g3)
        drain(g2, s2)
        accum(g2)
        pltpu.sync_copy(accv, outh.at[sl])

    return gather_sum


def kernel(x1, x2, x4, x5, codebook, W1):
    B = x1.shape[0]
    table = _project(codebook.T, W1)
    h = B // 2
    gs = _gather_sum(h)
    s0 = gs(x1[:h], x2[:h], x4[:h], x5[:h], table)
    s1 = gs(x1[h:], x2[h:], x4[h:], x5[h:], table)
    return jnp.concatenate([s0, s1], axis=0)

# --- scband reference (transcript-rebuilt; emitter-appended) ---
"""Pipeline reference for scband-cbow-38311108280526 (READ-ONLY COPY).

The authoritative reference and input builder live on the scoring server;
editing this copy changes nothing except your own understanding.
"""

import jax, jax.numpy as jnp
import numpy as np

VOC_NUM = 1000000
VOC_DIM = 64
BATCH = 16384

def setup_inputs(seed: int = 0) -> dict:
    key = jax.random.key(seed)
    k1, k2, k4, k5, kt, kw = jax.random.split(key, 6)
    x1 = jax.random.randint(k1, (BATCH,), 0, VOC_NUM, dtype=jnp.int64) if jax.config.jax_enable_x64 else jax.random.randint(k1, (BATCH,), 0, VOC_NUM).astype(jnp.int32)
    x2 = jax.random.randint(k2, (BATCH,), 0, VOC_NUM).astype(x1.dtype)
    x4 = jax.random.randint(k4, (BATCH,), 0, VOC_NUM).astype(x1.dtype)
    x5 = jax.random.randint(k5, (BATCH,), 0, VOC_NUM).astype(x1.dtype)
    codebook = jax.random.normal(kt, (VOC_NUM, VOC_DIM), dtype=jnp.float32)
    # nn.Linear(voc_dim, voc_dim, bias=False): weight shape [out, in]; y = v @ W.T
    W1 = jax.random.normal(kw, (VOC_DIM, VOC_DIM), dtype=jnp.float32) * (1.0 / np.sqrt(VOC_DIM))
    return {"x1": x1, "x2": x2, "x4": x4, "x5": x5, "codebook": codebook, "W1": W1}

def reference(x1, x2, x4, x5, codebook, W1):
    # Faithful CBOW.forward: four embedding lookups, each passed through linear_1, summed.
    v1 = jnp.take(codebook, x1, axis=0)
    v2 = jnp.take(codebook, x2, axis=0)
    v4 = jnp.take(codebook, x4, axis=0)
    v5 = jnp.take(codebook, x5, axis=0)
    y1 = v1 @ W1.T
    y2 = v2 @ W1.T
    y4 = v4 @ W1.T
    y5 = v5 @ W1.T
    return y1 + y2 + y4 + y5

if __name__ == "__main__":
    import jax
    _d = setup_inputs()
    print(jax.jit(kernel)(*tuple(_d.values())))

</pallas_src>

<mosaic_0001>
#map = affine_map<(d0, d1) -> (0)>
#map1 = affine_map<(d0, d1) -> (0, 0)>
module attributes {stable_mosaic.version = 14 : i64} {
  func.func @gather_sum(%arg0: i32, %arg1: i32, %arg2: memref<8192xi32, #tpu.memory_space<hbm>>, %arg3: memref<8192xi32, #tpu.memory_space<hbm>>, %arg4: memref<8192xi32, #tpu.memory_space<hbm>>, %arg5: memref<8192xi32, #tpu.memory_space<hbm>>, %arg6: memref<1015808x64xf32, #tpu.memory_space<hbm>>, %arg7: memref<8192x64xf32, #tpu.memory_space<hbm>>, %arg8: memref<256xi32, #tpu.memory_space<smem>>, %arg9: memref<256xi32, #tpu.memory_space<vmem>>, %arg10: memref<256x64xf32, #tpu.memory_space<vmem>>, %arg11: memref<256x64xf32, #tpu.memory_space<vmem>>, %arg12: memref<256x64xf32, #tpu.memory_space<vmem>>, %arg13: memref<!tpu.dma_semaphore, #tpu.memory_space<semaphore_mem>>, %arg14: memref<!tpu.dma_semaphore, #tpu.memory_space<semaphore_mem>>, %arg15: memref<!tpu.dma_semaphore, #tpu.memory_space<semaphore_mem>>) attributes {dimension_semantics = [#tpu.dimension_semantics<core_parallel>, #tpu.dimension_semantics<subcore_parallel>], iteration_bounds = array<i64: 2, 16>, scalar_prefetch = 0 : i64, scratch_operands = 8 : i64, tpu.core_type = #tpu.core_type<sc_vector_subcore>, window_params = [{transform_indices = #map}, {transform_indices = #map}, {transform_indices = #map}, {transform_indices = #map}, {transform_indices = #map1}, {transform_indices = #map1}]} {
    %mul3A = arith.constant 2 : i32
    %mul3A_0 = arith.muli %arg1, %mul3A : i32
    %add3A = arith.addi %mul3A_0, %arg0 : i32
    %mul3A_1 = arith.constant 256 : i32
    %mul3A_2 = arith.muli %add3A, %mul3A_1 : i32
    "tpu.region"() ({
      %run_scoped3A = tpu.sem_alloc : memref<!tpu.dma_semaphore, #tpu.memory_space<semaphore_mem>>
      %dma_start3A = tpu.memref_slice %arg2[%mul3A_2] : memref<8192xi32, #tpu.memory_space<hbm>> -> memref<256xi32, #tpu.memory_space<hbm>>
      %dma_start3A_102 = tpu.memref_slice %arg2[%mul3A_2] : memref<8192xi32, #tpu.memory_space<hbm>> -> memref<256xi32, #tpu.memory_space<hbm>>
      tpu.enqueue_dma source(%dma_start3A_102 : memref<256xi32, #tpu.memory_space<hbm>>) target(%arg9 : memref<256xi32, #tpu.memory_space<vmem>>) target_semaphore(%run_scoped3A : memref<!tpu.dma_semaphore, #tpu.memory_space<semaphore_mem>>)
      %dma_wait3A_103 = tpu.memref_slice %arg2[%mul3A_2] : memref<8192xi32, #tpu.memory_space<hbm>> -> memref<256xi32, #tpu.memory_space<hbm>>
      %dma_wait3A_104 = tpu.memref_slice %arg2[%mul3A_2] : memref<8192xi32, #tpu.memory_space<hbm>> -> memref<256xi32, #tpu.memory_space<hbm>>
      tpu.wait_dma2 semaphore(%run_scoped3A : memref<!tpu.dma_semaphore, #tpu.memory_space<semaphore_mem>>) src(%dma_wait3A_104 : memref<256xi32, #tpu.memory_space<hbm>>) dst(%arg9 : memref<256xi32, #tpu.memory_space<vmem>>)
      tpu.yield
    }) : () -> ()
    %scan3A = arith.constant 0 : i32
    %scan3A_3 = arith.constant 0 : i32
    %scan3A_4 = arith.constant 16 : i32
    %scan3A_5 = arith.addi %scan3A_3, %scan3A_4 : i32
    %scan3A_6 = arith.constant 1 : i32
    %scan3A_7 = scf.for %scan3A_102 = %scan3A_3 to %scan3A_5 step %scan3A_6 iter_args(%scan3A_103 = %scan3A) -> (i32)  : i32 {
      %mul3A_104 = arith.constant 16 : i32
      %mul3A_105 = arith.muli %scan3A_102, %mul3A_104 : i32
      %get3A = arith.index_cast %mul3A_105 : i32 to index
      %get3A_106 = tpu.vector_load %arg9[%get3A] {strides = array<i32>} : memref<256xi32, #tpu.memory_space<vmem>>, vector<16xi32>,
      %get3A_107 = vector.shape_cast %get3A_106 : vector<16xi32> to vector<16xi32>
      %slice3A = vector.extract_strided_slice %get3A_107 {offsets = [0], sizes = [1], strides = [1]} : vector<16xi32> to vector<1xi32>
      %squeeze3A = vector.extract %slice3A[0] : i32 from vector<1xi32>
      %mul3A_108 = arith.constant 16 : i32
      %mul3A_109 = arith.muli %scan3A_102, %mul3A_108 : i32
      %add3A_110 = arith.constant 0 : i32
      %add3A_111 = arith.addi %mul3A_109, %add3A_110 : i32
      %swap3A = arith.index_cast %add3A_111 : i32 to index
      %swap3A_112 = memref.load %arg8[%swap3A] : memref<256xi32, #tpu.memory_space<smem>>
      memref.store %squeeze3A, %arg8[%swap3A] : memref<256xi32, #tpu.memory_space<smem>>
      %slice3A_113 = vector.extract_strided_slice %get3A_107 {offsets = [1], sizes = [1], strides = [1]} : vector<16xi32> to vector<1xi32>
      %squeeze3A_114 = vector.extract %slice3A_113[0] : i32 from vector<1xi32>
      %mul3A_115 = arith.constant 16 : i32
      %mul3A_116 = arith.muli %scan3A_102, %mul3A_115 : i32
      %add3A_117 = arith.constant 1 : i32
      %add3A_118 = arith.addi %mul3A_116, %add3A_117 : i32
      %swap3A_119 = arith.index_cast %add3A_118 : i32 to index
      %swap3A_120 = memref.load %arg8[%swap3A_119] : memref<256xi32, #tpu.memory_space<smem>>
      memref.store %squeeze3A_114, %arg8[%swap3A_119] : memref<256xi32, #tpu.memory_space<smem>>
      %slice3A_121 = vector.extract_strided_slice %get3A_107 {offsets = [2], sizes = [1], strides = [1]} : vector<16xi32> to vector<1xi32>
      %squeeze3A_122 = vector.extract %slice3A_121[0] : i32 from vector<1xi32>
      %mul3A_123 = arith.constant 16 : i32
      %mul3A_124 = arith.muli %scan3A_102, %mul3A_123 : i32
      %add3A_125 = arith.constant 2 : i32
      %add3A_126 = arith.addi %mul3A_124, %add3A_125 : i32
      %swap3A_127 = arith.index_cast %add3A_126 : i32 to index
      %swap3A_128 = memref.load %arg8[%swap3A_127] : memref<256xi32, #tpu.memory_space<smem>>
      memref.store %squeeze3A_122, %arg8[%swap3A_127] : memref<256xi32, #tpu.memory_space<smem>>
      %slice3A_129 = vector.extract_strided_slice %get3A_107 {offsets = [3], sizes = [1], strides = [1]} : vector<16xi32> to vector<1xi32>
      %squeeze3A_130 = vector.extract %slice3A_129[0] : i32 from vector<1xi32>
      %mul3A_131 = arith.constant 16 : i32
      %mul3A_132 = arith.muli %scan3A_102, %mul3A_131 : i32
      %add3A_133 = arith.constant 3 : i32
      %add3A_134 = arith.addi %mul3A_132, %add3A_133 : i32
      %swap3A_135 = arith.index_cast %add3A_134 : i32 to index
      %swap3A_136 = memref.load %arg8[%swap3A_135] : memref<256xi32, #tpu.memory_space<smem>>
      memref.store %squeeze3A_130, %arg8[%swap3A_135] : memref<256xi32, #tpu.memory_space<smem>>
      %slice3A_137 = vector.extract_strided_slice %get3A_107 {offsets = [4], sizes = [1], strides = [1]} : vector<16xi32> to vector<1xi32>
      %squeeze3A_138 = vector.extract %slice3A_137[0] : i32 from vector<1xi32>
      %mul3A_139 = arith.constant 16 : i32
      %mul3A_140 = arith.muli %scan3A_102, %mul3A_139 : i32
      %add3A_141 = arith.constant 4 : i32
      %add3A_142 = arith.addi %mul3A_140, %add3A_141 : i32
      %swap3A_143 = arith.index_cast %add3A_142 : i32 to index
      %swap3A_144 = memref.load %arg8[%swap3A_143] : memref<256xi32, #tpu.memory_space<smem>>
      memref.store %squeeze3A_138, %arg8[%swap3A_143] : memref<256xi32, #tpu.memory_space<smem>>
      %slice3A_145 = vector.extract_strided_slice %get3A_107 {offsets = [5], sizes = [1], strides = [1]} : vector<16xi32> to vector<1xi32>
      %squeeze3A_146 = vector.extract %slice3A_145[0] : i32 from vector<1xi32>
      %mul3A_147 = arith.constant 16 : i32
      %mul3A_148 = arith.muli %scan3A_102, %mul3A_147 : i32
      %add3A_149 = arith.constant 5 : i32
      %add3A_150 = arith.addi %mul3A_148, %add3A_149 : i32
      %swap3A_151 = arith.index_cast %add3A_150 : i32 to index
      %swap3A_152 = memref.load %arg8[%swap3A_151] : memref<256xi32, #tpu.memory_space<smem>>
      memref.store %squeeze3A_146, %arg8[%swap3A_151] : memref<256xi32, #tpu.memory_space<smem>>
      %slice3A_153 = vector.extract_strided_slice %get3A_107 {offsets = [6], sizes = [1], strides = [1]} : vector<16xi32> to vector<1xi32>
      %squeeze3A_154 = vector.extract %slice3A_153[0] : i32 from vector<1xi32>
      %mul3A_155 = arith.constant 16 : i32
      %mul3A_156 = arith.muli %scan3A_102, %mul3A_155 : i32
      %add3A_157 = arith.constant 6 : i32
      %add3A_158 = arith.addi %mul3A_156, %add3A_157 : i32
      %swap3A_159 = arith.index_cast %add3A_158 : i32 to index
      %swap3A_160 = memref.load %arg8[%swap3A_159] : memref<256xi32, #tpu.memory_space<smem>>
      memref.store %squeeze3A_154, %arg8[%swap3A_159] : memref<256xi32, #tpu.memory_space<smem>>
      %slice3A_161 = vector.extract_strided_slice %get3A_107 {offsets = [7], sizes = [1], strides = [1]} : vector<16xi32> to vector<1xi32>
      %squeeze3A_162 = vector.extract %slice3A_161[0] : i32 from vector<1xi32>
      %mul3A_163 = arith.constant 16 : i32
      %mul3A_164 = arith.muli %scan3A_102, %mul3A_163 : i32
      %add3A_165 = arith.constant 7 : i32
      %add3A_166 = arith.addi %mul3A_164, %add3A_165 : i32
      %swap3A_167 = arith.index_cast %add3A_166 : i32 to index
      %swap3A_168 = memref.load %arg8[%swap3A_167] : memref<256xi32, #tpu.memory_space<smem>>
      memref.store %squeeze3A_162, %arg8[%swap3A_167] : memref<256xi32, #tpu.memory_space<smem>>
      %slice3A_169 = vector.extract_strided_slice %get3A_107 {offsets = [8], sizes = [1], strides = [1]} : vector<16xi32> to vector<1xi32>
      %squeeze3A_170 = vector.extract %slice3A_169[0] : i32 from vector<1xi32>
      %mul3A_171 = arith.constant 16 : i32
      %mul3A_172 = arith.muli %scan3A_102, %mul3A_171 : i32
      %add3A_173 = arith.constant 8 : i32
      %add3A_174 = arith.addi %mul3A_172, %add3A_173 : i32
      %swap3A_175 = arith.index_cast %add3A_174 : i32 to index
      %swap3A_176 = memref.load %arg8[%swap3A_175] : memref<256xi32, #tpu.memory_space<smem>>
      memref.store %squeeze3A_170, %arg8[%swap3A_175] : memref<256xi32, #tpu.memory_space<smem>>
      %slice3A_177 = vector.extract_strided_slice %get3A_107 {offsets = [9], sizes = [1], strides = [1]} : vector<16xi32> to vector<1xi32>
      %squeeze3A_178 = vector.extract %slice3A_177[0] : i32 from vector<1xi32>
      %mul3A_179 = arith.constant 16 : i32
      %mul3A_180 = arith.muli %scan3A_102, %mul3A_179 : i32
      %add3A_181 = arith.constant 9 : i32
      %add3A_182 = arith.addi %mul3A_180, %add3A_181 : i32
      %swap3A_183 = arith.index_cast %add3A_182 : i32 to index
      %swap3A_184 = memref.load %arg8[%swap3A_183] : memref<256xi32, #tpu.memory_space<smem>>
      memref.store %squeeze3A_178, %arg8[%swap3A_183] : memref<256xi32, #tpu.memory_space<smem>>
      %slice3A_185 = vector.extract_strided_slice %get3A_107 {offsets = [10], sizes = [1], strides = [1]} : vector<16xi32> to vector<1xi32>
      %squeeze3A_186 = vector.extract %slice3A_185[0] : i32 from vector<1xi32>
      %mul3A_187 = arith.constant 16 : i32
      %mul3A_188 = arith.muli %scan3A_102, %mul3A_187 : i32
      %add3A_189 = arith.constant 10 : i32
      %add3A_190 = arith.addi %mul3A_188, %add3A_189 : i32
      %swap3A_191 = arith.index_cast %add3A_190 : i32 to index
      %swap3A_192 = memref.load %arg8[%swap3A_191] : memref<256xi32, #tpu.memory_space<smem>>
      memref.store %squeeze3A_186, %arg8[%swap3A_191] : memref<256xi32, #tpu.memory_space<smem>>
      %slice3A_193 = vector.extract_strided_slice %get3A_107 {offsets = [11], sizes = [1], strides = [1]} : vector<16xi32> to vector<1xi32>
      %squeeze3A_194 = vector.extract %slice3A_193[0] : i32 from vector<1xi32>
      %mul3A_195 = arith.constant 16 : i32
      %mul3A_196 = arith.muli %scan3A_102, %mul3A_195 : i32
      %add3A_197 = arith.constant 11 : i32
      %add3A_198 = arith.addi %mul3A_196, %add3A_197 : i32
      %swap3A_199 = arith.index_cast %add3A_198 : i32 to index
      %swap3A_200 = memref.load %arg8[%swap3A_199] : memref<256xi32, #tpu.memory_space<smem>>
      memref.store %squeeze3A_194, %arg8[%swap3A_199] : memref<256xi32, #tpu.memory_space<smem>>
      %slice3A_201 = vector.extract_strided_slice %get3A_107 {offsets = [12], sizes = [1], strides = [1]} : vector<16xi32> to vector<1xi32>
      %squeeze3A_202 = vector.extract %slice3A_201[0] : i32 from vector<1xi32>
      %mul3A_203 = arith.constant 16 : i32
      %mul3A_204 = arith.muli %scan3A_102, %mul3A_203 : i32
      %add3A_205 = arith.constant 12 : i32
      %add3A_206 = arith.addi %mul3A_204, %add3A_205 : i32
      %swap3A_207 = arith.index_cast %add3A_206 : i32 to index
      %swap3A_208 = memref.load %arg8[%swap3A_207] : memref<256xi32, #tpu.memory_space<smem>>
      memref.store %squeeze3A_202, %arg8[%swap3A_207] : memref<256xi32, #tpu.memory_space<smem>>
      %slice3A_209 = vector.extract_strided_slice %get3A_107 {offsets = [13], sizes = [1], strides = [1]} : vector<16xi32> to vector<1xi32>
      %squeeze3A_210 = vector.extract %slice3A_209[0] : i32 from vector<1xi32>
      %mul3A_211 = arith.constant 16 : i32
      %mul3A_212 = arith.muli %scan3A_102, %mul3A_211 : i32
      %add3A_213 = arith.constant 13 : i32
      %add3A_214 = arith.addi %mul3A_212, %add3A_213 : i32
      %swap3A_215 = arith.index_cast %add3A_214 : i32 to index
      %swap3A_216 = memref.load %arg8[%swap3A_215] : memref<256xi32, #tpu.memory_space<smem>>
      memref.store %squeeze3A_210, %arg8[%swap3A_215] : memref<256xi32, #tpu.memory_space<smem>>
      %slice3A_217 = vector.extract_strided_slice %get3A_107 {offsets = [14], sizes = [1], strides = [1]} : vector<16xi32> to vector<1xi32>
      %squeeze3A_218 = vector.extract %slice3A_217[0] : i32 from vector<1xi32>
      %mul3A_219 = arith.constant 16 : i32
      %mul3A_220 = arith.muli %scan3A_102, %mul3A_219 : i32
      %add3A_221 = arith.constant 14 : i32
      %add3A_222 = arith.addi %mul3A_220, %add3A_221 : i32
      %swap3A_223 = arith.index_cast %add3A_222 : i32 to index
      %swap3A_224 = memref.load %arg8[%swap3A_223] : memref<256xi32, #tpu.memory_space<smem>>
      memref.store %squeeze3A_218, %arg8[%swap3A_223] : memref<256xi32, #tpu.memory_space<smem>>
      %slice3A_225 = vector.extract_strided_slice %get3A_107 {offsets = [15], sizes = [1], strides = [1]} : vector<16xi32> to vector<1xi32>
      %squeeze3A_226 = vector.extract %slice3A_225[0] : i32 from vector<1xi32>
      %mul3A_227 = arith.constant 16 : i32
      %mul3A_228 = arith.muli %scan3A_102, %mul3A_227 : i32
      %add3A_229 = arith.constant 15 : i32
      %add3A_230 = arith.addi %mul3A_228, %add3A_229 : i32
      %swap3A_231 = arith.index_cast %add3A_230 : i32 to index
      %swap3A_232 = memref.load %arg8[%swap3A_231] : memref<256xi32, #tpu.memory_space<smem>>
      memref.store %squeeze3A_226, %arg8[%swap3A_231] : memref<256xi32, #tpu.memory_space<smem>>
      %scan3A_233 = arith.constant 0 : i32
      scf.yield %scan3A_233 : i32
    }
    %scan3A_8 = arith.constant 16 : i32
    %scan3A_9 = arith.constant 0 : i32
    %scan3A_10 = arith.constant 0 : i32
    %scan3A_11 = arith.constant 256 : i32
    %scan3A_12 = arith.addi %scan3A_10, %scan3A_11 : i32
    %scan3A_13 = arith.constant 1 : i32
    %scan3A_14 = scf.for %scan3A_102 = %scan3A_10 to %scan3A_12 step %scan3A_13 iter_args(%scan3A_103 = %scan3A_9) -> (i32)  : i32 {
      %get3A = arith.index_cast %scan3A_102 : i32 to index
      %get3A_104 = memref.load %arg8[%get3A] : memref<256xi32, #tpu.memory_space<smem>>
      %dma_start3A = arith.constant 0 : i32
      %dma_start3A_105 = tpu.memref_slice %arg10[%scan3A_102, %dma_start3A] : memref<256x64xf32, #tpu.memory_space<vmem>> -> memref<1x64xf32, #tpu.memory_space<vmem>>
      %dma_start3A_106 = arith.constant 0 : i32
      %dma_start3A_107 = tpu.memref_slice %arg6[%get3A_104, %dma_start3A_106] : memref<1015808x64xf32, #tpu.memory_space<hbm>> -> memref<1x64xf32, #tpu.memory_space<hbm>>
      %dma_start3A_108 = arith.constant 0 : i32
      %dma_start3A_109 = tpu.memref_slice %arg10[%scan3A_102, %dma_start3A_108] : memref<256x64xf32, #tpu.memory_space<vmem>> -> memref<1x64xf32, #tpu.memory_space<vmem>>
      %dma_start3A_110 = arith.constant 0 : i32
      %dma_start3A_111 = tpu.memref_slice %arg6[%get3A_104, %dma_start3A_110] : memref<1015808x64xf32, #tpu.memory_space<hbm>> -> memref<1x64xf32, #tpu.memory_space<hbm>>
      tpu.enqueue_dma source(%dma_start3A_111 : memref<1x64xf32, #tpu.memory_space<hbm>>) target(%dma_start3A_109 : memref<1x64xf32, #tpu.memory_space<vmem>>) target_semaphore(%arg13 : memref<!tpu.dma_semaphore, #tpu.memory_space<semaphore_mem>>)
      %scan3A_112 = arith.constant 0 : i32
      scf.yield %scan3A_112 : i32
    }
    %scan3A_15 = arith.constant 256 : i32
    "tpu.region"() ({
      %run_scoped3A = tpu.sem_alloc : memref<!tpu.dma_semaphore, #tpu.memory_space<semaphore_mem>>
      %dma_start3A = tpu.memref_slice %arg3[%mul3A_2] : memref<8192xi32, #tpu.memory_space<hbm>> -> memref<256xi32, #tpu.memory_space<hbm>>
      %dma_start3A_102 = tpu.memref_slice %arg3[%mul3A_2] : memref<8192xi32, #tpu.memory_space<hbm>> -> memref<256xi32, #tpu.memory_space<hbm>>
      tpu.enqueue_dma source(%dma_start3A_102 : memref<256xi32, #tpu.memory_space<hbm>>) target(%arg9 : memref<256xi32, #tpu.memory_space<vmem>>) target_semaphore(%run_scoped3A : memref<!tpu.dma_semaphore, #tpu.memory_space<semaphore_mem>>)
      %dma_wait3A_103 = tpu.memref_slice %arg3[%mul3A_2] : memref<8192xi32, #tpu.memory_space<hbm>> -> memref<256xi32, #tpu.memory_space<hbm>>
      %dma_wait3A_104 = tpu.memref_slice %arg3[%mul3A_2] : memref<8192xi32, #tpu.memory_space<hbm>> -> memref<256xi32, #tpu.memory_space<hbm>>
      tpu.wait_dma2 semaphore(%run_scoped3A : memref<!tpu.dma_semaphore, #tpu.memory_space<semaphore_mem>>) src(%dma_wait3A_104 : memref<256xi32, #tpu.memory_space<hbm>>) dst(%arg9 : memref<256xi32, #tpu.memory_space<vmem>>)
      tpu.yield
    }) : () -> ()
    %scan3A_16 = arith.constant 0 : i32
    %scan3A_17 = arith.constant 0 : i32
    %scan3A_18 = arith.constant 16 : i32
    %scan3A_19 = arith.addi %scan3A_17, %scan3A_18 : i32
    %scan3A_20 = arith.constant 1 : i32
    %scan3A_21 = scf.for %scan3A_102 = %scan3A_17 to %scan3A_19 step %scan3A_20 iter_args(%scan3A_103 = %scan3A_16) -> (i32)  : i32 {
      %mul3A_104 = arith.constant 16 : i32
      %mul3A_105 = arith.muli %scan3A_102, %mul3A_104 : i32
      %get3A = arith.index_cast %mul3A_105 : i32 to index
      %get3A_106 = tpu.vector_load %arg9[%get3A] {strides = array<i32>} : memref<256xi32, #tpu.memory_space<vmem>>, vector<16xi32>,
      %get3A_107 = vector.shape_cast %get3A_106 : vector<16xi32> to vector<16xi32>
      %slice3A = vector.extract_strided_slice %get3A_107 {offsets = [0], sizes = [1], strides = [1]} : vector<16xi32> to vector<1xi32>
      %squeeze3A = vector.extract %slice3A[0] : i32 from vector<1xi32>
      %mul3A_108 = arith.constant 16 : i32
      %mul3A_109 = arith.muli %scan3A_102, %mul3A_108 : i32
      %add3A_110 = arith.constant 0 : i32
      %add3A_111 = arith.addi %mul3A_109, %add3A_110 : i32
      %swap3A = arith.index_cast %add3A_111 : i32 to index
      %swap3A_112 = memref.load %arg8[%swap3A] : memref<256xi32, #tpu.memory_space<smem>>
      memref.store %squeeze3A, %arg8[%swap3A] : memref<256xi32, #tpu.memory_space<smem>>
      %slice3A_113 = vector.extract_strided_slice %get3A_107 {offsets = [1], sizes = [1], strides = [1]} : vector<16xi32> to vector<1xi32>
      %squeeze3A_114 = vector.extract %slice3A_113[0] : i32 from vector<1xi32>
      %mul3A_115 = arith.constant 16 : i32
      %mul3A_116 = arith.muli %scan3A_102, %mul3A_115 : i32
      %add3A_117 = arith.constant 1 : i32
      %add3A_118 = arith.addi %mul3A_116, %add3A_117 : i32
      %swap3A_119 = arith.index_cast %add3A_118 : i32 to index
      %swap3A_120 = memref.load %arg8[%swap3A_119] : memref<256xi32, #tpu.memory_space<smem>>
      memref.store %squeeze3A_114, %arg8[%swap3A_119] : memref<256xi32, #tpu.memory_space<smem>>
      %slice3A_121 = vector.extract_strided_slice %get3A_107 {offsets = [2], sizes = [1], strides = [1]} : vector<16xi32> to vector<1xi32>
      %squeeze3A_122 = vector.extract %slice3A_121[0] : i32 from vector<1xi32>
      %mul3A_123 = arith.constant 16 : i32
      %mul3A_124 = arith.muli %scan3A_102, %mul3A_123 : i32
      %add3A_125 = arith.constant 2 : i32
      %add3A_126 = arith.addi %mul3A_124, %add3A_125 : i32
      %swap3A_127 = arith.index_cast %add3A_126 : i32 to index
      %swap3A_128 = memref.load %arg8[%swap3A_127] : memref<256xi32, #tpu.memory_space<smem>>
      memref.store %squeeze3A_122, %arg8[%swap3A_127] : memref<256xi32, #tpu.memory_space<smem>>
      %slice3A_129 = vector.extract_strided_slice %get3A_107 {offsets = [3], sizes = [1], strides = [1]} : vector<16xi32> to vector<1xi32>
      %squeeze3A_130 = vector.extract %slice3A_129[0] : i32 from vector<1xi32>
      %mul3A_131 = arith.constant 16 : i32
      %mul3A_132 = arith.muli %scan3A_102, %mul3A_131 : i32
      %add3A_133 = arith.constant 3 : i32
      %add3A_134 = arith.addi %mul3A_132, %add3A_133 : i32
      %swap3A_135 = arith.index_cast %add3A_134 : i32 to index
      %swap3A_136 = memref.load %arg8[%swap3A_135] : memref<256xi32, #tpu.memory_space<smem>>
      memref.store %squeeze3A_130, %arg8[%swap3A_135] : memref<256xi32, #tpu.memory_space<smem>>
      %slice3A_137 = vector.extract_strided_slice %get3A_107 {offsets = [4], sizes = [1], strides = [1]} : vector<16xi32> to vector<1xi32>
      %squeeze3A_138 = vector.extract %slice3A_137[0] : i32 from vector<1xi32>
      %mul3A_139 = arith.constant 16 : i32
      %mul3A_140 = arith.muli %scan3A_102, %mul3A_139 : i32
      %add3A_141 = arith.constant 4 : i32
      %add3A_142 = arith.addi %mul3A_140, %add3A_141 : i32
      %swap3A_143 = arith.index_cast %add3A_142 : i32 to index
      %swap3A_144 = memref.load %arg8[%swap3A_143] : memref<256xi32, #tpu.memory_space<smem>>
      memref.store %squeeze3A_138, %arg8[%swap3A_143] : memref<256xi32, #tpu.memory_space<smem>>
      %slice3A_145 = vector.extract_strided_slice %get3A_107 {offsets = [5], sizes = [1], strides = [1]} : vector<16xi32> to vector<1xi32>
      %squeeze3A_146 = vector.extract %slice3A_145[0] : i32 from vector<1xi32>
      %mul3A_147 = arith.constant 16 : i32
      %mul3A_148 = arith.muli %scan3A_102, %mul3A_147 : i32
      %add3A_149 = arith.constant 5 : i32
      %add3A_150 = arith.addi %mul3A_148, %add3A_149 : i32
      %swap3A_151 = arith.index_cast %add3A_150 : i32 to index
      %swap3A_152 = memref.load %arg8[%swap3A_151] : memref<256xi32, #tpu.memory_space<smem>>
      memref.store %squeeze3A_146, %arg8[%swap3A_151] : memref<256xi32, #tpu.memory_space<smem>>
      %slice3A_153 = vector.extract_strided_slice %get3A_107 {offsets = [6], sizes = [1], strides = [1]} : vector<16xi32> to vector<1xi32>
      %squeeze3A_154 = vector.extract %slice3A_153[0] : i32 from vector<1xi32>
      %mul3A_155 = arith.constant 16 : i32
      %mul3A_156 = arith.muli %scan3A_102, %mul3A_155 : i32
      %add3A_157 = arith.constant 6 : i32
      %add3A_158 = arith.addi %mul3A_156, %add3A_157 : i32
      %swap3A_159 = arith.index_cast %add3A_158 : i32 to index
      %swap3A_160 = memref.load %arg8[%swap3A_159] : memref<256xi32, #tpu.memory_space<smem>>
      memref.store %squeeze3A_154, %arg8[%swap3A_159] : memref<256xi32, #tpu.memory_space<smem>>
      %slice3A_161 = vector.extract_strided_slice %get3A_107 {offsets = [7], sizes = [1], strides = [1]} : vector<16xi32> to vector<1xi32>
      %squeeze3A_162 = vector.extract %slice3A_161[0] : i32 from vector<1xi32>
      %mul3A_163 = arith.constant 16 : i32
      %mul3A_164 = arith.muli %scan3A_102, %mul3A_163 : i32
      %add3A_165 = arith.constant 7 : i32
      %add3A_166 = arith.addi %mul3A_164, %add3A_165 : i32
      %swap3A_167 = arith.index_cast %add3A_166 : i32 to index
      %swap3A_168 = memref.load %arg8[%swap3A_167] : memref<256xi32, #tpu.memory_space<smem>>
      memref.store %squeeze3A_162, %arg8[%swap3A_167] : memref<256xi32, #tpu.memory_space<smem>>
      %slice3A_169 = vector.extract_strided_slice %get3A_107 {offsets = [8], sizes = [1], strides = [1]} : vector<16xi32> to vector<1xi32>
      %squeeze3A_170 = vector.extract %slice3A_169[0] : i32 from vector<1xi32>
      %mul3A_171 = arith.constant 16 : i32
      %mul3A_172 = arith.muli %scan3A_102, %mul3A_171 : i32
      %add3A_173 = arith.constant 8 : i32
      %add3A_174 = arith.addi %mul3A_172, %add3A_173 : i32
      %swap3A_175 = arith.index_cast %add3A_174 : i32 to index
      %swap3A_176 = memref.load %arg8[%swap3A_175] : memref<256xi32, #tpu.memory_space<smem>>
      memref.store %squeeze3A_170, %arg8[%swap3A_175] : memref<256xi32, #tpu.memory_space<smem>>
      %slice3A_177 = vector.extract_strided_slice %get3A_107 {offsets = [9], sizes = [1], strides = [1]} : vector<16xi32> to vector<1xi32>
      %squeeze3A_178 = vector.extract %slice3A_177[0] : i32 from vector<1xi32>
      %mul3A_179 = arith.constant 16 : i32
      %mul3A_180 = arith.muli %scan3A_102, %mul3A_179 : i32
      %add3A_181 = arith.constant 9 : i32
      %add3A_182 = arith.addi %mul3A_180, %add3A_181 : i32
      %swap3A_183 = arith.index_cast %add3A_182 : i32 to index
      %swap3A_184 = memref.load %arg8[%swap3A_183] : memref<256xi32, #tpu.memory_space<smem>>
      memref.store %squeeze3A_178, %arg8[%swap3A_183] : memref<256xi32, #tpu.memory_space<smem>>
      %slice3A_185 = vector.extract_strided_slice %get3A_107 {offsets = [10], sizes = [1], strides = [1]} : vector<16xi32> to vector<1xi32>
      %squeeze3A_186 = vector.extract %slice3A_185[0] : i32 from vector<1xi32>
      %mul3A_187 = arith.constant 16 : i32
      %mul3A_188 = arith.muli %scan3A_102, %mul3A_187 : i32
      %add3A_189 = arith.constant 10 : i32
      %add3A_190 = arith.addi %mul3A_188, %add3A_189 : i32
      %swap3A_191 = arith.index_cast %add3A_190 : i32 to index
      %swap3A_192 = memref.load %arg8[%swap3A_191] : memref<256xi32, #tpu.memory_space<smem>>
      memref.store %squeeze3A_186, %arg8[%swap3A_191] : memref<256xi32, #tpu.memory_space<smem>>
      %slice3A_193 = vector.extract_strided_slice %get3A_107 {offsets = [11], sizes = [1], strides = [1]} : vector<16xi32> to vector<1xi32>
      %squeeze3A_194 = vector.extract %slice3A_193[0] : i32 from vector<1xi32>
      %mul3A_195 = arith.constant 16 : i32
      %mul3A_196 = arith.muli %scan3A_102, %mul3A_195 : i32
      %add3A_197 = arith.constant 11 : i32
      %add3A_198 = arith.addi %mul3A_196, %add3A_197 : i32
      %swap3A_199 = arith.index_cast %add3A_198 : i32 to index
      %swap3A_200 = memref.load %arg8[%swap3A_199] : memref<256xi32, #tpu.memory_space<smem>>
      memref.store %squeeze3A_194, %arg8[%swap3A_199] : memref<256xi32, #tpu.memory_space<smem>>
      %slice3A_201 = vector.extract_strided_slice %get3A_107 {offsets = [12], sizes = [1], strides = [1]} : vector<16xi32> to vector<1xi32>
      %squeeze3A_202 = vector.extract %slice3A_201[0] : i32 from vector<1xi32>
      %mul3A_203 = arith.constant 16 : i32
      %mul3A_204 = arith.muli %scan3A_102, %mul3A_203 : i32
      %add3A_205 = arith.constant 12 : i32
      %add3A_206 = arith.addi %mul3A_204, %add3A_205 : i32
      %swap3A_207 = arith.index_cast %add3A_206 : i32 to index
      %swap3A_208 = memref.load %arg8[%swap3A_207] : memref<256xi32, #tpu.memory_space<smem>>
      memref.store %squeeze3A_202, %arg8[%swap3A_207] : memref<256xi32, #tpu.memory_space<smem>>
      %slice3A_209 = vector.extract_strided_slice %get3A_107 {offsets = [13], sizes = [1], strides = [1]} : vector<16xi32> to vector<1xi32>
      %squeeze3A_210 = vector.extract %slice3A_209[0] : i32 from vector<1xi32>
      %mul3A_211 = arith.constant 16 : i32
      %mul3A_212 = arith.muli %scan3A_102, %mul3A_211 : i32
      %add3A_213 = arith.constant 13 : i32
      %add3A_214 = arith.addi %mul3A_212, %add3A_213 : i32
      %swap3A_215 = arith.index_cast %add3A_214 : i32 to index
      %swap3A_216 = memref.load %arg8[%swap3A_215] : memref<256xi32, #tpu.memory_space<smem>>
      memref.store %squeeze3A_210, %arg8[%swap3A_215] : memref<256xi32, #tpu.memory_space<smem>>
      %slice3A_217 = vector.extract_strided_slice %get3A_107 {offsets = [14], sizes = [1], strides = [1]} : vector<16xi32> to vector<1xi32>
      %squeeze3A_218 = vector.extract %slice3A_217[0] : i32 from vector<1xi32>
      %mul3A_219 = arith.constant 16 : i32
      %mul3A_220 = arith.muli %scan3A_102, %mul3A_219 : i32
      %add3A_221 = arith.constant 14 : i32
      %add3A_222 = arith.addi %mul3A_220, %add3A_221 : i32
      %swap3A_223 = arith.index_cast %add3A_222 : i32 to index
      %swap3A_224 = memref.load %arg8[%swap3A_223] : memref<256xi32, #tpu.memory_space<smem>>
      memref.store %squeeze3A_218, %arg8[%swap3A_223] : memref<256xi32, #tpu.memory_space<smem>>
      %slice3A_225 = vector.extract_strided_slice %get3A_107 {offsets = [15], sizes = [1], strides = [1]} : vector<16xi32> to vector<1xi32>
      %squeeze3A_226 = vector.extract %slice3A_225[0] : i32 from vector<1xi32>
      %mul3A_227 = arith.constant 16 : i32
      %mul3A_228 = arith.muli %scan3A_102, %mul3A_227 : i32
      %add3A_229 = arith.constant 15 : i32
      %add3A_230 = arith.addi %mul3A_228, %add3A_229 : i32
      %swap3A_231 = arith.index_cast %add3A_230 : i32 to index
      %swap3A_232 = memref.load %arg8[%swap3A_231] : memref<256xi32, #tpu.memory_space<smem>>
      memref.store %squeeze3A_226, %arg8[%swap3A_231] : memref<256xi32, #tpu.memory_space<smem>>
      %scan3A_233 = arith.constant 0 : i32
      scf.yield %scan3A_233 : i32
    }
    %scan3A_22 = arith.constant 16 : i32
    %scan3A_23 = arith.constant 0 : i32
    %scan3A_24 = arith.constant 0 : i32
    %scan3A_25 = arith.constant 256 : i32
    %scan3A_26 = arith.addi %scan3A_24, %scan3A_25 : i32
    %scan3A_27 = arith.constant 1 : i32
    %scan3A_28 = scf.for %scan3A_102 = %scan3A_24 to %scan3A_26 step %scan3A_27 iter_args(%scan3A_103 = %scan3A_23) -> (i32)  : i32 {
      %get3A = arith.index_cast %scan3A_102 : i32 to index
      %get3A_104 = memref.load %arg8[%get3A] : memref<256xi32, #tpu.memory_space<smem>>
      %dma_start3A = arith.constant 0 : i32
      %dma_start3A_105 = tpu.memref_slice %arg11[%scan3A_102, %dma_start3A] : memref<256x64xf32, #tpu.memory_space<vmem>> -> memref<1x64xf32, #tpu.memory_space<vmem>>
      %dma_start3A_106 = arith.constant 0 : i32
      %dma_start3A_107 = tpu.memref_slice %arg6[%get3A_104, %dma_start3A_106] : memref<1015808x64xf32, #tpu.memory_space<hbm>> -> memref<1x64xf32, #tpu.memory_space<hbm>>
      %dma_start3A_108 = arith.constant 0 : i32
      %dma_start3A_109 = tpu.memref_slice %arg11[%scan3A_102, %dma_start3A_108] : memref<256x64xf32, #tpu.memory_space<vmem>> -> memref<1x64xf32, #tpu.memory_space<vmem>>
      %dma_start3A_110 = arith.constant 0 : i32
      %dma_start3A_111 = tpu.memref_slice %arg6[%get3A_104, %dma_start3A_110] : memref<1015808x64xf32, #tpu.memory_space<hbm>> -> memref<1x64xf32, #tpu.memory_space<hbm>>
      tpu.enqueue_dma source(%dma_start3A_111 : memref<1x64xf32, #tpu.memory_space<hbm>>) target(%dma_start3A_109 : memref<1x64xf32, #tpu.memory_space<vmem>>) target_semaphore(%arg14 : memref<!tpu.dma_semaphore, #tpu.memory_space<semaphore_mem>>)
      %scan3A_112 = arith.constant 0 : i32
      scf.yield %scan3A_112 : i32
    }
    %scan3A_29 = arith.constant 256 : i32
    "tpu.region"() ({
      %run_scoped3A = tpu.sem_alloc : memref<!tpu.dma_semaphore, #tpu.memory_space<semaphore_mem>>
      %dma_start3A = tpu.memref_slice %arg4[%mul3A_2] : memref<8192xi32, #tpu.memory_space<hbm>> -> memref<256xi32, #tpu.memory_space<hbm>>
      %dma_start3A_102 = tpu.memref_slice %arg4[%mul3A_2] : memref<8192xi32, #tpu.memory_space<hbm>> -> memref<256xi32, #tpu.memory_space<hbm>>
      tpu.enqueue_dma source(%dma_start3A_102 : memref<256xi32, #tpu.memory_space<hbm>>) target(%arg9 : memref<256xi32, #tpu.memory_space<vmem>>) target_semaphore(%run_scoped3A : memref<!tpu.dma_semaphore, #tpu.memory_space<semaphore_mem>>)
      %dma_wait3A_103 = tpu.memref_slice %arg4[%mul3A_2] : memref<8192xi32, #tpu.memory_space<hbm>> -> memref<256xi32, #tpu.memory_space<hbm>>
      %dma_wait3A_104 = tpu.memref_slice %arg4[%mul3A_2] : memref<8192xi32, #tpu.memory_space<hbm>> -> memref<256xi32, #tpu.memory_space<hbm>>
      tpu.wait_dma2 semaphore(%run_scoped3A : memref<!tpu.dma_semaphore, #tpu.memory_space<semaphore_mem>>) src(%dma_wait3A_104 : memref<256xi32, #tpu.memory_space<hbm>>) dst(%arg9 : memref<256xi32, #tpu.memory_space<vmem>>)
      tpu.yield
    }) : () -> ()
    %scan3A_30 = arith.constant 0 : i32
    %scan3A_31 = arith.constant 0 : i32
    %scan3A_32 = arith.constant 16 : i32
    %scan3A_33 = arith.addi %scan3A_31, %scan3A_32 : i32
    %scan3A_34 = arith.constant 1 : i32
    %scan3A_35 = scf.for %scan3A_102 = %scan3A_31 to %scan3A_33 step %scan3A_34 iter_args(%scan3A_103 = %scan3A_30) -> (i32)  : i32 {
      %mul3A_104 = arith.constant 16 : i32
      %mul3A_105 = arith.muli %scan3A_102, %mul3A_104 : i32
      %get3A = arith.index_cast %mul3A_105 : i32 to index
      %get3A_106 = tpu.vector_load %arg9[%get3A] {strides = array<i32>} : memref<256xi32, #tpu.memory_space<vmem>>, vector<16xi32>,
      %get3A_107 = vector.shape_cast %get3A_106 : vector<16xi32> to vector<16xi32>
      %slice3A = vector.extract_strided_slice %get3A_107 {offsets = [0], sizes = [1], strides = [1]} : vector<16xi32> to vector<1xi32>
      %squeeze3A = vector.extract %slice3A[0] : i32 from vector<1xi32>
      %mul3A_108 = arith.constant 16 : i32
      %mul3A_109 = arith.muli %scan3A_102, %mul3A_108 : i32
      %add3A_110 = arith.constant 0 : i32
      %add3A_111 = arith.addi %mul3A_109, %add3A_110 : i32
      %swap3A = arith.index_cast %add3A_111 : i32 to index
      %swap3A_112 = memref.load %arg8[%swap3A] : memref<256xi32, #tpu.memory_space<smem>>
      memref.store %squeeze3A, %arg8[%swap3A] : memref<256xi32, #tpu.memory_space<smem>>
      %slice3A_113 = vector.extract_strided_slice %get3A_107 {offsets = [1], sizes = [1], strides = [1]} : vector<16xi32> to vector<1xi32>
      %squeeze3A_114 = vector.extract %slice3A_113[0] : i32 from vector<1xi32>
      %mul3A_115 = arith.constant 16 : i32
      %mul3A_116 = arith.muli %scan3A_102, %mul3A_115 : i32
      %add3A_117 = arith.constant 1 : i32
      %add3A_118 = arith.addi %mul3A_116, %add3A_117 : i32
      %swap3A_119 = arith.index_cast %add3A_118 : i32 to index
      %swap3A_120 = memref.load %arg8[%swap3A_119] : memref<256xi32, #tpu.memory_space<smem>>
      memref.store %squeeze3A_114, %arg8[%swap3A_119] : memref<256xi32, #tpu.memory_space<smem>>
      %slice3A_121 = vector.extract_strided_slice %get3A_107 {offsets = [2], sizes = [1], strides = [1]} : vector<16xi32> to vector<1xi32>
      %squeeze3A_122 = vector.extract %slice3A_121[0] : i32 from vector<1xi32>
      %mul3A_123 = arith.constant 16 : i32
      %mul3A_124 = arith.muli %scan3A_102, %mul3A_123 : i32
      %add3A_125 = arith.constant 2 : i32
      %add3A_126 = arith.addi %mul3A_124, %add3A_125 : i32
      %swap3A_127 = arith.index_cast %add3A_126 : i32 to index
      %swap3A_128 = memref.load %arg8[%swap3A_127] : memref<256xi32, #tpu.memory_space<smem>>
      memref.store %squeeze3A_122, %arg8[%swap3A_127] : memref<256xi32, #tpu.memory_space<smem>>
      %slice3A_129 = vector.extract_strided_slice %get3A_107 {offsets = [3], sizes = [1], strides = [1]} : vector<16xi32> to vector<1xi32>
      %squeeze3A_130 = vector.extract %slice3A_129[0] : i32 from vector<1xi32>
      %mul3A_131 = arith.constant 16 : i32
      %mul3A_132 = arith.muli %scan3A_102, %mul3A_131 : i32
      %add3A_133 = arith.constant 3 : i32
      %add3A_134 = arith.addi %mul3A_132, %add3A_133 : i32
      %swap3A_135 = arith.index_cast %add3A_134 : i32 to index
      %swap3A_136 = memref.load %arg8[%swap3A_135] : memref<256xi32, #tpu.memory_space<smem>>
      memref.store %squeeze3A_130, %arg8[%swap3A_135] : memref<256xi32, #tpu.memory_space<smem>>
      %slice3A_137 = vector.extract_strided_slice %get3A_107 {offsets = [4], sizes = [1], strides = [1]} : vector<16xi32> to vector<1xi32>
      %squeeze3A_138 = vector.extract %slice3A_137[0] : i32 from vector<1xi32>
      %mul3A_139 = arith.constant 16 : i32
      %mul3A_140 = arith.muli %scan3A_102, %mul3A_139 : i32
      %add3A_141 = arith.constant 4 : i32
      %add3A_142 = arith.addi %mul3A_140, %add3A_141 : i32
      %swap3A_143 = arith.index_cast %add3A_142 : i32 to index
      %swap3A_144 = memref.load %arg8[%swap3A_143] : memref<256xi32, #tpu.memory_space<smem>>
      memref.store %squeeze3A_138, %arg8[%swap3A_143] : memref<256xi32, #tpu.memory_space<smem>>
      %slice3A_145 = vector.extract_strided_slice %get3A_107 {offsets = [5], sizes = [1], strides = [1]} : vector<16xi32> to vector<1xi32>
      %squeeze3A_146 = vector.extract %slice3A_145[0] : i32 from vector<1xi32>
      %mul3A_147 = arith.constant 16 : i32
      %mul3A_148 = arith.muli %scan3A_102, %mul3A_147 : i32
      %add3A_149 = arith.constant 5 : i32
      %add3A_150 = arith.addi %mul3A_148, %add3A_149 : i32
      %swap3A_151 = arith.index_cast %add3A_150 : i32 to index
      %swap3A_152 = memref.load %arg8[%swap3A_151] : memref<256xi32, #tpu.memory_space<smem>>
      memref.store %squeeze3A_146, %arg8[%swap3A_151] : memref<256xi32, #tpu.memory_space<smem>>
      %slice3A_153 = vector.extract_strided_slice %get3A_107 {offsets = [6], sizes = [1], strides = [1]} : vector<16xi32> to vector<1xi32>
      %squeeze3A_154 = vector.extract %slice3A_153[0] : i32 from vector<1xi32>
      %mul3A_155 = arith.constant 16 : i32
      %mul3A_156 = arith.muli %scan3A_102, %mul3A_155 : i32
      %add3A_157 = arith.constant 6 : i32
      %add3A_158 = arith.addi %mul3A_156, %add3A_157 : i32
      %swap3A_159 = arith.index_cast %add3A_158 : i32 to index
      %swap3A_160 = memref.load %arg8[%swap3A_159] : memref<256xi32, #tpu.memory_space<smem>>
      memref.store %squeeze3A_154, %arg8[%swap3A_159] : memref<256xi32, #tpu.memory_space<smem>>
      %slice3A_161 = vector.extract_strided_slice %get3A_107 {offsets = [7], sizes = [1], strides = [1]} : vector<16xi32> to vector<1xi32>
      %squeeze3A_162 = vector.extract %slice3A_161[0] : i32 from vector<1xi32>
      %mul3A_163 = arith.constant 16 : i32
      %mul3A_164 = arith.muli %scan3A_102, %mul3A_163 : i32
      %add3A_165 = arith.constant 7 : i32
      %add3A_166 = arith.addi %mul3A_164, %add3A_165 : i32
      %swap3A_167 = arith.index_cast %add3A_166 : i32 to index
      %swap3A_168 = memref.load %arg8[%swap3A_167] : memref<256xi32, #tpu.memory_space<smem>>
      memref.store %squeeze3A_162, %arg8[%swap3A_167] : memref<256xi32, #tpu.memory_space<smem>>
      %slice3A_169 = vector.extract_strided_slice %get3A_107 {offsets = [8], sizes = [1], strides = [1]} : vector<16xi32> to vector<1xi32>
      %squeeze3A_170 = vector.extract %slice3A_169[0] : i32 from vector<1xi32>
      %mul3A_171 = arith.constant 16 : i32
      %mul3A_172 = arith.muli %scan3A_102, %mul3A_171 : i32
      %add3A_173 = arith.constant 8 : i32
      %add3A_174 = arith.addi %mul3A_172, %add3A_173 : i32
      %swap3A_175 = arith.index_cast %add3A_174 : i32 to index
      %swap3A_176 = memref.load %arg8[%swap3A_175] : memref<256xi32, #tpu.memory_space<smem>>
      memref.store %squeeze3A_170, %arg8[%swap3A_175] : memref<256xi32, #tpu.memory_space<smem>>
      %slice3A_177 = vector.extract_strided_slice %get3A_107 {offsets = [9], sizes = [1], strides = [1]} : vector<16xi32> to vector<1xi32>
      %squeeze3A_178 = vector.extract %slice3A_177[0] : i32 from vector<1xi32>
      %mul3A_179 = arith.constant 16 : i32
      %mul3A_180 = arith.muli %scan3A_102, %mul3A_179 : i32
      %add3A_181 = arith.constant 9 : i32
      %add3A_182 = arith.addi %mul3A_180, %add3A_181 : i32
      %swap3A_183 = arith.index_cast %add3A_182 : i32 to index
      %swap3A_184 = memref.load %arg8[%swap3A_183] : memref<256xi32, #tpu.memory_space<smem>>
      memref.store %squeeze3A_178, %arg8[%swap3A_183] : memref<256xi32, #tpu.memory_space<smem>>
      %slice3A_185 = vector.extract_strided_slice %get3A_107 {offsets = [10], sizes = [1], strides = [1]} : vector<16xi32> to vector<1xi32>
      %squeeze3A_186 = vector.extract %slice3A_185[0] : i32 from vector<1xi32>
      %mul3A_187 = arith.constant 16 : i32
      %mul3A_188 = arith.muli %scan3A_102, %mul3A_187 : i32
      %add3A_189 = arith.constant 10 : i32
      %add3A_190 = arith.addi %mul3A_188, %add3A_189 : i32
      %swap3A_191 = arith.index_cast %add3A_190 : i32 to index
      %swap3A_192 = memref.load %arg8[%swap3A_191] : memref<256xi32, #tpu.memory_space<smem>>
      memref.store %squeeze3A_186, %arg8[%swap3A_191] : memref<256xi32, #tpu.memory_space<smem>>
      %slice3A_193 = vector.extract_strided_slice %get3A_107 {offsets = [11], sizes = [1], strides = [1]} : vector<16xi32> to vector<1xi32>
      %squeeze3A_194 = vector.extract %slice3A_193[0] : i32 from vector<1xi32>
      %mul3A_195 = arith.constant 16 : i32
      %mul3A_196 = arith.muli %scan3A_102, %mul3A_195 : i32
      %add3A_197 = arith.constant 11 : i32
      %add3A_198 = arith.addi %mul3A_196, %add3A_197 : i32
      %swap3A_199 = arith.index_cast %add3A_198 : i32 to index
      %swap3A_200 = memref.load %arg8[%swap3A_199] : memref<256xi32, #tpu.memory_space<smem>>
      memref.store %squeeze3A_194, %arg8[%swap3A_199] : memref<256xi32, #tpu.memory_space<smem>>
      %slice3A_201 = vector.extract_strided_slice %get3A_107 {offsets = [12], sizes = [1], strides = [1]} : vector<16xi32> to vector<1xi32>
      %squeeze3A_202 = vector.extract %slice3A_201[0] : i32 from vector<1xi32>
      %mul3A_203 = arith.constant 16 : i32
      %mul3A_204 = arith.muli %scan3A_102, %mul3A_203 : i32
      %add3A_205 = arith.constant 12 : i32
      %add3A_206 = arith.addi %mul3A_204, %add3A_205 : i32
      %swap3A_207 = arith.index_cast %add3A_206 : i32 to index
      %swap3A_208 = memref.load %arg8[%swap3A_207] : memref<256xi32, #tpu.memory_space<smem>>
      memref.store %squeeze3A_202, %arg8[%swap3A_207] : memref<256xi32, #tpu.memory_space<smem>>
      %slice3A_209 = vector.extract_strided_slice %get3A_107 {offsets = [13], sizes = [1], strides = [1]} : vector<16xi32> to vector<1xi32>
      %squeeze3A_210 = vector.extract %slice3A_209[0] : i32 from vector<1xi32>
      %mul3A_211 = arith.constant 16 : i32
      %mul3A_212 = arith.muli %scan3A_102, %mul3A_211 : i32
      %add3A_213 = arith.constant 13 : i32
      %add3A_214 = arith.addi %mul3A_212, %add3A_213 : i32
      %swap3A_215 = arith.index_cast %add3A_214 : i32 to index
      %swap3A_216 = memref.load %arg8[%swap3A_215] : memref<256xi32, #tpu.memory_space<smem>>
      memref.store %squeeze3A_210, %arg8[%swap3A_215] : memref<256xi32, #tpu.memory_space<smem>>
      %slice3A_217 = vector.extract_strided_slice %get3A_107 {offsets = [14], sizes = [1], strides = [1]} : vector<16xi32> to vector<1xi32>
      %squeeze3A_218 = vector.extract %slice3A_217[0] : i32 from vector<1xi32>
      %mul3A_219 = arith.constant 16 : i32
      %mul3A_220 = arith.muli %scan3A_102, %mul3A_219 : i32
      %add3A_221 = arith.constant 14 : i32
      %add3A_222 = arith.addi %mul3A_220, %add3A_221 : i32
      %swap3A_223 = arith.index_cast %add3A_222 : i32 to index
      %swap3A_224 = memref.load %arg8[%swap3A_223] : memref<256xi32, #tpu.memory_space<smem>>
      memref.store %squeeze3A_218, %arg8[%swap3A_223] : memref<256xi32, #tpu.memory_space<smem>>
      %slice3A_225 = vector.extract_strided_slice %get3A_107 {offsets = [15], sizes = [1], strides = [1]} : vector<16xi32> to vector<1xi32>
      %squeeze3A_226 = vector.extract %slice3A_225[0] : i32 from vector<1xi32>
      %mul3A_227 = arith.constant 16 : i32
      %mul3A_228 = arith.muli %scan3A_102, %mul3A_227 : i32
      %add3A_229 = arith.constant 15 : i32
      %add3A_230 = arith.addi %mul3A_228, %add3A_229 : i32
      %swap3A_231 = arith.index_cast %add3A_230 : i32 to index
      %swap3A_232 = memref.load %arg8[%swap3A_231] : memref<256xi32, #tpu.memory_space<smem>>
      memref.store %squeeze3A_226, %arg8[%swap3A_231] : memref<256xi32, #tpu.memory_space<smem>>
      %scan3A_233 = arith.constant 0 : i32
      scf.yield %scan3A_233 : i32
    }
    %scan3A_36 = arith.constant 16 : i32
    %scan3A_37 = arith.constant 0 : i32
    %scan3A_38 = arith.constant 0 : i32
    %scan3A_39 = arith.constant 256 : i32
    %scan3A_40 = arith.addi %scan3A_38, %scan3A_39 : i32
    %scan3A_41 = arith.constant 1 : i32
    %scan3A_42 = scf.for %scan3A_102 = %scan3A_38 to %scan3A_40 step %scan3A_41 iter_args(%scan3A_103 = %scan3A_37) -> (i32)  : i32 {
      %get3A = arith.index_cast %scan3A_102 : i32 to index
      %get3A_104 = memref.load %arg8[%get3A] : memref<256xi32, #tpu.memory_space<smem>>
      %dma_start3A = arith.constant 0 : i32
      %dma_start3A_105 = tpu.memref_slice %arg12[%scan3A_102, %dma_start3A] : memref<256x64xf32, #tpu.memory_space<vmem>> -> memref<1x64xf32, #tpu.memory_space<vmem>>
      %dma_start3A_106 = arith.constant 0 : i32
      %dma_start3A_107 = tpu.memref_slice %arg6[%get3A_104, %dma_start3A_106] : memref<1015808x64xf32, #tpu.memory_space<hbm>> -> memref<1x64xf32, #tpu.memory_space<hbm>>
      %dma_start3A_108 = arith.constant 0 : i32
      %dma_start3A_109 = tpu.memref_slice %arg12[%scan3A_102, %dma_start3A_108] : memref<256x64xf32, #tpu.memory_space<vmem>> -> memref<1x64xf32, #tpu.memory_space<vmem>>
      %dma_start3A_110 = arith.constant 0 : i32
      %dma_start3A_111 = tpu.memref_slice %arg6[%get3A_104, %dma_start3A_110] : memref<1015808x64xf32, #tpu.memory_space<hbm>> -> memref<1x64xf32, #tpu.memory_space<hbm>>
      tpu.enqueue_dma source(%dma_start3A_111 : memref<1x64xf32, #tpu.memory_space<hbm>>) target(%dma_start3A_109 : memref<1x64xf32, #tpu.memory_space<vmem>>) target_semaphore(%arg15 : memref<!tpu.dma_semaphore, #tpu.memory_space<semaphore_mem>>)
      %scan3A_112 = arith.constant 0 : i32
      scf.yield %scan3A_112 : i32
    }
    %scan3A_43 = arith.constant 256 : i32
    %dma_wait3A = arith.constant 0 : i32
    %dma_wait3A_44 = arith.constant 0 : i32
    %dma_wait3A_45 = tpu.memref_slice %arg6[%dma_wait3A, %dma_wait3A_44] : memref<1015808x64xf32, #tpu.memory_space<hbm>> -> memref<256x64xf32, #tpu.memory_space<hbm>>
    %dma_wait3A_46 = arith.constant 0 : i32
    %dma_wait3A_47 = arith.constant 0 : i32
    %dma_wait3A_48 = tpu.memref_slice %arg6[%dma_wait3A_46, %dma_wait3A_47] : memref<1015808x64xf32, #tpu.memory_space<hbm>> -> memref<256x64xf32, #tpu.memory_space<hbm>>
    tpu.wait_dma2 semaphore(%arg13 : memref<!tpu.dma_semaphore, #tpu.memory_space<semaphore_mem>>) src(%dma_wait3A_48 : memref<256x64xf32, #tpu.memory_space<hbm>>) dst(%arg10 : memref<256x64xf32, #tpu.memory_space<vmem>>)
    %dma_wait3A_49 = arith.constant 0 : i32
    %dma_wait3A_50 = arith.constant 0 : i32
    %dma_wait3A_51 = tpu.memref_slice %arg6[%dma_wait3A_49, %dma_wait3A_50] : memref<1015808x64xf32, #tpu.memory_space<hbm>> -> memref<256x64xf32, #tpu.memory_space<hbm>>
    %dma_wait3A_52 = arith.constant 0 : i32
    %dma_wait3A_53 = arith.constant 0 : i32
    %dma_wait3A_54 = tpu.memref_slice %arg6[%dma_wait3A_52, %dma_wait3A_53] : memref<1015808x64xf32, #tpu.memory_space<hbm>> -> memref<256x64xf32, #tpu.memory_space<hbm>>
    tpu.wait_dma2 semaphore(%arg14 : memref<!tpu.dma_semaphore, #tpu.memory_space<semaphore_mem>>) src(%dma_wait3A_54 : memref<256x64xf32, #tpu.memory_space<hbm>>) dst(%arg11 : memref<256x64xf32, #tpu.memory_space<vmem>>)
    %scan3A_55 = arith.constant 0 : i32
    %scan3A_56 = arith.constant 0 : i32
    %scan3A_57 = arith.constant 256 : i32
    %scan3A_58 = arith.addi %scan3A_56, %scan3A_57 : i32
    %scan3A_59 = arith.constant 1 : i32
    %scan3A_60 = scf.for %scan3A_102 = %scan3A_56 to %scan3A_58 step %scan3A_59 iter_args(%scan3A_103 = %scan3A_55) -> (i32)  : i32 {
      %get3A = arith.index_cast %scan3A_102 : i32 to index
      %get3A_104 = arith.constant 0 : index
      %get3A_105 = tpu.vector_load %arg11[%get3A, %get3A_104] {strides = array<i32>} : memref<256x64xf32, #tpu.memory_space<vmem>>, vector<1x16xf32>,
      %get3A_106 = vector.shape_cast %get3A_105 : vector<1x16xf32> to vector<16xf32>
      %swap3A = arith.index_cast %scan3A_102 : i32 to index
      %swap3A_107 = arith.constant 0 : index
      %swap3A_108 = tpu.vector_load %arg10[%swap3A, %swap3A_107] {strides = array<i32>} : memref<256x64xf32, #tpu.memory_space<vmem>>, vector<1x16xf32>,
      %swap3A_109 = vector.shape_cast %swap3A_108 : vector<1x16xf32> to vector<16xf32>
      %swap3A_110 = vector.shape_cast %get3A_106 : vector<16xf32> to vector<1x16xf32>
      tpu.vector_store %arg10[%swap3A, %swap3A_107], %swap3A_110 {add = true, strides = array<i32>} : memref<256x64xf32, #tpu.memory_space<vmem>>, vector<1x16xf32>,
      %get3A_111 = arith.index_cast %scan3A_102 : i32 to index
      %get3A_112 = arith.constant 16 : index
      %get3A_113 = tpu.vector_load %arg11[%get3A_111, %get3A_112] {strides = array<i32>} : memref<256x64xf32, #tpu.memory_space<vmem>>, vector<1x16xf32>,
      %get3A_114 = vector.shape_cast %get3A_113 : vector<1x16xf32> to vector<16xf32>
      %swap3A_115 = arith.index_cast %scan3A_102 : i32 to index
      %swap3A_116 = arith.constant 16 : index
      %swap3A_117 = tpu.vector_load %arg10[%swap3A_115, %swap3A_116] {strides = array<i32>} : memref<256x64xf32, #tpu.memory_space<vmem>>, vector<1x16xf32>,
      %swap3A_118 = vector.shape_cast %swap3A_117 : vector<1x16xf32> to vector<16xf32>
      %swap3A_119 = vector.shape_cast %get3A_114 : vector<16xf32> to vector<1x16xf32>
      tpu.vector_store %arg10[%swap3A_115, %swap3A_116], %swap3A_119 {add = true, strides = array<i32>} : memref<256x64xf32, #tpu.memory_space<vmem>>, vector<1x16xf32>,
      %get3A_120 = arith.index_cast %scan3A_102 : i32 to index
      %get3A_121 = arith.constant 32 : index
      %get3A_122 = tpu.vector_load %arg11[%get3A_120, %get3A_121] {strides = array<i32>} : memref<256x64xf32, #tpu.memory_space<vmem>>, vector<1x16xf32>,
      %get3A_123 = vector.shape_cast %get3A_122 : vector<1x16xf32> to vector<16xf32>
      %swap3A_124 = arith.index_cast %scan3A_102 : i32 to index
      %swap3A_125 = arith.constant 32 : index
      %swap3A_126 = tpu.vector_load %arg10[%swap3A_124, %swap3A_125] {strides = array<i32>} : memref<256x64xf32, #tpu.memory_space<vmem>>, vector<1x16xf32>,
      %swap3A_127 = vector.shape_cast %swap3A_126 : vector<1x16xf32> to vector<16xf32>
      %swap3A_128 = vector.shape_cast %get3A_123 : vector<16xf32> to vector<1x16xf32>
      tpu.vector_store %arg10[%swap3A_124, %swap3A_125], %swap3A_128 {add = true, strides = array<i32>} : memref<256x64xf32, #tpu.memory_space<vmem>>, vector<1x16xf32>,
      %get3A_129 = arith.index_cast %scan3A_102 : i32 to index
      %get3A_130 = arith.constant 48 : index
      %get3A_131 = tpu.vector_load %arg11[%get3A_129, %get3A_130] {strides = array<i32>} : memref<256x64xf32, #tpu.memory_space<vmem>>, vector<1x16xf32>,
      %get3A_132 = vector.shape_cast %get3A_131 : vector<1x16xf32> to vector<16xf32>
      %swap3A_133 = arith.index_cast %scan3A_102 : i32 to index
      %swap3A_134 = arith.constant 48 : index
      %swap3A_135 = tpu.vector_load %arg10[%swap3A_133, %swap3A_134] {strides = array<i32>} : memref<256x64xf32, #tpu.memory_space<vmem>>, vector<1x16xf32>,
      %swap3A_136 = vector.shape_cast %swap3A_135 : vector<1x16xf32> to vector<16xf32>
      %swap3A_137 = vector.shape_cast %get3A_132 : vector<16xf32> to vector<1x16xf32>
      tpu.vector_store %arg10[%swap3A_133, %swap3A_134], %swap3A_137 {add = true, strides = array<i32>} : memref<256x64xf32, #tpu.memory_space<vmem>>, vector<1x16xf32>,
      %scan3A_138 = arith.constant 0 : i32
      scf.yield %scan3A_138 : i32
    }
    %scan3A_61 = arith.constant 256 : i32
    %dma_wait3A_62 = arith.constant 0 : i32
    %dma_wait3A_63 = arith.constant 0 : i32
    %dma_wait3A_64 = tpu.memref_slice %arg6[%dma_wait3A_62, %dma_wait3A_63] : memref<1015808x64xf32, #tpu.memory_space<hbm>> -> memref<256x64xf32, #tpu.memory_space<hbm>>
    %dma_wait3A_65 = arith.constant 0 : i32
    %dma_wait3A_66 = arith.constant 0 : i32
    %dma_wait3A_67 = tpu.memref_slice %arg6[%dma_wait3A_65, %dma_wait3A_66] : memref<1015808x64xf32, #tpu.memory_space<hbm>> -> memref<256x64xf32, #tpu.memory_space<hbm>>
    tpu.wait_dma2 semaphore(%arg15 : memref<!tpu.dma_semaphore, #tpu.memory_space<semaphore_mem>>) src(%dma_wait3A_67 : memref<256x64xf32, #tpu.memory_space<hbm>>) dst(%arg12 : memref<256x64xf32, #tpu.memory_space<vmem>>)
    "tpu.region"() ({
      %run_scoped3A = tpu.sem_alloc : memref<!tpu.dma_semaphore, #tpu.memory_space<semaphore_mem>>
      %dma_start3A = tpu.memref_slice %arg5[%mul3A_2] : memref<8192xi32, #tpu.memory_space<hbm>> -> memref<256xi32, #tpu.memory_space<hbm>>
      %dma_start3A_102 = tpu.memref_slice %arg5[%mul3A_2] : memref<8192xi32, #tpu.memory_space<hbm>> -> memref<256xi32, #tpu.memory_space<hbm>>
      tpu.enqueue_dma source(%dma_start3A_102 : memref<256xi32, #tpu.memory_space<hbm>>) target(%arg9 : memref<256xi32, #tpu.memory_space<vmem>>) target_semaphore(%run_scoped3A : memref<!tpu.dma_semaphore, #tpu.memory_space<semaphore_mem>>)
      %dma_wait3A_103 = tpu.memref_slice %arg5[%mul3A_2] : memref<8192xi32, #tpu.memory_space<hbm>> -> memref<256xi32, #tpu.memory_space<hbm>>
      %dma_wait3A_104 = tpu.memref_slice %arg5[%mul3A_2] : memref<8192xi32, #tpu.memory_space<hbm>> -> memref<256xi32, #tpu.memory_space<hbm>>
      tpu.wait_dma2 semaphore(%run_scoped3A : memref<!tpu.dma_semaphore, #tpu.memory_space<semaphore_mem>>) src(%dma_wait3A_104 : memref<256xi32, #tpu.memory_space<hbm>>) dst(%arg9 : memref<256xi32, #tpu.memory_space<vmem>>)
      tpu.yield
    }) : () -> ()
    %scan3A_68 = arith.constant 0 : i32
    %scan3A_69 = arith.constant 0 : i32
    %scan3A_70 = arith.constant 16 : i32
    %scan3A_71 = arith.addi %scan3A_69, %scan3A_70 : i32
    %scan3A_72 = arith.constant 1 : i32
    %scan3A_73 = scf.for %scan3A_102 = %scan3A_69 to %scan3A_71 step %scan3A_72 iter_args(%scan3A_103 = %scan3A_68) -> (i32)  : i32 {
      %mul3A_104 = arith.constant 16 : i32
      %mul3A_105 = arith.muli %scan3A_102, %mul3A_104 : i32
      %get3A = arith.index_cast %mul3A_105 : i32 to index
      %get3A_106 = tpu.vector_load %arg9[%get3A] {strides = array<i32>} : memref<256xi32, #tpu.memory_space<vmem>>, vector<16xi32>,
      %get3A_107 = vector.shape_cast %get3A_106 : vector<16xi32> to vector<16xi32>
      %slice3A = vector.extract_strided_slice %get3A_107 {offsets = [0], sizes = [1], strides = [1]} : vector<16xi32> to vector<1xi32>
      %squeeze3A = vector.extract %slice3A[0] : i32 from vector<1xi32>
      %mul3A_108 = arith.constant 16 : i32
      %mul3A_109 = arith.muli %scan3A_102, %mul3A_108 : i32
      %add3A_110 = arith.constant 0 : i32
      %add3A_111 = arith.addi %mul3A_109, %add3A_110 : i32
      %swap3A = arith.index_cast %add3A_111 : i32 to index
      %swap3A_112 = memref.load %arg8[%swap3A] : memref<256xi32, #tpu.memory_space<smem>>
      memref.store %squeeze3A, %arg8[%swap3A] : memref<256xi32, #tpu.memory_space<smem>>
      %slice3A_113 = vector.extract_strided_slice %get3A_107 {offsets = [1], sizes = [1], strides = [1]} : vector<16xi32> to vector<1xi32>
      %squeeze3A_114 = vector.extract %slice3A_113[0] : i32 from vector<1xi32>
      %mul3A_115 = arith.constant 16 : i32
      %mul3A_116 = arith.muli %scan3A_102, %mul3A_115 : i32
      %add3A_117 = arith.constant 1 : i32
      %add3A_118 = arith.addi %mul3A_116, %add3A_117 : i32
      %swap3A_119 = arith.index_cast %add3A_118 : i32 to index
      %swap3A_120 = memref.load %arg8[%swap3A_119] : memref<256xi32, #tpu.memory_space<smem>>
      memref.store %squeeze3A_114, %arg8[%swap3A_119] : memref<256xi32, #tpu.memory_space<smem>>
      %slice3A_121 = vector.extract_strided_slice %get3A_107 {offsets = [2], sizes = [1], strides = [1]} : vector<16xi32> to vector<1xi32>
      %squeeze3A_122 = vector.extract %slice3A_121[0] : i32 from vector<1xi32>
      %mul3A_123 = arith.constant 16 : i32
      %mul3A_124 = arith.muli %scan3A_102, %mul3A_123 : i32
      %add3A_125 = arith.constant 2 : i32
      %add3A_126 = arith.addi %mul3A_124, %add3A_125 : i32
      %swap3A_127 = arith.index_cast %add3A_126 : i32 to index
      %swap3A_128 = memref.load %arg8[%swap3A_127] : memref<256xi32, #tpu.memory_space<smem>>
      memref.store %squeeze3A_122, %arg8[%swap3A_127] : memref<256xi32, #tpu.memory_space<smem>>
      %slice3A_129 = vector.extract_strided_slice %get3A_107 {offsets = [3], sizes = [1], strides = [1]} : vector<16xi32> to vector<1xi32>
      %squeeze3A_130 = vector.extract %slice3A_129[0] : i32 from vector<1xi32>
      %mul3A_131 = arith.constant 16 : i32
      %mul3A_132 = arith.muli %scan3A_102, %mul3A_131 : i32
      %add3A_133 = arith.constant 3 : i32
      %add3A_134 = arith.addi %mul3A_132, %add3A_133 : i32
      %swap3A_135 = arith.index_cast %add3A_134 : i32 to index
      %swap3A_136 = memref.load %arg8[%swap3A_135] : memref<256xi32, #tpu.memory_space<smem>>
      memref.store %squeeze3A_130, %arg8[%swap3A_135] : memref<256xi32, #tpu.memory_space<smem>>
      %slice3A_137 = vector.extract_strided_slice %get3A_107 {offsets = [4], sizes = [1], strides = [1]} : vector<16xi32> to vector<1xi32>
      %squeeze3A_138 = vector.extract %slice3A_137[0] : i32 from vector<1xi32>
      %mul3A_139 = arith.constant 16 : i32
      %mul3A_140 = arith.muli %scan3A_102, %mul3A_139 : i32
      %add3A_141 = arith.constant 4 : i32
      %add3A_142 = arith.addi %mul3A_140, %add3A_141 : i32
      %swap3A_143 = arith.index_cast %add3A_142 : i32 to index
      %swap3A_144 = memref.load %arg8[%swap3A_143] : memref<256xi32, #tpu.memory_space<smem>>
      memref.store %squeeze3A_138, %arg8[%swap3A_143] : memref<256xi32, #tpu.memory_space<smem>>
      %slice3A_145 = vector.extract_strided_slice %get3A_107 {offsets = [5], sizes = [1], strides = [1]} : vector<16xi32> to vector<1xi32>
      %squeeze3A_146 = vector.extract %slice3A_145[0] : i32 from vector<1xi32>
      %mul3A_147 = arith.constant 16 : i32
      %mul3A_148 = arith.muli %scan3A_102, %mul3A_147 : i32
      %add3A_149 = arith.constant 5 : i32
      %add3A_150 = arith.addi %mul3A_148, %add3A_149 : i32
      %swap3A_151 = arith.index_cast %add3A_150 : i32 to index
      %swap3A_152 = memref.load %arg8[%swap3A_151] : memref<256xi32, #tpu.memory_space<smem>>
      memref.store %squeeze3A_146, %arg8[%swap3A_151] : memref<256xi32, #tpu.memory_space<smem>>
      %slice3A_153 = vector.extract_strided_slice %get3A_107 {offsets = [6], sizes = [1], strides = [1]} : vector<16xi32> to vector<1xi32>
      %squeeze3A_154 = vector.extract %slice3A_153[0] : i32 from vector<1xi32>
      %mul3A_155 = arith.constant 16 : i32
      %mul3A_156 = arith.muli %scan3A_102, %mul3A_155 : i32
      %add3A_157 = arith.constant 6 : i32
      %add3A_158 = arith.addi %mul3A_156, %add3A_157 : i32
      %swap3A_159 = arith.index_cast %add3A_158 : i32 to index
      %swap3A_160 = memref.load %arg8[%swap3A_159] : memref<256xi32, #tpu.memory_space<smem>>
      memref.store %squeeze3A_154, %arg8[%swap3A_159] : memref<256xi32, #tpu.memory_space<smem>>
      %slice3A_161 = vector.extract_strided_slice %get3A_107 {offsets = [7], sizes = [1], strides = [1]} : vector<16xi32> to vector<1xi32>
      %squeeze3A_162 = vector.extract %slice3A_161[0] : i32 from vector<1xi32>
      %mul3A_163 = arith.constant 16 : i32
      %mul3A_164 = arith.muli %scan3A_102, %mul3A_163 : i32
      %add3A_165 = arith.constant 7 : i32
      %add3A_166 = arith.addi %mul3A_164, %add3A_165 : i32
      %swap3A_167 = arith.index_cast %add3A_166 : i32 to index
      %swap3A_168 = memref.load %arg8[%swap3A_167] : memref<256xi32, #tpu.memory_space<smem>>
      memref.store %squeeze3A_162, %arg8[%swap3A_167] : memref<256xi32, #tpu.memory_space<smem>>
      %slice3A_169 = vector.extract_strided_slice %get3A_107 {offsets = [8], sizes = [1], strides = [1]} : vector<16xi32> to vector<1xi32>
      %squeeze3A_170 = vector.extract %slice3A_169[0] : i32 from vector<1xi32>
      %mul3A_171 = arith.constant 16 : i32
      %mul3A_172 = arith.muli %scan3A_102, %mul3A_171 : i32
      %add3A_173 = arith.constant 8 : i32
      %add3A_174 = arith.addi %mul3A_172, %add3A_173 : i32
      %swap3A_175 = arith.index_cast %add3A_174 : i32 to index
      %swap3A_176 = memref.load %arg8[%swap3A_175] : memref<256xi32, #tpu.memory_space<smem>>
      memref.store %squeeze3A_170, %arg8[%swap3A_175] : memref<256xi32, #tpu.memory_space<smem>>
      %slice3A_177 = vector.extract_strided_slice %get3A_107 {offsets = [9], sizes = [1], strides = [1]} : vector<16xi32> to vector<1xi32>
      %squeeze3A_178 = vector.extract %slice3A_177[0] : i32 from vector<1xi32>
      %mul3A_179 = arith.constant 16 : i32
      %mul3A_180 = arith.muli %scan3A_102, %mul3A_179 : i32
      %add3A_181 = arith.constant 9 : i32
      %add3A_182 = arith.addi %mul3A_180, %add3A_181 : i32
      %swap3A_183 = arith.index_cast %add3A_182 : i32 to index
      %swap3A_184 = memref.load %arg8[%swap3A_183] : memref<256xi32, #tpu.memory_space<smem>>
      memref.store %squeeze3A_178, %arg8[%swap3A_183] : memref<256xi32, #tpu.memory_space<smem>>
      %slice3A_185 = vector.extract_strided_slice %get3A_107 {offsets = [10], sizes = [1], strides = [1]} : vector<16xi32> to vector<1xi32>
      %squeeze3A_186 = vector.extract %slice3A_185[0] : i32 from vector<1xi32>
      %mul3A_187 = arith.constant 16 : i32
      %mul3A_188 = arith.muli %scan3A_102, %mul3A_187 : i32
      %add3A_189 = arith.constant 10 : i32
      %add3A_190 = arith.addi %mul3A_188, %add3A_189 : i32
      %swap3A_191 = arith.index_cast %add3A_190 : i32 to index
      %swap3A_192 = memref.load %arg8[%swap3A_191] : memref<256xi32, #tpu.memory_space<smem>>
      memref.store %squeeze3A_186, %arg8[%swap3A_191] : memref<256xi32, #tpu.memory_space<smem>>
      %slice3A_193 = vector.extract_strided_slice %get3A_107 {offsets = [11], sizes = [1], strides = [1]} : vector<16xi32> to vector<1xi32>
      %squeeze3A_194 = vector.extract %slice3A_193[0] : i32 from vector<1xi32>
      %mul3A_195 = arith.constant 16 : i32
      %mul3A_196 = arith.muli %scan3A_102, %mul3A_195 : i32
      %add3A_197 = arith.constant 11 : i32
      %add3A_198 = arith.addi %mul3A_196, %add3A_197 : i32
      %swap3A_199 = arith.index_cast %add3A_198 : i32 to index
      %swap3A_200 = memref.load %arg8[%swap3A_199] : memref<256xi32, #tpu.memory_space<smem>>
      memref.store %squeeze3A_194, %arg8[%swap3A_199] : memref<256xi32, #tpu.memory_space<smem>>
      %slice3A_201 = vector.extract_strided_slice %get3A_107 {offsets = [12], sizes = [1], strides = [1]} : vector<16xi32> to vector<1xi32>
      %squeeze3A_202 = vector.extract %slice3A_201[0] : i32 from vector<1xi32>
      %mul3A_203 = arith.constant 16 : i32
      %mul3A_204 = arith.muli %scan3A_102, %mul3A_203 : i32
      %add3A_205 = arith.constant 12 : i32
      %add3A_206 = arith.addi %mul3A_204, %add3A_205 : i32
      %swap3A_207 = arith.index_cast %add3A_206 : i32 to index
      %swap3A_208 = memref.load %arg8[%swap3A_207] : memref<256xi32, #tpu.memory_space<smem>>
      memref.store %squeeze3A_202, %arg8[%swap3A_207] : memref<256xi32, #tpu.memory_space<smem>>
      %slice3A_209 = vector.extract_strided_slice %get3A_107 {offsets = [13], sizes = [1], strides = [1]} : vector<16xi32> to vector<1xi32>
      %squeeze3A_210 = vector.extract %slice3A_209[0] : i32 from vector<1xi32>
      %mul3A_211 = arith.constant 16 : i32
      %mul3A_212 = arith.muli %scan3A_102, %mul3A_211 : i32
      %add3A_213 = arith.constant 13 : i32
      %add3A_214 = arith.addi %mul3A_212, %add3A_213 : i32
      %swap3A_215 = arith.index_cast %add3A_214 : i32 to index
      %swap3A_216 = memref.load %arg8[%swap3A_215] : memref<256xi32, #tpu.memory_space<smem>>
      memref.store %squeeze3A_210, %arg8[%swap3A_215] : memref<256xi32, #tpu.memory_space<smem>>
      %slice3A_217 = vector.extract_strided_slice %get3A_107 {offsets = [14], sizes = [1], strides = [1]} : vector<16xi32> to vector<1xi32>
      %squeeze3A_218 = vector.extract %slice3A_217[0] : i32 from vector<1xi32>
      %mul3A_219 = arith.constant 16 : i32
      %mul3A_220 = arith.muli %scan3A_102, %mul3A_219 : i32
      %add3A_221 = arith.constant 14 : i32
      %add3A_222 = arith.addi %mul3A_220, %add3A_221 : i32
      %swap3A_223 = arith.index_cast %add3A_222 : i32 to index
      %swap3A_224 = memref.load %arg8[%swap3A_223] : memref<256xi32, #tpu.memory_space<smem>>
      memref.store %squeeze3A_218, %arg8[%swap3A_223] : memref<256xi32, #tpu.memory_space<smem>>
      %slice3A_225 = vector.extract_strided_slice %get3A_107 {offsets = [15], sizes = [1], strides = [1]} : vector<16xi32> to vector<1xi32>
      %squeeze3A_226 = vector.extract %slice3A_225[0] : i32 from vector<1xi32>
      %mul3A_227 = arith.constant 16 : i32
      %mul3A_228 = arith.muli %scan3A_102, %mul3A_227 : i32
      %add3A_229 = arith.constant 15 : i32
      %add3A_230 = arith.addi %mul3A_228, %add3A_229 : i32
      %swap3A_231 = arith.index_cast %add3A_230 : i32 to index
      %swap3A_232 = memref.load %arg8[%swap3A_231] : memref<256xi32, #tpu.memory_space<smem>>
      memref.store %squeeze3A_226, %arg8[%swap3A_231] : memref<256xi32, #tpu.memory_space<smem>>
      %scan3A_233 = arith.constant 0 : i32
      scf.yield %scan3A_233 : i32
    }
    %scan3A_74 = arith.constant 16 : i32
    %scan3A_75 = arith.constant 0 : i32
    %scan3A_76 = arith.constant 0 : i32
    %scan3A_77 = arith.constant 256 : i32
    %scan3A_78 = arith.addi %scan3A_76, %scan3A_77 : i32
    %scan3A_79 = arith.constant 1 : i32
    %scan3A_80 = scf.for %scan3A_102 = %scan3A_76 to %scan3A_78 step %scan3A_79 iter_args(%scan3A_103 = %scan3A_75) -> (i32)  : i32 {
      %get3A = arith.index_cast %scan3A_102 : i32 to index
      %get3A_104 = memref.load %arg8[%get3A] : memref<256xi32, #tpu.memory_space<smem>>
      %dma_start3A = arith.constant 0 : i32
      %dma_start3A_105 = tpu.memref_slice %arg11[%scan3A_102, %dma_start3A] : memref<256x64xf32, #tpu.memory_space<vmem>> -> memref<1x64xf32, #tpu.memory_space<vmem>>
      %dma_start3A_106 = arith.constant 0 : i32
      %dma_start3A_107 = tpu.memref_slice %arg6[%get3A_104, %dma_start3A_106] : memref<1015808x64xf32, #tpu.memory_space<hbm>> -> memref<1x64xf32, #tpu.memory_space<hbm>>
      %dma_start3A_108 = arith.constant 0 : i32
      %dma_start3A_109 = tpu.memref_slice %arg11[%scan3A_102, %dma_start3A_108] : memref<256x64xf32, #tpu.memory_space<vmem>> -> memref<1x64xf32, #tpu.memory_space<vmem>>
      %dma_start3A_110 = arith.constant 0 : i32
      %dma_start3A_111 = tpu.memref_slice %arg6[%get3A_104, %dma_start3A_110] : memref<1015808x64xf32, #tpu.memory_space<hbm>> -> memref<1x64xf32, #tpu.memory_space<hbm>>
      tpu.enqueue_dma source(%dma_start3A_111 : memref<1x64xf32, #tpu.memory_space<hbm>>) target(%dma_start3A_109 : memref<1x64xf32, #tpu.memory_space<vmem>>) target_semaphore(%arg14 : memref<!tpu.dma_semaphore, #tpu.memory_space<semaphore_mem>>)
      %scan3A_112 = arith.constant 0 : i32
      scf.yield %scan3A_112 : i32
    }
    %scan3A_81 = arith.constant 256 : i32
    %scan3A_82 = arith.constant 0 : i32
    %scan3A_83 = arith.constant 0 : i32
    %scan3A_84 = arith.constant 256 : i32
    %scan3A_85 = arith.addi %scan3A_83, %scan3A_84 : i32
    %scan3A_86 = arith.constant 1 : i32
    %scan3A_87 = scf.for %scan3A_102 = %scan3A_83 to %scan3A_85 step %scan3A_86 iter_args(%scan3A_103 = %scan3A_82) -> (i32)  : i32 {
      %get3A = arith.index_cast %scan3A_102 : i32 to index
      %get3A_104 = arith.constant 0 : index
      %get3A_105 = tpu.vector_load %arg12[%get3A, %get3A_104] {strides = array<i32>} : memref<256x64xf32, #tpu.memory_space<vmem>>, vector<1x16xf32>,
      %get3A_106 = vector.shape_cast %get3A_105 : vector<1x16xf32> to vector<16xf32>
      %swap3A = arith.index_cast %scan3A_102 : i32 to index
      %swap3A_107 = arith.constant 0 : index
      %swap3A_108 = tpu.vector_load %arg10[%swap3A, %swap3A_107] {strides = array<i32>} : memref<256x64xf32, #tpu.memory_space<vmem>>, vector<1x16xf32>,
      %swap3A_109 = vector.shape_cast %swap3A_108 : vector<1x16xf32> to vector<16xf32>
      %swap3A_110 = vector.shape_cast %get3A_106 : vector<16xf32> to vector<1x16xf32>
      tpu.vector_store %arg10[%swap3A, %swap3A_107], %swap3A_110 {add = true, strides = array<i32>} : memref<256x64xf32, #tpu.memory_space<vmem>>, vector<1x16xf32>,
      %get3A_111 = arith.index_cast %scan3A_102 : i32 to index
      %get3A_112 = arith.constant 16 : index
      %get3A_113 = tpu.vector_load %arg12[%get3A_111, %get3A_112] {strides = array<i32>} : memref<256x64xf32, #tpu.memory_space<vmem>>, vector<1x16xf32>,
      %get3A_114 = vector.shape_cast %get3A_113 : vector<1x16xf32> to vector<16xf32>
      %swap3A_115 = arith.index_cast %scan3A_102 : i32 to index
      %swap3A_116 = arith.constant 16 : index
      %swap3A_117 = tpu.vector_load %arg10[%swap3A_115, %swap3A_116] {strides = array<i32>} : memref<256x64xf32, #tpu.memory_space<vmem>>, vector<1x16xf32>,
      %swap3A_118 = vector.shape_cast %swap3A_117 : vector<1x16xf32> to vector<16xf32>
      %swap3A_119 = vector.shape_cast %get3A_114 : vector<16xf32> to vector<1x16xf32>
      tpu.vector_store %arg10[%swap3A_115, %swap3A_116], %swap3A_119 {add = true, strides = array<i32>} : memref<256x64xf32, #tpu.memory_space<vmem>>, vector<1x16xf32>,
      %get3A_120 = arith.index_cast %scan3A_102 : i32 to index
      %get3A_121 = arith.constant 32 : index
      %get3A_122 = tpu.vector_load %arg12[%get3A_120, %get3A_121] {strides = array<i32>} : memref<256x64xf32, #tpu.memory_space<vmem>>, vector<1x16xf32>,
      %get3A_123 = vector.shape_cast %get3A_122 : vector<1x16xf32> to vector<16xf32>
      %swap3A_124 = arith.index_cast %scan3A_102 : i32 to index
      %swap3A_125 = arith.constant 32 : index
      %swap3A_126 = tpu.vector_load %arg10[%swap3A_124, %swap3A_125] {strides = array<i32>} : memref<256x64xf32, #tpu.memory_space<vmem>>, vector<1x16xf32>,
      %swap3A_127 = vector.shape_cast %swap3A_126 : vector<1x16xf32> to vector<16xf32>
      %swap3A_128 = vector.shape_cast %get3A_123 : vector<16xf32> to vector<1x16xf32>
      tpu.vector_store %arg10[%swap3A_124, %swap3A_125], %swap3A_128 {add = true, strides = array<i32>} : memref<256x64xf32, #tpu.memory_space<vmem>>, vector<1x16xf32>,
      %get3A_129 = arith.index_cast %scan3A_102 : i32 to index
      %get3A_130 = arith.constant 48 : index
      %get3A_131 = tpu.vector_load %arg12[%get3A_129, %get3A_130] {strides = array<i32>} : memref<256x64xf32, #tpu.memory_space<vmem>>, vector<1x16xf32>,
      %get3A_132 = vector.shape_cast %get3A_131 : vector<1x16xf32> to vector<16xf32>
      %swap3A_133 = arith.index_cast %scan3A_102 : i32 to index
      %swap3A_134 = arith.constant 48 : index
      %swap3A_135 = tpu.vector_load %arg10[%swap3A_133, %swap3A_134] {strides = array<i32>} : memref<256x64xf32, #tpu.memory_space<vmem>>, vector<1x16xf32>,
      %swap3A_136 = vector.shape_cast %swap3A_135 : vector<1x16xf32> to vector<16xf32>
      %swap3A_137 = vector.shape_cast %get3A_132 : vector<16xf32> to vector<1x16xf32>
      tpu.vector_store %arg10[%swap3A_133, %swap3A_134], %swap3A_137 {add = true, strides = array<i32>} : memref<256x64xf32, #tpu.memory_space<vmem>>, vector<1x16xf32>,
      %scan3A_138 = arith.constant 0 : i32
      scf.yield %scan3A_138 : i32
    }
    %scan3A_88 = arith.constant 256 : i32
    %dma_wait3A_89 = arith.constant 0 : i32
    %dma_wait3A_90 = arith.constant 0 : i32
    %dma_wait3A_91 = tpu.memref_slice %arg6[%dma_wait3A_89, %dma_wait3A_90] : memref<1015808x64xf32, #tpu.memory_space<hbm>> -> memref<256x64xf32, #tpu.memory_space<hbm>>
    %dma_wait3A_92 = arith.constant 0 : i32
    %dma_wait3A_93 = arith.constant 0 : i32
    %dma_wait3A_94 = tpu.memref_slice %arg6[%dma_wait3A_92, %dma_wait3A_93] : memref<1015808x64xf32, #tpu.memory_space<hbm>> -> memref<256x64xf32, #tpu.memory_space<hbm>>
    tpu.wait_dma2 semaphore(%arg14 : memref<!tpu.dma_semaphore, #tpu.memory_space<semaphore_mem>>) src(%dma_wait3A_94 : memref<256x64xf32, #tpu.memory_space<hbm>>) dst(%arg11 : memref<256x64xf32, #tpu.memory_space<vmem>>)
    %scan3A_95 = arith.constant 0 : i32
    %scan3A_96 = arith.constant 0 : i32
    %scan3A_97 = arith.constant 256 : i32
    %scan3A_98 = arith.addi %scan3A_96, %scan3A_97 : i32
    %scan3A_99 = arith.constant 1 : i32
    %scan3A_100 = scf.for %scan3A_102 = %scan3A_96 to %scan3A_98 step %scan3A_99 iter_args(%scan3A_103 = %scan3A_95) -> (i32)  : i32 {
      %get3A = arith.index_cast %scan3A_102 : i32 to index
      %get3A_104 = arith.constant 0 : index
      %get3A_105 = tpu.vector_load %arg11[%get3A, %get3A_104] {strides = array<i32>} : memref<256x64xf32, #tpu.memory_space<vmem>>, vector<1x16xf32>,
      %get3A_106 = vector.shape_cast %get3A_105 : vector<1x16xf32> to vector<16xf32>
      %swap3A = arith.index_cast %scan3A_102 : i32 to index
      %swap3A_107 = arith.constant 0 : index
      %swap3A_108 = tpu.vector_load %arg10[%swap3A, %swap3A_107] {strides = array<i32>} : memref<256x64xf32, #tpu.memory_space<vmem>>, vector<1x16xf32>,
      %swap3A_109 = vector.shape_cast %swap3A_108 : vector<1x16xf32> to vector<16xf32>
      %swap3A_110 = vector.shape_cast %get3A_106 : vector<16xf32> to vector<1x16xf32>
      tpu.vector_store %arg10[%swap3A, %swap3A_107], %swap3A_110 {add = true, strides = array<i32>} : memref<256x64xf32, #tpu.memory_space<vmem>>, vector<1x16xf32>,
      %get3A_111 = arith.index_cast %scan3A_102 : i32 to index
      %get3A_112 = arith.constant 16 : index
      %get3A_113 = tpu.vector_load %arg11[%get3A_111, %get3A_112] {strides = array<i32>} : memref<256x64xf32, #tpu.memory_space<vmem>>, vector<1x16xf32>,
      %get3A_114 = vector.shape_cast %get3A_113 : vector<1x16xf32> to vector<16xf32>
      %swap3A_115 = arith.index_cast %scan3A_102 : i32 to index
      %swap3A_116 = arith.constant 16 : index
      %swap3A_117 = tpu.vector_load %arg10[%swap3A_115, %swap3A_116] {strides = array<i32>} : memref<256x64xf32, #tpu.memory_space<vmem>>, vector<1x16xf32>,
      %swap3A_118 = vector.shape_cast %swap3A_117 : vector<1x16xf32> to vector<16xf32>
      %swap3A_119 = vector.shape_cast %get3A_114 : vector<16xf32> to vector<1x16xf32>
      tpu.vector_store %arg10[%swap3A_115, %swap3A_116], %swap3A_119 {add = true, strides = array<i32>} : memref<256x64xf32, #tpu.memory_space<vmem>>, vector<1x16xf32>,
      %get3A_120 = arith.index_cast %scan3A_102 : i32 to index
      %get3A_121 = arith.constant 32 : index
      %get3A_122 = tpu.vector_load %arg11[%get3A_120, %get3A_121] {strides = array<i32>} : memref<256x64xf32, #tpu.memory_space<vmem>>, vector<1x16xf32>,
      %get3A_123 = vector.shape_cast %get3A_122 : vector<1x16xf32> to vector<16xf32>
      %swap3A_124 = arith.index_cast %scan3A_102 : i32 to index
      %swap3A_125 = arith.constant 32 : index
      %swap3A_126 = tpu.vector_load %arg10[%swap3A_124, %swap3A_125] {strides = array<i32>} : memref<256x64xf32, #tpu.memory_space<vmem>>, vector<1x16xf32>,
      %swap3A_127 = vector.shape_cast %swap3A_126 : vector<1x16xf32> to vector<16xf32>
      %swap3A_128 = vector.shape_cast %get3A_123 : vector<16xf32> to vector<1x16xf32>
      tpu.vector_store %arg10[%swap3A_124, %swap3A_125], %swap3A_128 {add = true, strides = array<i32>} : memref<256x64xf32, #tpu.memory_space<vmem>>, vector<1x16xf32>,
      %get3A_129 = arith.index_cast %scan3A_102 : i32 to index
      %get3A_130 = arith.constant 48 : index
      %get3A_131 = tpu.vector_load %arg11[%get3A_129, %get3A_130] {strides = array<i32>} : memref<256x64xf32, #tpu.memory_space<vmem>>, vector<1x16xf32>,
      %get3A_132 = vector.shape_cast %get3A_131 : vector<1x16xf32> to vector<16xf32>
      %swap3A_133 = arith.index_cast %scan3A_102 : i32 to index
      %swap3A_134 = arith.constant 48 : index
      %swap3A_135 = tpu.vector_load %arg10[%swap3A_133, %swap3A_134] {strides = array<i32>} : memref<256x64xf32, #tpu.memory_space<vmem>>, vector<1x16xf32>,
      %swap3A_136 = vector.shape_cast %swap3A_135 : vector<1x16xf32> to vector<16xf32>
      %swap3A_137 = vector.shape_cast %get3A_132 : vector<16xf32> to vector<1x16xf32>
      tpu.vector_store %arg10[%swap3A_133, %swap3A_134], %swap3A_137 {add = true, strides = array<i32>} : memref<256x64xf32, #tpu.memory_space<vmem>>, vector<1x16xf32>,
      %scan3A_138 = arith.constant 0 : i32
      scf.yield %scan3A_138 : i32
    }
    %scan3A_101 = arith.constant 256 : i32
    "tpu.region"() ({
      %run_scoped3A = tpu.sem_alloc : memref<!tpu.dma_semaphore, #tpu.memory_space<semaphore_mem>>
      %dma_start3A = arith.constant 0 : i32
      %dma_start3A_102 = tpu.memref_slice %arg7[%mul3A_2, %dma_start3A] : memref<8192x64xf32, #tpu.memory_space<hbm>> -> memref<256x64xf32, #tpu.memory_space<hbm>>
      %dma_start3A_103 = arith.constant 0 : i32
      %dma_start3A_104 = tpu.memref_slice %arg7[%mul3A_2, %dma_start3A_103] : memref<8192x64xf32, #tpu.memory_space<hbm>> -> memref<256x64xf32, #tpu.memory_space<hbm>>
      tpu.enqueue_dma source(%arg10 : memref<256x64xf32, #tpu.memory_space<vmem>>) target(%dma_start3A_104 : memref<256x64xf32, #tpu.memory_space<hbm>>) target_semaphore(%run_scoped3A : memref<!tpu.dma_semaphore, #tpu.memory_space<semaphore_mem>>)
      %dma_wait3A_105 = arith.constant 0 : i32
      %dma_wait3A_106 = tpu.memref_slice %arg7[%mul3A_2, %dma_wait3A_105] : memref<8192x64xf32, #tpu.memory_space<hbm>> -> memref<256x64xf32, #tpu.memory_space<hbm>>
      %dma_wait3A_107 = arith.constant 0 : i32
      %dma_wait3A_108 = tpu.memref_slice %arg7[%mul3A_2, %dma_wait3A_107] : memref<8192x64xf32, #tpu.memory_space<hbm>> -> memref<256x64xf32, #tpu.memory_space<hbm>>
      tpu.wait_dma2 semaphore(%run_scoped3A : memref<!tpu.dma_semaphore, #tpu.memory_space<semaphore_mem>>) src(%arg10 : memref<256x64xf32, #tpu.memory_space<vmem>>) dst(%dma_wait3A_108 : memref<256x64xf32, #tpu.memory_space<hbm>>)
      tpu.yield
    }) : () -> ()
    return
  }
}

#map = affine_map<(d0, d1) -> (0)>
#map1 = affine_map<(d0, d1) -> (0, 0)>
module attributes {stable_mosaic.version = 14 : i64} {
  func.func @gather_sum(%arg0: i32, %arg1: i32, %arg2: memref<8192xi32, #tpu.memory_space<hbm>>, %arg3: memref<8192xi32, #tpu.memory_space<hbm>>, %arg4: memref<8192xi32, #tpu.memory_space<hbm>>, %arg5: memref<8192xi32, #tpu.memory_space<hbm>>, %arg6: memref<1015808x64xf32, #tpu.memory_space<hbm>>, %arg7: memref<8192x64xf32, #tpu.memory_space<hbm>>, %arg8: memref<256xi32, #tpu.memory_space<smem>>, %arg9: memref<256xi32, #tpu.memory_space<vmem>>, %arg10: memref<256x64xf32, #tpu.memory_space<vmem>>, %arg11: memref<256x64xf32, #tpu.memory_space<vmem>>, %arg12: memref<256x64xf32, #tpu.memory_space<vmem>>, %arg13: memref<!tpu.dma_semaphore, #tpu.memory_space<semaphore_mem>>, %arg14: memref<!tpu.dma_semaphore, #tpu.memory_space<semaphore_mem>>, %arg15: memref<!tpu.dma_semaphore, #tpu.memory_space<semaphore_mem>>) attributes {dimension_semantics = [#tpu.dimension_semantics<core_parallel>, #tpu.dimension_semantics<subcore_parallel>], iteration_bounds = array<i64: 2, 16>, scalar_prefetch = 0 : i64, scratch_operands = 8 : i64, tpu.core_type = #tpu.core_type<sc_vector_subcore>, window_params = [{transform_indices = #map}, {transform_indices = #map}, {transform_indices = #map}, {transform_indices = #map}, {transform_indices = #map1}, {transform_indices = #map1}]} {
    %mul3A = arith.constant 2 : i32
    %mul3A_0 = arith.muli %arg1, %mul3A : i32
    %add3A = arith.addi %mul3A_0, %arg0 : i32
    %mul3A_1 = arith.constant 256 : i32
    %mul3A_2 = arith.muli %add3A, %mul3A_1 : i32
    "tpu.region"() ({
      %run_scoped3A = tpu.sem_alloc : memref<!tpu.dma_semaphore, #tpu.memory_space<semaphore_mem>>
      %dma_start3A = tpu.memref_slice %arg2[%mul3A_2] : memref<8192xi32, #tpu.memory_space<hbm>> -> memref<256xi32, #tpu.memory_space<hbm>>
      %dma_start3A_102 = tpu.memref_slice %arg2[%mul3A_2] : memref<8192xi32, #tpu.memory_space<hbm>> -> memref<256xi32, #tpu.memory_space<hbm>>
      tpu.enqueue_dma source(%dma_start3A_102 : memref<256xi32, #tpu.memory_space<hbm>>) target(%arg9 : memref<256xi32, #tpu.memory_space<vmem>>) target_semaphore(%run_scoped3A : memref<!tpu.dma_semaphore, #tpu.memory_space<semaphore_mem>>)
      %dma_wait3A_103 = tpu.memref_slice %arg2[%mul3A_2] : memref<8192xi32, #tpu.memory_space<hbm>> -> memref<256xi32, #tpu.memory_space<hbm>>
      %dma_wait3A_104 = tpu.memref_slice %arg2[%mul3A_2] : memref<8192xi32, #tpu.memory_space<hbm>> -> memref<256xi32, #tpu.memory_space<hbm>>
      tpu.wait_dma2 semaphore(%run_scoped3A : memref<!tpu.dma_semaphore, #tpu.memory_space<semaphore_mem>>) src(%dma_wait3A_104 : memref<256xi32, #tpu.memory_space<hbm>>) dst(%arg9 : memref<256xi32, #tpu.memory_space<vmem>>)
      tpu.yield
    }) : () -> ()
    %scan3A = arith.constant 0 : i32
    %scan3A_3 = arith.constant 0 : i32
    %scan3A_4 = arith.constant 16 : i32
    %scan3A_5 = arith.addi %scan3A_3, %scan3A_4 : i32
    %scan3A_6 = arith.constant 1 : i32
    %scan3A_7 = scf.for %scan3A_102 = %scan3A_3 to %scan3A_5 step %scan3A_6 iter_args(%scan3A_103 = %scan3A) -> (i32)  : i32 {
      %mul3A_104 = arith.constant 16 : i32
      %mul3A_105 = arith.muli %scan3A_102, %mul3A_104 : i32
      %get3A = arith.index_cast %mul3A_105 : i32 to index
      %get3A_106 = tpu.vector_load %arg9[%get3A] {strides = array<i32>} : memref<256xi32, #tpu.memory_space<vmem>>, vector<16xi32>,
      %get3A_107 = vector.shape_cast %get3A_106 : vector<16xi32> to vector<16xi32>
      %slice3A = vector.extract_strided_slice %get3A_107 {offsets = [0], sizes = [1], strides = [1]} : vector<16xi32> to vector<1xi32>
      %squeeze3A = vector.extract %slice3A[0] : i32 from vector<1xi32>
      %mul3A_108 = arith.constant 16 : i32
      %mul3A_109 = arith.muli %scan3A_102, %mul3A_108 : i32
      %add3A_110 = arith.constant 0 : i32
      %add3A_111 = arith.addi %mul3A_109, %add3A_110 : i32
      %swap3A = arith.index_cast %add3A_111 : i32 to index
      %swap3A_112 = memref.load %arg8[%swap3A] : memref<256xi32, #tpu.memory_space<smem>>
      memref.store %squeeze3A, %arg8[%swap3A] : memref<256xi32, #tpu.memory_space<smem>>
      %slice3A_113 = vector.extract_strided_slice %get3A_107 {offsets = [1], sizes = [1], strides = [1]} : vector<16xi32> to vector<1xi32>
      %squeeze3A_114 = vector.extract %slice3A_113[0] : i32 from vector<1xi32>
      %mul3A_115 = arith.constant 16 : i32
      %mul3A_116 = arith.muli %scan3A_102, %mul3A_115 : i32
      %add3A_117 = arith.constant 1 : i32
      %add3A_118 = arith.addi %mul3A_116, %add3A_117 : i32
      %swap3A_119 = arith.index_cast %add3A_118 : i32 to index
      %swap3A_120 = memref.load %arg8[%swap3A_119] : memref<256xi32, #tpu.memory_space<smem>>
      memref.store %squeeze3A_114, %arg8[%swap3A_119] : memref<256xi32, #tpu.memory_space<smem>>
      %slice3A_121 = vector.extract_strided_slice %get3A_107 {offsets = [2], sizes = [1], strides = [1]} : vector<16xi32> to vector<1xi32>
      %squeeze3A_122 = vector.extract %slice3A_121[0] : i32 from vector<1xi32>
      %mul3A_123 = arith.constant 16 : i32
      %mul3A_124 = arith.muli %scan3A_102, %mul3A_123 : i32
      %add3A_125 = arith.constant 2 : i32
      %add3A_126 = arith.addi %mul3A_124, %add3A_125 : i32
      %swap3A_127 = arith.index_cast %add3A_126 : i32 to index
      %swap3A_128 = memref.load %arg8[%swap3A_127] : memref<256xi32, #tpu.memory_space<smem>>
      memref.store %squeeze3A_122, %arg8[%swap3A_127] : memref<256xi32, #tpu.memory_space<smem>>
      %slice3A_129 = vector.extract_strided_slice %get3A_107 {offsets = [3], sizes = [1], strides = [1]} : vector<16xi32> to vector<1xi32>
      %squeeze3A_130 = vector.extract %slice3A_129[0] : i32 from vector<1xi32>
      %mul3A_131 = arith.constant 16 : i32
      %mul3A_132 = arith.muli %scan3A_102, %mul3A_131 : i32
      %add3A_133 = arith.constant 3 : i32
      %add3A_134 = arith.addi %mul3A_132, %add3A_133 : i32
      %swap3A_135 = arith.index_cast %add3A_134 : i32 to index
      %swap3A_136 = memref.load %arg8[%swap3A_135] : memref<256xi32, #tpu.memory_space<smem>>
      memref.store %squeeze3A_130, %arg8[%swap3A_135] : memref<256xi32, #tpu.memory_space<smem>>
      %slice3A_137 = vector.extract_strided_slice %get3A_107 {offsets = [4], sizes = [1], strides = [1]} : vector<16xi32> to vector<1xi32>
      %squeeze3A_138 = vector.extract %slice3A_137[0] : i32 from vector<1xi32>
      %mul3A_139 = arith.constant 16 : i32
      %mul3A_140 = arith.muli %scan3A_102, %mul3A_139 : i32
      %add3A_141 = arith.constant 4 : i32
      %add3A_142 = arith.addi %mul3A_140, %add3A_141 : i32
      %swap3A_143 = arith.index_cast %add3A_142 : i32 to index
      %swap3A_144 = memref.load %arg8[%swap3A_143] : memref<256xi32, #tpu.memory_space<smem>>
      memref.store %squeeze3A_138, %arg8[%swap3A_143] : memref<256xi32, #tpu.memory_space<smem>>
      %slice3A_145 = vector.extract_strided_slice %get3A_107 {offsets = [5], sizes = [1], strides = [1]} : vector<16xi32> to vector<1xi32>
      %squeeze3A_146 = vector.extract %slice3A_145[0] : i32 from vector<1xi32>
      %mul3A_147 = arith.constant 16 : i32
      %mul3A_148 = arith.muli %scan3A_102, %mul3A_147 : i32
      %add3A_149 = arith.constant 5 : i32
      %add3A_150 = arith.addi %mul3A_148, %add3A_149 : i32
      %swap3A_151 = arith.index_cast %add3A_150 : i32 to index
      %swap3A_152 = memref.load %arg8[%swap3A_151] : memref<256xi32, #tpu.memory_space<smem>>
      memref.store %squeeze3A_146, %arg8[%swap3A_151] : memref<256xi32, #tpu.memory_space<smem>>
      %slice3A_153 = vector.extract_strided_slice %get3A_107 {offsets = [6], sizes = [1], strides = [1]} : vector<16xi32> to vector<1xi32>
      %squeeze3A_154 = vector.extract %slice3A_153[0] : i32 from vector<1xi32>
      %mul3A_155 = arith.constant 16 : i32
      %mul3A_156 = arith.muli %scan3A_102, %mul3A_155 : i32
      %add3A_157 = arith.constant 6 : i32
      %add3A_158 = arith.addi %mul3A_156, %add3A_157 : i32
      %swap3A_159 = arith.index_cast %add3A_158 : i32 to index
      %swap3A_160 = memref.load %arg8[%swap3A_159] : memref<256xi32, #tpu.memory_space<smem>>
      memref.store %squeeze3A_154, %arg8[%swap3A_159] : memref<256xi32, #tpu.memory_space<smem>>
      %slice3A_161 = vector.extract_strided_slice %get3A_107 {offsets = [7], sizes = [1], strides = [1]} : vector<16xi32> to vector<1xi32>
      %squeeze3A_162 = vector.extract %slice3A_161[0] : i32 from vector<1xi32>
      %mul3A_163 = arith.constant 16 : i32
      %mul3A_164 = arith.muli %scan3A_102, %mul3A_163 : i32
      %add3A_165 = arith.constant 7 : i32
      %add3A_166 = arith.addi %mul3A_164, %add3A_165 : i32
      %swap3A_167 = arith.index_cast %add3A_166 : i32 to index
      %swap3A_168 = memref.load %arg8[%swap3A_167] : memref<256xi32, #tpu.memory_space<smem>>
      memref.store %squeeze3A_162, %arg8[%swap3A_167] : memref<256xi32, #tpu.memory_space<smem>>
      %slice3A_169 = vector.extract_strided_slice %get3A_107 {offsets = [8], sizes = [1], strides = [1]} : vector<16xi32> to vector<1xi32>
      %squeeze3A_170 = vector.extract %slice3A_169[0] : i32 from vector<1xi32>
      %mul3A_171 = arith.constant 16 : i32
      %mul3A_172 = arith.muli %scan3A_102, %mul3A_171 : i32
      %add3A_173 = arith.constant 8 : i32
      %add3A_174 = arith.addi %mul3A_172, %add3A_173 : i32
      %swap3A_175 = arith.index_cast %add3A_174 : i32 to index
      %swap3A_176 = memref.load %arg8[%swap3A_175] : memref<256xi32, #tpu.memory_space<smem>>
      memref.store %squeeze3A_170, %arg8[%swap3A_175] : memref<256xi32, #tpu.memory_space<smem>>
      %slice3A_177 = vector.extract_strided_slice %get3A_107 {offsets = [9], sizes = [1], strides = [1]} : vector<16xi32> to vector<1xi32>
      %squeeze3A_178 = vector.extract %slice3A_177[0] : i32 from vector<1xi32>
      %mul3A_179 = arith.constant 16 : i32
      %mul3A_180 = arith.muli %scan3A_102, %mul3A_179 : i32
      %add3A_181 = arith.constant 9 : i32
      %add3A_182 = arith.addi %mul3A_180, %add3A_181 : i32
      %swap3A_183 = arith.index_cast %add3A_182 : i32 to index
      %swap3A_184 = memref.load %arg8[%swap3A_183] : memref<256xi32, #tpu.memory_space<smem>>
      memref.store %squeeze3A_178, %arg8[%swap3A_183] : memref<256xi32, #tpu.memory_space<smem>>
      %slice3A_185 = vector.extract_strided_slice %get3A_107 {offsets = [10], sizes = [1], strides = [1]} : vector<16xi32> to vector<1xi32>
      %squeeze3A_186 = vector.extract %slice3A_185[0] : i32 from vector<1xi32>
      %mul3A_187 = arith.constant 16 : i32
      %mul3A_188 = arith.muli %scan3A_102, %mul3A_187 : i32
      %add3A_189 = arith.constant 10 : i32
      %add3A_190 = arith.addi %mul3A_188, %add3A_189 : i32
      %swap3A_191 = arith.index_cast %add3A_190 : i32 to index
      %swap3A_192 = memref.load %arg8[%swap3A_191] : memref<256xi32, #tpu.memory_space<smem>>
      memref.store %squeeze3A_186, %arg8[%swap3A_191] : memref<256xi32, #tpu.memory_space<smem>>
      %slice3A_193 = vector.extract_strided_slice %get3A_107 {offsets = [11], sizes = [1], strides = [1]} : vector<16xi32> to vector<1xi32>
      %squeeze3A_194 = vector.extract %slice3A_193[0] : i32 from vector<1xi32>
      %mul3A_195 = arith.constant 16 : i32
      %mul3A_196 = arith.muli %scan3A_102, %mul3A_195 : i32
      %add3A_197 = arith.constant 11 : i32
      %add3A_198 = arith.addi %mul3A_196, %add3A_197 : i32
      %swap3A_199 = arith.index_cast %add3A_198 : i32 to index
      %swap3A_200 = memref.load %arg8[%swap3A_199] : memref<256xi32, #tpu.memory_space<smem>>
      memref.store %squeeze3A_194, %arg8[%swap3A_199] : memref<256xi32, #tpu.memory_space<smem>>
      %slice3A_201 = vector.extract_strided_slice %get3A_107 {offsets = [12], sizes = [1], strides = [1]} : vector<16xi32> to vector<1xi32>
      %squeeze3A_202 = vector.extract %slice3A_201[0] : i32 from vector<1xi32>
      %mul3A_203 = arith.constant 16 : i32
      %mul3A_204 = arith.muli %scan3A_102, %mul3A_203 : i32
      %add3A_205 = arith.constant 12 : i32
      %add3A_206 = arith.addi %mul3A_204, %add3A_205 : i32
      %swap3A_207 = arith.index_cast %add3A_206 : i32 to index
      %swap3A_208 = memref.load %arg8[%swap3A_207] : memref<256xi32, #tpu.memory_space<smem>>
      memref.store %squeeze3A_202, %arg8[%swap3A_207] : memref<256xi32, #tpu.memory_space<smem>>
      %slice3A_209 = vector.extract_strided_slice %get3A_107 {offsets = [13], sizes = [1], strides = [1]} : vector<16xi32> to vector<1xi32>
      %squeeze3A_210 = vector.extract %slice3A_209[0] : i32 from vector<1xi32>
      %mul3A_211 = arith.constant 16 : i32
      %mul3A_212 = arith.muli %scan3A_102, %mul3A_211 : i32
      %add3A_213 = arith.constant 13 : i32
      %add3A_214 = arith.addi %mul3A_212, %add3A_213 : i32
      %swap3A_215 = arith.index_cast %add3A_214 : i32 to index
      %swap3A_216 = memref.load %arg8[%swap3A_215] : memref<256xi32, #tpu.memory_space<smem>>
      memref.store %squeeze3A_210, %arg8[%swap3A_215] : memref<256xi32, #tpu.memory_space<smem>>
      %slice3A_217 = vector.extract_strided_slice %get3A_107 {offsets = [14], sizes = [1], strides = [1]} : vector<16xi32> to vector<1xi32>
      %squeeze3A_218 = vector.extract %slice3A_217[0] : i32 from vector<1xi32>
      %mul3A_219 = arith.constant 16 : i32
      %mul3A_220 = arith.muli %scan3A_102, %mul3A_219 : i32
      %add3A_221 = arith.constant 14 : i32
      %add3A_222 = arith.addi %mul3A_220, %add3A_221 : i32
      %swap3A_223 = arith.index_cast %add3A_222 : i32 to index
      %swap3A_224 = memref.load %arg8[%swap3A_223] : memref<256xi32, #tpu.memory_space<smem>>
      memref.store %squeeze3A_218, %arg8[%swap3A_223] : memref<256xi32, #tpu.memory_space<smem>>
      %slice3A_225 = vector.extract_strided_slice %get3A_107 {offsets = [15], sizes = [1], strides = [1]} : vector<16xi32> to vector<1xi32>
      %squeeze3A_226 = vector.extract %slice3A_225[0] : i32 from vector<1xi32>
      %mul3A_227 = arith.constant 16 : i32
      %mul3A_228 = arith.muli %scan3A_102, %mul3A_227 : i32
      %add3A_229 = arith.constant 15 : i32
      %add3A_230 = arith.addi %mul3A_228, %add3A_229 : i32
      %swap3A_231 = arith.index_cast %add3A_230 : i32 to index
      %swap3A_232 = memref.load %arg8[%swap3A_231] : memref<256xi32, #tpu.memory_space<smem>>
      memref.store %squeeze3A_226, %arg8[%swap3A_231] : memref<256xi32, #tpu.memory_space<smem>>
      %scan3A_233 = arith.constant 0 : i32
      scf.yield %scan3A_233 : i32
    }
    %scan3A_8 = arith.constant 16 : i32
    %scan3A_9 = arith.constant 0 : i32
    %scan3A_10 = arith.constant 0 : i32
    %scan3A_11 = arith.constant 256 : i32
    %scan3A_12 = arith.addi %scan3A_10, %scan3A_11 : i32
    %scan3A_13 = arith.constant 1 : i32
    %scan3A_14 = scf.for %scan3A_102 = %scan3A_10 to %scan3A_12 step %scan3A_13 iter_args(%scan3A_103 = %scan3A_9) -> (i32)  : i32 {
      %get3A = arith.index_cast %scan3A_102 : i32 to index
      %get3A_104 = memref.load %arg8[%get3A] : memref<256xi32, #tpu.memory_space<smem>>
      %dma_start3A = arith.constant 0 : i32
      %dma_start3A_105 = tpu.memref_slice %arg10[%scan3A_102, %dma_start3A] : memref<256x64xf32, #tpu.memory_space<vmem>> -> memref<1x64xf32, #tpu.memory_space<vmem>>
      %dma_start3A_106 = arith.constant 0 : i32
      %dma_start3A_107 = tpu.memref_slice %arg6[%get3A_104, %dma_start3A_106] : memref<1015808x64xf32, #tpu.memory_space<hbm>> -> memref<1x64xf32, #tpu.memory_space<hbm>>
      %dma_start3A_108 = arith.constant 0 : i32
      %dma_start3A_109 = tpu.memref_slice %arg10[%scan3A_102, %dma_start3A_108] : memref<256x64xf32, #tpu.memory_space<vmem>> -> memref<1x64xf32, #tpu.memory_space<vmem>>
      %dma_start3A_110 = arith.constant 0 : i32
      %dma_start3A_111 = tpu.memref_slice %arg6[%get3A_104, %dma_start3A_110] : memref<1015808x64xf32, #tpu.memory_space<hbm>> -> memref<1x64xf32, #tpu.memory_space<hbm>>
      tpu.enqueue_dma source(%dma_start3A_111 : memref<1x64xf32, #tpu.memory_space<hbm>>) target(%dma_start3A_109 : memref<1x64xf32, #tpu.memory_space<vmem>>) target_semaphore(%arg13 : memref<!tpu.dma_semaphore, #tpu.memory_space<semaphore_mem>>)
      %scan3A_112 = arith.constant 0 : i32
      scf.yield %scan3A_112 : i32
    }
    %scan3A_15 = arith.constant 256 : i32
    "tpu.region"() ({
      %run_scoped3A = tpu.sem_alloc : memref<!tpu.dma_semaphore, #tpu.memory_space<semaphore_mem>>
      %dma_start3A = tpu.memref_slice %arg3[%mul3A_2] : memref<8192xi32, #tpu.memory_space<hbm>> -> memref<256xi32, #tpu.memory_space<hbm>>
      %dma_start3A_102 = tpu.memref_slice %arg3[%mul3A_2] : memref<8192xi32, #tpu.memory_space<hbm>> -> memref<256xi32, #tpu.memory_space<hbm>>
      tpu.enqueue_dma source(%dma_start3A_102 : memref<256xi32, #tpu.memory_space<hbm>>) target(%arg9 : memref<256xi32, #tpu.memory_space<vmem>>) target_semaphore(%run_scoped3A : memref<!tpu.dma_semaphore, #tpu.memory_space<semaphore_mem>>)
      %dma_wait3A_103 = tpu.memref_slice %arg3[%mul3A_2] : memref<8192xi32, #tpu.memory_space<hbm>> -> memref<256xi32, #tpu.memory_space<hbm>>
      %dma_wait3A_104 = tpu.memref_slice %arg3[%mul3A_2] : memref<8192xi32, #tpu.memory_space<hbm>> -> memref<256xi32, #tpu.memory_space<hbm>>
      tpu.wait_dma2 semaphore(%run_scoped3A : memref<!tpu.dma_semaphore, #tpu.memory_space<semaphore_mem>>) src(%dma_wait3A_104 : memref<256xi32, #tpu.memory_space<hbm>>) dst(%arg9 : memref<256xi32, #tpu.memory_space<vmem>>)
      tpu.yield
    }) : () -> ()
    %scan3A_16 = arith.constant 0 : i32
    %scan3A_17 = arith.constant 0 : i32
    %scan3A_18 = arith.constant 16 : i32
    %scan3A_19 = arith.addi %scan3A_17, %scan3A_18 : i32
    %scan3A_20 = arith.constant 1 : i32
    %scan3A_21 = scf.for %scan3A_102 = %scan3A_17 to %scan3A_19 step %scan3A_20 iter_args(%scan3A_103 = %scan3A_16) -> (i32)  : i32 {
      %mul3A_104 = arith.constant 16 : i32
      %mul3A_105 = arith.muli %scan3A_102, %mul3A_104 : i32
      %get3A = arith.index_cast %mul3A_105 : i32 to index
      %get3A_106 = tpu.vector_load %arg9[%get3A] {strides = array<i32>} : memref<256xi32, #tpu.memory_space<vmem>>, vector<16xi32>,
      %get3A_107 = vector.shape_cast %get3A_106 : vector<16xi32> to vector<16xi32>
      %slice3A = vector.extract_strided_slice %get3A_107 {offsets = [0], sizes = [1], strides = [1]} : vector<16xi32> to vector<1xi32>
      %squeeze3A = vector.extract %slice3A[0] : i32 from vector<1xi32>
      %mul3A_108 = arith.constant 16 : i32
      %mul3A_109 = arith.muli %scan3A_102, %mul3A_108 : i32
      %add3A_110 = arith.constant 0 : i32
      %add3A_111 = arith.addi %mul3A_109, %add3A_110 : i32
      %swap3A = arith.index_cast %add3A_111 : i32 to index
      %swap3A_112 = memref.load %arg8[%swap3A] : memref<256xi32, #tpu.memory_space<smem>>
      memref.store %squeeze3A, %arg8[%swap3A] : memref<256xi32, #tpu.memory_space<smem>>
      %slice3A_113 = vector.extract_strided_slice %get3A_107 {offsets = [1], sizes = [1], strides = [1]} : vector<16xi32> to vector<1xi32>
      %squeeze3A_114 = vector.extract %slice3A_113[0] : i32 from vector<1xi32>
      %mul3A_115 = arith.constant 16 : i32
      %mul3A_116 = arith.muli %scan3A_102, %mul3A_115 : i32
      %add3A_117 = arith.constant 1 : i32
      %add3A_118 = arith.addi %mul3A_116, %add3A_117 : i32
      %swap3A_119 = arith.index_cast %add3A_118 : i32 to index
      %swap3A_120 = memref.load %arg8[%swap3A_119] : memref<256xi32, #tpu.memory_space<smem>>
      memref.store %squeeze3A_114, %arg8[%swap3A_119] : memref<256xi32, #tpu.memory_space<smem>>
      %slice3A_121 = vector.extract_strided_slice %get3A_107 {offsets = [2], sizes = [1], strides = [1]} : vector<16xi32> to vector<1xi32>
      %squeeze3A_122 = vector.extract %slice3A_121[0] : i32 from vector<1xi32>
      %mul3A_123 = arith.constant 16 : i32
      %mul3A_124 = arith.muli %scan3A_102, %mul3A_123 : i32
      %add3A_125 = arith.constant 2 : i32
      %add3A_126 = arith.addi %mul3A_124, %add3A_125 : i32
      %swap3A_127 = arith.index_cast %add3A_126 : i32 to index
      %swap3A_128 = memref.load %arg8[%swap3A_127] : memref<256xi32, #tpu.memory_space<smem>>
      memref.store %squeeze3A_122, %arg8[%swap3A_127] : memref<256xi32, #tpu.memory_space<smem>>
      %slice3A_129 = vector.extract_strided_slice %get3A_107 {offsets = [3], sizes = [1], strides = [1]} : vector<16xi32> to vector<1xi32>
      %squeeze3A_130 = vector.extract %slice3A_129[0] : i32 from vector<1xi32>
      %mul3A_131 = arith.constant 16 : i32
      %mul3A_132 = arith.muli %scan3A_102, %mul3A_131 : i32
      %add3A_133 = arith.constant 3 : i32
      %add3A_134 = arith.addi %mul3A_132, %add3A_133 : i32
      %swap3A_135 = arith.index_cast %add3A_134 : i32 to index
      %swap3A_136 = memref.load %arg8[%swap3A_135] : memref<256xi32, #tpu.memory_space<smem>>
      memref.store %squeeze3A_130, %arg8[%swap3A_135] : memref<256xi32, #tpu.memory_space<smem>>
      %slice3A_137 = vector.extract_strided_slice %get3A_107 {offsets = [4], sizes = [1], strides = [1]} : vector<16xi32> to vector<1xi32>
      %squeeze3A_138 = vector.extract %slice3A_137[0] : i32 from vector<1xi32>
      %mul3A_139 = arith.constant 16 : i32
      %mul3A_140 = arith.muli %scan3A_102, %mul3A_139 : i32
      %add3A_141 = arith.constant 4 : i32
      %add3A_142 = arith.addi %mul3A_140, %add3A_141 : i32
      %swap3A_143 = arith.index_cast %add3A_142 : i32 to index
      %swap3A_144 = memref.load %arg8[%swap3A_143] : memref<256xi32, #tpu.memory_space<smem>>
      memref.store %squeeze3A_138, %arg8[%swap3A_143] : memref<256xi32, #tpu.memory_space<smem>>
      %slice3A_145 = vector.extract_strided_slice %get3A_107 {offsets = [5], sizes = [1], strides = [1]} : vector<16xi32> to vector<1xi32>
      %squeeze3A_146 = vector.extract %slice3A_145[0] : i32 from vector<1xi32>
      %mul3A_147 = arith.constant 16 : i32
      %mul3A_148 = arith.muli %scan3A_102, %mul3A_147 : i32
      %add3A_149 = arith.constant 5 : i32
      %add3A_150 = arith.addi %mul3A_148, %add3A_149 : i32
      %swap3A_151 = arith.index_cast %add3A_150 : i32 to index
      %swap3A_152 = memref.load %arg8[%swap3A_151] : memref<256xi32, #tpu.memory_space<smem>>
      memref.store %squeeze3A_146, %arg8[%swap3A_151] : memref<256xi32, #tpu.memory_space<smem>>
      %slice3A_153 = vector.extract_strided_slice %get3A_107 {offsets = [6], sizes = [1], strides = [1]} : vector<16xi32> to vector<1xi32>
      %squeeze3A_154 = vector.extract %slice3A_153[0] : i32 from vector<1xi32>
      %mul3A_155 = arith.constant 16 : i32
      %mul3A_156 = arith.muli %scan3A_102, %mul3A_155 : i32
      %add3A_157 = arith.constant 6 : i32
      %add3A_158 = arith.addi %mul3A_156, %add3A_157 : i32
      %swap3A_159 = arith.index_cast %add3A_158 : i32 to index
      %swap3A_160 = memref.load %arg8[%swap3A_159] : memref<256xi32, #tpu.memory_space<smem>>
      memref.store %squeeze3A_154, %arg8[%swap3A_159] : memref<256xi32, #tpu.memory_space<smem>>
      %slice3A_161 = vector.extract_strided_slice %get3A_107 {offsets = [7], sizes = [1], strides = [1]} : vector<16xi32> to vector<1xi32>
      %squeeze3A_162 = vector.extract %slice3A_161[0] : i32 from vector<1xi32>
      %mul3A_163 = arith.constant 16 : i32
      %mul3A_164 = arith.muli %scan3A_102, %mul3A_163 : i32
      %add3A_165 = arith.constant 7 : i32
      %add3A_166 = arith.addi %mul3A_164, %add3A_165 : i32
      %swap3A_167 = arith.index_cast %add3A_166 : i32 to index
      %swap3A_168 = memref.load %arg8[%swap3A_167] : memref<256xi32, #tpu.memory_space<smem>>
      memref.store %squeeze3A_162, %arg8[%swap3A_167] : memref<256xi32, #tpu.memory_space<smem>>
      %slice3A_169 = vector.extract_strided_slice %get3A_107 {offsets = [8], sizes = [1], strides = [1]} : vector<16xi32> to vector<1xi32>
      %squeeze3A_170 = vector.extract %slice3A_169[0] : i32 from vector<1xi32>
      %mul3A_171 = arith.constant 16 : i32
      %mul3A_172 = arith.muli %scan3A_102, %mul3A_171 : i32
      %add3A_173 = arith.constant 8 : i32
      %add3A_174 = arith.addi %mul3A_172, %add3A_173 : i32
      %swap3A_175 = arith.index_cast %add3A_174 : i32 to index
      %swap3A_176 = memref.load %arg8[%swap3A_175] : memref<256xi32, #tpu.memory_space<smem>>
      memref.store %squeeze3A_170, %arg8[%swap3A_175] : memref<256xi32, #tpu.memory_space<smem>>
      %slice3A_177 = vector.extract_strided_slice %get3A_107 {offsets = [9], sizes = [1], strides = [1]} : vector<16xi32> to vector<1xi32>
      %squeeze3A_178 = vector.extract %slice3A_177[0] : i32 from vector<1xi32>
      %mul3A_179 = arith.constant 16 : i32
      %mul3A_180 = arith.muli %scan3A_102, %mul3A_179 : i32
      %add3A_181 = arith.constant 9 : i32
      %add3A_182 = arith.addi %mul3A_180, %add3A_181 : i32
      %swap3A_183 = arith.index_cast %add3A_182 : i32 to index
      %swap3A_184 = memref.load %arg8[%swap3A_183] : memref<256xi32, #tpu.memory_space<smem>>
      memref.store %squeeze3A_178, %arg8[%swap3A_183] : memref<256xi32, #tpu.memory_space<smem>>
      %slice3A_185 = vector.extract_strided_slice %get3A_107 {offsets = [10], sizes = [1], strides = [1]} : vector<16xi32> to vector<1xi32>
      %squeeze3A_186 = vector.extract %slice3A_185[0] : i32 from vector<1xi32>
      %mul3A_187 = arith.constant 16 : i32
      %mul3A_188 = arith.muli %scan3A_102, %mul3A_187 : i32
      %add3A_189 = arith.constant 10 : i32
      %add3A_190 = arith.addi %mul3A_188, %add3A_189 : i32
      %swap3A_191 = arith.index_cast %add3A_190 : i32 to index
      %swap3A_192 = memref.load %arg8[%swap3A_191] : memref<256xi32, #tpu.memory_space<smem>>
      memref.store %squeeze3A_186, %arg8[%swap3A_191] : memref<256xi32, #tpu.memory_space<smem>>
      %slice3A_193 = vector.extract_strided_slice %get3A_107 {offsets = [11], sizes = [1], strides = [1]} : vector<16xi32> to vector<1xi32>
      %squeeze3A_194 = vector.extract %slice3A_193[0] : i32 from vector<1xi32>
      %mul3A_195 = arith.constant 16 : i32
      %mul3A_196 = arith.muli %scan3A_102, %mul3A_195 : i32
      %add3A_197 = arith.constant 11 : i32
      %add3A_198 = arith.addi %mul3A_196, %add3A_197 : i32
      %swap3A_199 = arith.index_cast %add3A_198 : i32 to index
      %swap3A_200 = memref.load %arg8[%swap3A_199] : memref<256xi32, #tpu.memory_space<smem>>
      memref.store %squeeze3A_194, %arg8[%swap3A_199] : memref<256xi32, #tpu.memory_space<smem>>
      %slice3A_201 = vector.extract_strided_slice %get3A_107 {offsets = [12], sizes = [1], strides = [1]} : vector<16xi32> to vector<1xi32>
      %squeeze3A_202 = vector.extract %slice3A_201[0] : i32 from vector<1xi32>
      %mul3A_203 = arith.constant 16 : i32
      %mul3A_204 = arith.muli %scan3A_102, %mul3A_203 : i32
      %add3A_205 = arith.constant 12 : i32
      %add3A_206 = arith.addi %mul3A_204, %add3A_205 : i32
      %swap3A_207 = arith.index_cast %add3A_206 : i32 to index
      %swap3A_208 = memref.load %arg8[%swap3A_207] : memref<256xi32, #tpu.memory_space<smem>>
      memref.store %squeeze3A_202, %arg8[%swap3A_207] : memref<256xi32, #tpu.memory_space<smem>>
      %slice3A_209 = vector.extract_strided_slice %get3A_107 {offsets = [13], sizes = [1], strides = [1]} : vector<16xi32> to vector<1xi32>
      %squeeze3A_210 = vector.extract %slice3A_209[0] : i32 from vector<1xi32>
      %mul3A_211 = arith.constant 16 : i32
      %mul3A_212 = arith.muli %scan3A_102, %mul3A_211 : i32
      %add3A_213 = arith.constant 13 : i32
      %add3A_214 = arith.addi %mul3A_212, %add3A_213 : i32
      %swap3A_215 = arith.index_cast %add3A_214 : i32 to index
      %swap3A_216 = memref.load %arg8[%swap3A_215] : memref<256xi32, #tpu.memory_space<smem>>
      memref.store %squeeze3A_210, %arg8[%swap3A_215] : memref<256xi32, #tpu.memory_space<smem>>
      %slice3A_217 = vector.extract_strided_slice %get3A_107 {offsets = [14], sizes = [1], strides = [1]} : vector<16xi32> to vector<1xi32>
      %squeeze3A_218 = vector.extract %slice3A_217[0] : i32 from vector<1xi32>
      %mul3A_219 = arith.constant 16 : i32
      %mul3A_220 = arith.muli %scan3A_102, %mul3A_219 : i32
      %add3A_221 = arith.constant 14 : i32
      %add3A_222 = arith.addi %mul3A_220, %add3A_221 : i32
      %swap3A_223 = arith.index_cast %add3A_222 : i32 to index
      %swap3A_224 = memref.load %arg8[%swap3A_223] : memref<256xi32, #tpu.memory_space<smem>>
      memref.store %squeeze3A_218, %arg8[%swap3A_223] : memref<256xi32, #tpu.memory_space<smem>>
      %slice3A_225 = vector.extract_strided_slice %get3A_107 {offsets = [15], sizes = [1], strides = [1]} : vector<16xi32> to vector<1xi32>
      %squeeze3A_226 = vector.extract %slice3A_225[0] : i32 from vector<1xi32>
      %mul3A_227 = arith.constant 16 : i32
      %mul3A_228 = arith.muli %scan3A_102, %mul3A_227 : i32
      %add3A_229 = arith.constant 15 : i32
      %add3A_230 = arith.addi %mul3A_228, %add3A_229 : i32
      %swap3A_231 = arith.index_cast %add3A_230 : i32 to index
      %swap3A_232 = memref.load %arg8[%swap3A_231] : memref<256xi32, #tpu.memory_space<smem>>
      memref.store %squeeze3A_226, %arg8[%swap3A_231] : memref<256xi32, #tpu.memory_space<smem>>
      %scan3A_233 = arith.constant 0 : i32
      scf.yield %scan3A_233 : i32
    }
    %scan3A_22 = arith.constant 16 : i32
    %scan3A_23 = arith.constant 0 : i32
    %scan3A_24 = arith.constant 0 : i32
    %scan3A_25 = arith.constant 256 : i32
    %scan3A_26 = arith.addi %scan3A_24, %scan3A_25 : i32
    %scan3A_27 = arith.constant 1 : i32
    %scan3A_28 = scf.for %scan3A_102 = %scan3A_24 to %scan3A_26 step %scan3A_27 iter_args(%scan3A_103 = %scan3A_23) -> (i32)  : i32 {
      %get3A = arith.index_cast %scan3A_102 : i32 to index
      %get3A_104 = memref.load %arg8[%get3A] : memref<256xi32, #tpu.memory_space<smem>>
      %dma_start3A = arith.constant 0 : i32
      %dma_start3A_105 = tpu.memref_slice %arg11[%scan3A_102, %dma_start3A] : memref<256x64xf32, #tpu.memory_space<vmem>> -> memref<1x64xf32, #tpu.memory_space<vmem>>
      %dma_start3A_106 = arith.constant 0 : i32
      %dma_start3A_107 = tpu.memref_slice %arg6[%get3A_104, %dma_start3A_106] : memref<1015808x64xf32, #tpu.memory_space<hbm>> -> memref<1x64xf32, #tpu.memory_space<hbm>>
      %dma_start3A_108 = arith.constant 0 : i32
      %dma_start3A_109 = tpu.memref_slice %arg11[%scan3A_102, %dma_start3A_108] : memref<256x64xf32, #tpu.memory_space<vmem>> -> memref<1x64xf32, #tpu.memory_space<vmem>>
      %dma_start3A_110 = arith.constant 0 : i32
      %dma_start3A_111 = tpu.memref_slice %arg6[%get3A_104, %dma_start3A_110] : memref<1015808x64xf32, #tpu.memory_space<hbm>> -> memref<1x64xf32, #tpu.memory_space<hbm>>
      tpu.enqueue_dma source(%dma_start3A_111 : memref<1x64xf32, #tpu.memory_space<hbm>>) target(%dma_start3A_109 : memref<1x64xf32, #tpu.memory_space<vmem>>) target_semaphore(%arg14 : memref<!tpu.dma_semaphore, #tpu.memory_space<semaphore_mem>>)
      %scan3A_112 = arith.constant 0 : i32
      scf.yield %scan3A_112 : i32
    }
    %scan3A_29 = arith.constant 256 : i32
    "tpu.region"() ({
      %run_scoped3A = tpu.sem_alloc : memref<!tpu.dma_semaphore, #tpu.memory_space<semaphore_mem>>
      %dma_start3A = tpu.memref_slice %arg4[%mul3A_2] : memref<8192xi32, #tpu.memory_space<hbm>> -> memref<256xi32, #tpu.memory_space<hbm>>
      %dma_start3A_102 = tpu.memref_slice %arg4[%mul3A_2] : memref<8192xi32, #tpu.memory_space<hbm>> -> memref<256xi32, #tpu.memory_space<hbm>>
      tpu.enqueue_dma source(%dma_start3A_102 : memref<256xi32, #tpu.memory_space<hbm>>) target(%arg9 : memref<256xi32, #tpu.memory_space<vmem>>) target_semaphore(%run_scoped3A : memref<!tpu.dma_semaphore, #tpu.memory_space<semaphore_mem>>)
      %dma_wait3A_103 = tpu.memref_slice %arg4[%mul3A_2] : memref<8192xi32, #tpu.memory_space<hbm>> -> memref<256xi32, #tpu.memory_space<hbm>>
      %dma_wait3A_104 = tpu.memref_slice %arg4[%mul3A_2] : memref<8192xi32, #tpu.memory_space<hbm>> -> memref<256xi32, #tpu.memory_space<hbm>>
      tpu.wait_dma2 semaphore(%run_scoped3A : memref<!tpu.dma_semaphore, #tpu.memory_space<semaphore_mem>>) src(%dma_wait3A_104 : memref<256xi32, #tpu.memory_space<hbm>>) dst(%arg9 : memref<256xi32, #tpu.memory_space<vmem>>)
      tpu.yield
    }) : () -> ()
    %scan3A_30 = arith.constant 0 : i32
    %scan3A_31 = arith.constant 0 : i32
    %scan3A_32 = arith.constant 16 : i32
    %scan3A_33 = arith.addi %scan3A_31, %scan3A_32 : i32
    %scan3A_34 = arith.constant 1 : i32
    %scan3A_35 = scf.for %scan3A_102 = %scan3A_31 to %scan3A_33 step %scan3A_34 iter_args(%scan3A_103 = %scan3A_30) -> (i32)  : i32 {
      %mul3A_104 = arith.constant 16 : i32
      %mul3A_105 = arith.muli %scan3A_102, %mul3A_104 : i32
      %get3A = arith.index_cast %mul3A_105 : i32 to index
      %get3A_106 = tpu.vector_load %arg9[%get3A] {strides = array<i32>} : memref<256xi32, #tpu.memory_space<vmem>>, vector<16xi32>,
      %get3A_107 = vector.shape_cast %get3A_106 : vector<16xi32> to vector<16xi32>
      %slice3A = vector.extract_strided_slice %get3A_107 {offsets = [0], sizes = [1], strides = [1]} : vector<16xi32> to vector<1xi32>
      %squeeze3A = vector.extract %slice3A[0] : i32 from vector<1xi32>
      %mul3A_108 = arith.constant 16 : i32
      %mul3A_109 = arith.muli %scan3A_102, %mul3A_108 : i32
      %add3A_110 = arith.constant 0 : i32
      %add3A_111 = arith.addi %mul3A_109, %add3A_110 : i32
      %swap3A = arith.index_cast %add3A_111 : i32 to index
      %swap3A_112 = memref.load %arg8[%swap3A] : memref<256xi32, #tpu.memory_space<smem>>
      memref.store %squeeze3A, %arg8[%swap3A] : memref<256xi32, #tpu.memory_space<smem>>
      %slice3A_113 = vector.extract_strided_slice %get3A_107 {offsets = [1], sizes = [1], strides = [1]} : vector<16xi32> to vector<1xi32>
      %squeeze3A_114 = vector.extract %slice3A_113[0] : i32 from vector<1xi32>
      %mul3A_115 = arith.constant 16 : i32
      %mul3A_116 = arith.muli %scan3A_102, %mul3A_115 : i32
      %add3A_117 = arith.constant 1 : i32
      %add3A_118 = arith.addi %mul3A_116, %add3A_117 : i32
      %swap3A_119 = arith.index_cast %add3A_118 : i32 to index
      %swap3A_120 = memref.load %arg8[%swap3A_119] : memref<256xi32, #tpu.memory_space<smem>>
      memref.store %squeeze3A_114, %arg8[%swap3A_119] : memref<256xi32, #tpu.memory_space<smem>>
      %slice3A_121 = vector.extract_strided_slice %get3A_107 {offsets = [2], sizes = [1], strides = [1]} : vector<16xi32> to vector<1xi32>
      %squeeze3A_122 = vector.extract %slice3A_121[0] : i32 from vector<1xi32>
      %mul3A_123 = arith.constant 16 : i32
      %mul3A_124 = arith.muli %scan3A_102, %mul3A_123 : i32
      %add3A_125 = arith.constant 2 : i32
      %add3A_126 = arith.addi %mul3A_124, %add3A_125 : i32
      %swap3A_127 = arith.index_cast %add3A_126 : i32 to index
      %swap3A_128 = memref.load %arg8[%swap3A_127] : memref<256xi32, #tpu.memory_space<smem>>
      memref.store %squeeze3A_122, %arg8[%swap3A_127] : memref<256xi32, #tpu.memory_space<smem>>
      %slice3A_129 = vector.extract_strided_slice %get3A_107 {offsets = [3], sizes = [1], strides = [1]} : vector<16xi32> to vector<1xi32>
      %squeeze3A_130 = vector.extract %slice3A_129[0] : i32 from vector<1xi32>
      %mul3A_131 = arith.constant 16 : i32
      %mul3A_132 = arith.muli %scan3A_102, %mul3A_131 : i32
      %add3A_133 = arith.constant 3 : i32
      %add3A_134 = arith.addi %mul3A_132, %add3A_133 : i32
      %swap3A_135 = arith.index_cast %add3A_134 : i32 to index
      %swap3A_136 = memref.load %arg8[%swap3A_135] : memref<256xi32, #tpu.memory_space<smem>>
      memref.store %squeeze3A_130, %arg8[%swap3A_135] : memref<256xi32, #tpu.memory_space<smem>>
      %slice3A_137 = vector.extract_strided_slice %get3A_107 {offsets = [4], sizes = [1], strides = [1]} : vector<16xi32> to vector<1xi32>
      %squeeze3A_138 = vector.extract %slice3A_137[0] : i32 from vector<1xi32>
      %mul3A_139 = arith.constant 16 : i32
      %mul3A_140 = arith.muli %scan3A_102, %mul3A_139 : i32
      %add3A_141 = arith.constant 4 : i32
      %add3A_142 = arith.addi %mul3A_140, %add3A_141 : i32
      %swap3A_143 = arith.index_cast %add3A_142 : i32 to index
      %swap3A_144 = memref.load %arg8[%swap3A_143] : memref<256xi32, #tpu.memory_space<smem>>
      memref.store %squeeze3A_138, %arg8[%swap3A_143] : memref<256xi32, #tpu.memory_space<smem>>
      %slice3A_145 = vector.extract_strided_slice %get3A_107 {offsets = [5], sizes = [1], strides = [1]} : vector<16xi32> to vector<1xi32>
      %squeeze3A_146 = vector.extract %slice3A_145[0] : i32 from vector<1xi32>
      %mul3A_147 = arith.constant 16 : i32
      %mul3A_148 = arith.muli %scan3A_102, %mul3A_147 : i32
      %add3A_149 = arith.constant 5 : i32
      %add3A_150 = arith.addi %mul3A_148, %add3A_149 : i32
      %swap3A_151 = arith.index_cast %add3A_150 : i32 to index
      %swap3A_152 = memref.load %arg8[%swap3A_151] : memref<256xi32, #tpu.memory_space<smem>>
      memref.store %squeeze3A_146, %arg8[%swap3A_151] : memref<256xi32, #tpu.memory_space<smem>>
      %slice3A_153 = vector.extract_strided_slice %get3A_107 {offsets = [6], sizes = [1], strides = [1]} : vector<16xi32> to vector<1xi32>
      %squeeze3A_154 = vector.extract %slice3A_153[0] : i32 from vector<1xi32>
      %mul3A_155 = arith.constant 16 : i32
      %mul3A_156 = arith.muli %scan3A_102, %mul3A_155 : i32
      %add3A_157 = arith.constant 6 : i32
      %add3A_158 = arith.addi %mul3A_156, %add3A_157 : i32
      %swap3A_159 = arith.index_cast %add3A_158 : i32 to index
      %swap3A_160 = memref.load %arg8[%swap3A_159] : memref<256xi32, #tpu.memory_space<smem>>
      memref.store %squeeze3A_154, %arg8[%swap3A_159] : memref<256xi32, #tpu.memory_space<smem>>
      %slice3A_161 = vector.extract_strided_slice %get3A_107 {offsets = [7], sizes = [1], strides = [1]} : vector<16xi32> to vector<1xi32>
      %squeeze3A_162 = vector.extract %slice3A_161[0] : i32 from vector<1xi32>
      %mul3A_163 = arith.constant 16 : i32
      %mul3A_164 = arith.muli %scan3A_102, %mul3A_163 : i32
      %add3A_165 = arith.constant 7 : i32
      %add3A_166 = arith.addi %mul3A_164, %add3A_165 : i32
      %swap3A_167 = arith.index_cast %add3A_166 : i32 to index
      %swap3A_168 = memref.load %arg8[%swap3A_167] : memref<256xi32, #tpu.memory_space<smem>>
      memref.store %squeeze3A_162, %arg8[%swap3A_167] : memref<256xi32, #tpu.memory_space<smem>>
      %slice3A_169 = vector.extract_strided_slice %get3A_107 {offsets = [8], sizes = [1], strides = [1]} : vector<16xi32> to vector<1xi32>
      %squeeze3A_170 = vector.extract %slice3A_169[0] : i32 from vector<1xi32>
      %mul3A_171 = arith.constant 16 : i32
      %mul3A_172 = arith.muli %scan3A_102, %mul3A_171 : i32
      %add3A_173 = arith.constant 8 : i32
      %add3A_174 = arith.addi %mul3A_172, %add3A_173 : i32
      %swap3A_175 = arith.index_cast %add3A_174 : i32 to index
      %swap3A_176 = memref.load %arg8[%swap3A_175] : memref<256xi32, #tpu.memory_space<smem>>
      memref.store %squeeze3A_170, %arg8[%swap3A_175] : memref<256xi32, #tpu.memory_space<smem>>
      %slice3A_177 = vector.extract_strided_slice %get3A_107 {offsets = [9], sizes = [1], strides = [1]} : vector<16xi32> to vector<1xi32>
      %squeeze3A_178 = vector.extract %slice3A_177[0] : i32 from vector<1xi32>
      %mul3A_179 = arith.constant 16 : i32
      %mul3A_180 = arith.muli %scan3A_102, %mul3A_179 : i32
      %add3A_181 = arith.constant 9 : i32
      %add3A_182 = arith.addi %mul3A_180, %add3A_181 : i32
      %swap3A_183 = arith.index_cast %add3A_182 : i32 to index
      %swap3A_184 = memref.load %arg8[%swap3A_183] : memref<256xi32, #tpu.memory_space<smem>>
      memref.store %squeeze3A_178, %arg8[%swap3A_183] : memref<256xi32, #tpu.memory_space<smem>>
      %slice3A_185 = vector.extract_strided_slice %get3A_107 {offsets = [10], sizes = [1], strides = [1]} : vector<16xi32> to vector<1xi32>
      %squeeze3A_186 = vector.extract %slice3A_185[0] : i32 from vector<1xi32>
      %mul3A_187 = arith.constant 16 : i32
      %mul3A_188 = arith.muli %scan3A_102, %mul3A_187 : i32
      %add3A_189 = arith.constant 10 : i32
      %add3A_190 = arith.addi %mul3A_188, %add3A_189 : i32
      %swap3A_191 = arith.index_cast %add3A_190 : i32 to index
      %swap3A_192 = memref.load %arg8[%swap3A_191] : memref<256xi32, #tpu.memory_space<smem>>
      memref.store %squeeze3A_186, %arg8[%swap3A_191] : memref<256xi32, #tpu.memory_space<smem>>
      %slice3A_193 = vector.extract_strided_slice %get3A_107 {offsets = [11], sizes = [1], strides = [1]} : vector<16xi32> to vector<1xi32>
      %squeeze3A_194 = vector.extract %slice3A_193[0] : i32 from vector<1xi32>
      %mul3A_195 = arith.constant 16 : i32
      %mul3A_196 = arith.muli %scan3A_102, %mul3A_195 : i32
      %add3A_197 = arith.constant 11 : i32
      %add3A_198 = arith.addi %mul3A_196, %add3A_197 : i32
      %swap3A_199 = arith.index_cast %add3A_198 : i32 to index
      %swap3A_200 = memref.load %arg8[%swap3A_199] : memref<256xi32, #tpu.memory_space<smem>>
      memref.store %squeeze3A_194, %arg8[%swap3A_199] : memref<256xi32, #tpu.memory_space<smem>>
      %slice3A_201 = vector.extract_strided_slice %get3A_107 {offsets = [12], sizes = [1], strides = [1]} : vector<16xi32> to vector<1xi32>
      %squeeze3A_202 = vector.extract %slice3A_201[0] : i32 from vector<1xi32>
      %mul3A_203 = arith.constant 16 : i32
      %mul3A_204 = arith.muli %scan3A_102, %mul3A_203 : i32
      %add3A_205 = arith.constant 12 : i32
      %add3A_206 = arith.addi %mul3A_204, %add3A_205 : i32
      %swap3A_207 = arith.index_cast %add3A_206 : i32 to index
      %swap3A_208 = memref.load %arg8[%swap3A_207] : memref<256xi32, #tpu.memory_space<smem>>
      memref.store %squeeze3A_202, %arg8[%swap3A_207] : memref<256xi32, #tpu.memory_space<smem>>
      %slice3A_209 = vector.extract_strided_slice %get3A_107 {offsets = [13], sizes = [1], strides = [1]} : vector<16xi32> to vector<1xi32>
      %squeeze3A_210 = vector.extract %slice3A_209[0] : i32 from vector<1xi32>
      %mul3A_211 = arith.constant 16 : i32
      %mul3A_212 = arith.muli %scan3A_102, %mul3A_211 : i32
      %add3A_213 = arith.constant 13 : i32
      %add3A_214 = arith.addi %mul3A_212, %add3A_213 : i32
      %swap3A_215 = arith.index_cast %add3A_214 : i32 to index
      %swap3A_216 = memref.load %arg8[%swap3A_215] : memref<256xi32, #tpu.memory_space<smem>>
      memref.store %squeeze3A_210, %arg8[%swap3A_215] : memref<256xi32, #tpu.memory_space<smem>>
      %slice3A_217 = vector.extract_strided_slice %get3A_107 {offsets = [14], sizes = [1], strides = [1]} : vector<16xi32> to vector<1xi32>
      %squeeze3A_218 = vector.extract %slice3A_217[0] : i32 from vector<1xi32>
      %mul3A_219 = arith.constant 16 : i32
      %mul3A_220 = arith.muli %scan3A_102, %mul3A_219 : i32
      %add3A_221 = arith.constant 14 : i32
      %add3A_222 = arith.addi %mul3A_220, %add3A_221 : i32
      %swap3A_223 = arith.index_cast %add3A_222 : i32 to index
      %swap3A_224 = memref.load %arg8[%swap3A_223] : memref<256xi32, #tpu.memory_space<smem>>
      memref.store %squeeze3A_218, %arg8[%swap3A_223] : memref<256xi32, #tpu.memory_space<smem>>
      %slice3A_225 = vector.extract_strided_slice %get3A_107 {offsets = [15], sizes = [1], strides = [1]} : vector<16xi32> to vector<1xi32>
      %squeeze3A_226 = vector.extract %slice3A_225[0] : i32 from vector<1xi32>
      %mul3A_227 = arith.constant 16 : i32
      %mul3A_228 = arith.muli %scan3A_102, %mul3A_227 : i32
      %add3A_229 = arith.constant 15 : i32
      %add3A_230 = arith.addi %mul3A_228, %add3A_229 : i32
      %swap3A_231 = arith.index_cast %add3A_230 : i32 to index
      %swap3A_232 = memref.load %arg8[%swap3A_231] : memref<256xi32, #tpu.memory_space<smem>>
      memref.store %squeeze3A_226, %arg8[%swap3A_231] : memref<256xi32, #tpu.memory_space<smem>>
      %scan3A_233 = arith.constant 0 : i32
      scf.yield %scan3A_233 : i32
    }
    %scan3A_36 = arith.constant 16 : i32
    %scan3A_37 = arith.constant 0 : i32
    %scan3A_38 = arith.constant 0 : i32
    %scan3A_39 = arith.constant 256 : i32
    %scan3A_40 = arith.addi %scan3A_38, %scan3A_39 : i32
    %scan3A_41 = arith.constant 1 : i32
    %scan3A_42 = scf.for %scan3A_102 = %scan3A_38 to %scan3A_40 step %scan3A_41 iter_args(%scan3A_103 = %scan3A_37) -> (i32)  : i32 {
      %get3A = arith.index_cast %scan3A_102 : i32 to index
      %get3A_104 = memref.load %arg8[%get3A] : memref<256xi32, #tpu.memory_space<smem>>
      %dma_start3A = arith.constant 0 : i32
      %dma_start3A_105 = tpu.memref_slice %arg12[%scan3A_102, %dma_start3A] : memref<256x64xf32, #tpu.memory_space<vmem>> -> memref<1x64xf32, #tpu.memory_space<vmem>>
      %dma_start3A_106 = arith.constant 0 : i32
      %dma_start3A_107 = tpu.memref_slice %arg6[%get3A_104, %dma_start3A_106] : memref<1015808x64xf32, #tpu.memory_space<hbm>> -> memref<1x64xf32, #tpu.memory_space<hbm>>
      %dma_start3A_108 = arith.constant 0 : i32
      %dma_start3A_109 = tpu.memref_slice %arg12[%scan3A_102, %dma_start3A_108] : memref<256x64xf32, #tpu.memory_space<vmem>> -> memref<1x64xf32, #tpu.memory_space<vmem>>
      %dma_start3A_110 = arith.constant 0 : i32
      %dma_start3A_111 = tpu.memref_slice %arg6[%get3A_104, %dma_start3A_110] : memref<1015808x64xf32, #tpu.memory_space<hbm>> -> memref<1x64xf32, #tpu.memory_space<hbm>>
      tpu.enqueue_dma source(%dma_start3A_111 : memref<1x64xf32, #tpu.memory_space<hbm>>) target(%dma_start3A_109 : memref<1x64xf32, #tpu.memory_space<vmem>>) target_semaphore(%arg15 : memref<!tpu.dma_semaphore, #tpu.memory_space<semaphore_mem>>)
      %scan3A_112 = arith.constant 0 : i32
      scf.yield %scan3A_112 : i32
    }
    %scan3A_43 = arith.constant 256 : i32
    %dma_wait3A = arith.constant 0 : i32
    %dma_wait3A_44 = arith.constant 0 : i32
    %dma_wait3A_45 = tpu.memref_slice %arg6[%dma_wait3A, %dma_wait3A_44] : memref<1015808x64xf32, #tpu.memory_space<hbm>> -> memref<256x64xf32, #tpu.memory_space<hbm>>
    %dma_wait3A_46 = arith.constant 0 : i32
    %dma_wait3A_47 = arith.constant 0 : i32
    %dma_wait3A_48 = tpu.memref_slice %arg6[%dma_wait3A_46, %dma_wait3A_47] : memref<1015808x64xf32, #tpu.memory_space<hbm>> -> memref<256x64xf32, #tpu.memory_space<hbm>>
    tpu.wait_dma2 semaphore(%arg13 : memref<!tpu.dma_semaphore, #tpu.memory_space<semaphore_mem>>) src(%dma_wait3A_48 : memref<256x64xf32, #tpu.memory_space<hbm>>) dst(%arg10 : memref<256x64xf32, #tpu.memory_space<vmem>>)
    %dma_wait3A_49 = arith.constant 0 : i32
    %dma_wait3A_50 = arith.constant 0 : i32
    %dma_wait3A_51 = tpu.memref_slice %arg6[%dma_wait3A_49, %dma_wait3A_50] : memref<1015808x64xf32, #tpu.memory_space<hbm>> -> memref<256x64xf32, #tpu.memory_space<hbm>>
    %dma_wait3A_52 = arith.constant 0 : i32
    %dma_wait3A_53 = arith.constant 0 : i32
    %dma_wait3A_54 = tpu.memref_slice %arg6[%dma_wait3A_52, %dma_wait3A_53] : memref<1015808x64xf32, #tpu.memory_space<hbm>> -> memref<256x64xf32, #tpu.memory_space<hbm>>
    tpu.wait_dma2 semaphore(%arg14 : memref<!tpu.dma_semaphore, #tpu.memory_space<semaphore_mem>>) src(%dma_wait3A_54 : memref<256x64xf32, #tpu.memory_space<hbm>>) dst(%arg11 : memref<256x64xf32, #tpu.memory_space<vmem>>)
    %scan3A_55 = arith.constant 0 : i32
    %scan3A_56 = arith.constant 0 : i32
    %scan3A_57 = arith.constant 256 : i32
    %scan3A_58 = arith.addi %scan3A_56, %scan3A_57 : i32
    %scan3A_59 = arith.constant 1 : i32
    %scan3A_60 = scf.for %scan3A_102 = %scan3A_56 to %scan3A_58 step %scan3A_59 iter_args(%scan3A_103 = %scan3A_55) -> (i32)  : i32 {
      %get3A = arith.index_cast %scan3A_102 : i32 to index
      %get3A_104 = arith.constant 0 : index
      %get3A_105 = tpu.vector_load %arg11[%get3A, %get3A_104] {strides = array<i32>} : memref<256x64xf32, #tpu.memory_space<vmem>>, vector<1x16xf32>,
      %get3A_106 = vector.shape_cast %get3A_105 : vector<1x16xf32> to vector<16xf32>
      %swap3A = arith.index_cast %scan3A_102 : i32 to index
      %swap3A_107 = arith.constant 0 : index
      %swap3A_108 = tpu.vector_load %arg10[%swap3A, %swap3A_107] {strides = array<i32>} : memref<256x64xf32, #tpu.memory_space<vmem>>, vector<1x16xf32>,
      %swap3A_109 = vector.shape_cast %swap3A_108 : vector<1x16xf32> to vector<16xf32>
      %swap3A_110 = vector.shape_cast %get3A_106 : vector<16xf32> to vector<1x16xf32>
      tpu.vector_store %arg10[%swap3A, %swap3A_107], %swap3A_110 {add = true, strides = array<i32>} : memref<256x64xf32, #tpu.memory_space<vmem>>, vector<1x16xf32>,
      %get3A_111 = arith.index_cast %scan3A_102 : i32 to index
      %get3A_112 = arith.constant 16 : index
      %get3A_113 = tpu.vector_load %arg11[%get3A_111, %get3A_112] {strides = array<i32>} : memref<256x64xf32, #tpu.memory_space<vmem>>, vector<1x16xf32>,
      %get3A_114 = vector.shape_cast %get3A_113 : vector<1x16xf32> to vector<16xf32>
      %swap3A_115 = arith.index_cast %scan3A_102 : i32 to index
      %swap3A_116 = arith.constant 16 : index
      %swap3A_117 = tpu.vector_load %arg10[%swap3A_115, %swap3A_116] {strides = array<i32>} : memref<256x64xf32, #tpu.memory_space<vmem>>, vector<1x16xf32>,
      %swap3A_118 = vector.shape_cast %swap3A_117 : vector<1x16xf32> to vector<16xf32>
      %swap3A_119 = vector.shape_cast %get3A_114 : vector<16xf32> to vector<1x16xf32>
      tpu.vector_store %arg10[%swap3A_115, %swap3A_116], %swap3A_119 {add = true, strides = array<i32>} : memref<256x64xf32, #tpu.memory_space<vmem>>, vector<1x16xf32>,
      %get3A_120 = arith.index_cast %scan3A_102 : i32 to index
      %get3A_121 = arith.constant 32 : index
      %get3A_122 = tpu.vector_load %arg11[%get3A_120, %get3A_121] {strides = array<i32>} : memref<256x64xf32, #tpu.memory_space<vmem>>, vector<1x16xf32>,
      %get3A_123 = vector.shape_cast %get3A_122 : vector<1x16xf32> to vector<16xf32>
      %swap3A_124 = arith.index_cast %scan3A_102 : i32 to index
      %swap3A_125 = arith.constant 32 : index
      %swap3A_126 = tpu.vector_load %arg10[%swap3A_124, %swap3A_125] {strides = array<i32>} : memref<256x64xf32, #tpu.memory_space<vmem>>, vector<1x16xf32>,
      %swap3A_127 = vector.shape_cast %swap3A_126 : vector<1x16xf32> to vector<16xf32>
      %swap3A_128 = vector.shape_cast %get3A_123 : vector<16xf32> to vector<1x16xf32>
      tpu.vector_store %arg10[%swap3A_124, %swap3A_125], %swap3A_128 {add = true, strides = array<i32>} : memref<256x64xf32, #tpu.memory_space<vmem>>, vector<1x16xf32>,
      %get3A_129 = arith.index_cast %scan3A_102 : i32 to index
      %get3A_130 = arith.constant 48 : index
      %get3A_131 = tpu.vector_load %arg11[%get3A_129, %get3A_130] {strides = array<i32>} : memref<256x64xf32, #tpu.memory_space<vmem>>, vector<1x16xf32>,
      %get3A_132 = vector.shape_cast %get3A_131 : vector<1x16xf32> to vector<16xf32>
      %swap3A_133 = arith.index_cast %scan3A_102 : i32 to index
      %swap3A_134 = arith.constant 48 : index
      %swap3A_135 = tpu.vector_load %arg10[%swap3A_133, %swap3A_134] {strides = array<i32>} : memref<256x64xf32, #tpu.memory_space<vmem>>, vector<1x16xf32>,
      %swap3A_136 = vector.shape_cast %swap3A_135 : vector<1x16xf32> to vector<16xf32>
      %swap3A_137 = vector.shape_cast %get3A_132 : vector<16xf32> to vector<1x16xf32>
      tpu.vector_store %arg10[%swap3A_133, %swap3A_134], %swap3A_137 {add = true, strides = array<i32>} : memref<256x64xf32, #tpu.memory_space<vmem>>, vector<1x16xf32>,
      %scan3A_138 = arith.constant 0 : i32
      scf.yield %scan3A_138 : i32
    }
    %scan3A_61 = arith.constant 256 : i32
    %dma_wait3A_62 = arith.constant 0 : i32
    %dma_wait3A_63 = arith.constant 0 : i32
    %dma_wait3A_64 = tpu.memref_slice %arg6[%dma_wait3A_62, %dma_wait3A_63] : memref<1015808x64xf32, #tpu.memory_space<hbm>> -> memref<256x64xf32, #tpu.memory_space<hbm>>
    %dma_wait3A_65 = arith.constant 0 : i32
    %dma_wait3A_66 = arith.constant 0 : i32
    %dma_wait3A_67 = tpu.memref_slice %arg6[%dma_wait3A_65, %dma_wait3A_66] : memref<1015808x64xf32, #tpu.memory_space<hbm>> -> memref<256x64xf32, #tpu.memory_space<hbm>>
    tpu.wait_dma2 semaphore(%arg15 : memref<!tpu.dma_semaphore, #tpu.memory_space<semaphore_mem>>) src(%dma_wait3A_67 : memref<256x64xf32, #tpu.memory_space<hbm>>) dst(%arg12 : memref<256x64xf32, #tpu.memory_space<vmem>>)
    "tpu.region"() ({
      %run_scoped3A = tpu.sem_alloc : memref<!tpu.dma_semaphore, #tpu.memory_space<semaphore_mem>>
      %dma_start3A = tpu.memref_slice %arg5[%mul3A_2] : memref<8192xi32, #tpu.memory_space<hbm>> -> memref<256xi32, #tpu.memory_space<hbm>>
      %dma_start3A_102 = tpu.memref_slice %arg5[%mul3A_2] : memref<8192xi32, #tpu.memory_space<hbm>> -> memref<256xi32, #tpu.memory_space<hbm>>
      tpu.enqueue_dma source(%dma_start3A_102 : memref<256xi32, #tpu.memory_space<hbm>>) target(%arg9 : memref<256xi32, #tpu.memory_space<vmem>>) target_semaphore(%run_scoped3A : memref<!tpu.dma_semaphore, #tpu.memory_space<semaphore_mem>>)
      %dma_wait3A_103 = tpu.memref_slice %arg5[%mul3A_2] : memref<8192xi32, #tpu.memory_space<hbm>> -> memref<256xi32, #tpu.memory_space<hbm>>
      %dma_wait3A_104 = tpu.memref_slice %arg5[%mul3A_2] : memref<8192xi32, #tpu.memory_space<hbm>> -> memref<256xi32, #tpu.memory_space<hbm>>
      tpu.wait_dma2 semaphore(%run_scoped3A : memref<!tpu.dma_semaphore, #tpu.memory_space<semaphore_mem>>) src(%dma_wait3A_104 : memref<256xi32, #tpu.memory_space<hbm>>) dst(%arg9 : memref<256xi32, #tpu.memory_space<vmem>>)
      tpu.yield
    }) : () -> ()
    %scan3A_68 = arith.constant 0 : i32
    %scan3A_69 = arith.constant 0 : i32
    %scan3A_70 = arith.constant 16 : i32
    %scan3A_71 = arith.addi %scan3A_69, %scan3A_70 : i32
    %scan3A_72 = arith.constant 1 : i32
    %scan3A_73 = scf.for %scan3A_102 = %scan3A_69 to %scan3A_71 step %scan3A_72 iter_args(%scan3A_103 = %scan3A_68) -> (i32)  : i32 {
      %mul3A_104 = arith.constant 16 : i32
      %mul3A_105 = arith.muli %scan3A_102, %mul3A_104 : i32
      %get3A = arith.index_cast %mul3A_105 : i32 to index
      %get3A_106 = tpu.vector_load %arg9[%get3A] {strides = array<i32>} : memref<256xi32, #tpu.memory_space<vmem>>, vector<16xi32>,
      %get3A_107 = vector.shape_cast %get3A_106 : vector<16xi32> to vector<16xi32>
      %slice3A = vector.extract_strided_slice %get3A_107 {offsets = [0], sizes = [1], strides = [1]} : vector<16xi32> to vector<1xi32>
      %squeeze3A = vector.extract %slice3A[0] : i32 from vector<1xi32>
      %mul3A_108 = arith.constant 16 : i32
      %mul3A_109 = arith.muli %scan3A_102, %mul3A_108 : i32
      %add3A_110 = arith.constant 0 : i32
      %add3A_111 = arith.addi %mul3A_109, %add3A_110 : i32
      %swap3A = arith.index_cast %add3A_111 : i32 to index
      %swap3A_112 = memref.load %arg8[%swap3A] : memref<256xi32, #tpu.memory_space<smem>>
      memref.store %squeeze3A, %arg8[%swap3A] : memref<256xi32, #tpu.memory_space<smem>>
      %slice3A_113 = vector.extract_strided_slice %get3A_107 {offsets = [1], sizes = [1], strides = [1]} : vector<16xi32> to vector<1xi32>
      %squeeze3A_114 = vector.extract %slice3A_113[0] : i32 from vector<1xi32>
      %mul3A_115 = arith.constant 16 : i32
      %mul3A_116 = arith.muli %scan3A_102, %mul3A_115 : i32
      %add3A_117 = arith.constant 1 : i32
      %add3A_118 = arith.addi %mul3A_116, %add3A_117 : i32
      %swap3A_119 = arith.index_cast %add3A_118 : i32 to index
      %swap3A_120 = memref.load %arg8[%swap3A_119] : memref<256xi32, #tpu.memory_space<smem>>
      memref.store %squeeze3A_114, %arg8[%swap3A_119] : memref<256xi32, #tpu.memory_space<smem>>
      %slice3A_121 = vector.extract_strided_slice %get3A_107 {offsets = [2], sizes = [1], strides = [1]} : vector<16xi32> to vector<1xi32>
      %squeeze3A_122 = vector.extract %slice3A_121[0] : i32 from vector<1xi32>
      %mul3A_123 = arith.constant 16 : i32
      %mul3A_124 = arith.muli %scan3A_102, %mul3A_123 : i32
      %add3A_125 = arith.constant 2 : i32
      %add3A_126 = arith.addi %mul3A_124, %add3A_125 : i32
      %swap3A_127 = arith.index_cast %add3A_126 : i32 to index
      %swap3A_128 = memref.load %arg8[%swap3A_127] : memref<256xi32, #tpu.memory_space<smem>>
      memref.store %squeeze3A_122, %arg8[%swap3A_127] : memref<256xi32, #tpu.memory_space<smem>>
      %slice3A_129 = vector.extract_strided_slice %get3A_107 {offsets = [3], sizes = [1], strides = [1]} : vector<16xi32> to vector<1xi32>
      %squeeze3A_130 = vector.extract %slice3A_129[0] : i32 from vector<1xi32>
      %mul3A_131 = arith.constant 16 : i32
      %mul3A_132 = arith.muli %scan3A_102, %mul3A_131 : i32
      %add3A_133 = arith.constant 3 : i32
      %add3A_134 = arith.addi %mul3A_132, %add3A_133 : i32
      %swap3A_135 = arith.index_cast %add3A_134 : i32 to index
      %swap3A_136 = memref.load %arg8[%swap3A_135] : memref<256xi32, #tpu.memory_space<smem>>
      memref.store %squeeze3A_130, %arg8[%swap3A_135] : memref<256xi32, #tpu.memory_space<smem>>
      %slice3A_137 = vector.extract_strided_slice %get3A_107 {offsets = [4], sizes = [1], strides = [1]} : vector<16xi32> to vector<1xi32>
      %squeeze3A_138 = vector.extract %slice3A_137[0] : i32 from vector<1xi32>
      %mul3A_139 = arith.constant 16 : i32
      %mul3A_140 = arith.muli %scan3A_102, %mul3A_139 : i32
      %add3A_141 = arith.constant 4 : i32
      %add3A_142 = arith.addi %mul3A_140, %add3A_141 : i32
      %swap3A_143 = arith.index_cast %add3A_142 : i32 to index
      %swap3A_144 = memref.load %arg8[%swap3A_143] : memref<256xi32, #tpu.memory_space<smem>>
      memref.store %squeeze3A_138, %arg8[%swap3A_143] : memref<256xi32, #tpu.memory_space<smem>>
      %slice3A_145 = vector.extract_strided_slice %get3A_107 {offsets = [5], sizes = [1], strides = [1]} : vector<16xi32> to vector<1xi32>
      %squeeze3A_146 = vector.extract %slice3A_145[0] : i32 from vector<1xi32>
      %mul3A_147 = arith.constant 16 : i32
      %mul3A_148 = arith.muli %scan3A_102, %mul3A_147 : i32
      %add3A_149 = arith.constant 5 : i32
      %add3A_150 = arith.addi %mul3A_148, %add3A_149 : i32
      %swap3A_151 = arith.index_cast %add3A_150 : i32 to index
      %swap3A_152 = memref.load %arg8[%swap3A_151] : memref<256xi32, #tpu.memory_space<smem>>
      memref.store %squeeze3A_146, %arg8[%swap3A_151] : memref<256xi32, #tpu.memory_space<smem>>
      %slice3A_153 = vector.extract_strided_slice %get3A_107 {offsets = [6], sizes = [1], strides = [1]} : vector<16xi32> to vector<1xi32>
      %squeeze3A_154 = vector.extract %slice3A_153[0] : i32 from vector<1xi32>
      %mul3A_155 = arith.constant 16 : i32
      %mul3A_156 = arith.muli %scan3A_102, %mul3A_155 : i32
      %add3A_157 = arith.constant 6 : i32
      %add3A_158 = arith.addi %mul3A_156, %add3A_157 : i32
      %swap3A_159 = arith.index_cast %add3A_158 : i32 to index
      %swap3A_160 = memref.load %arg8[%swap3A_159] : memref<256xi32, #tpu.memory_space<smem>>
      memref.store %squeeze3A_154, %arg8[%swap3A_159] : memref<256xi32, #tpu.memory_space<smem>>
      %slice3A_161 = vector.extract_strided_slice %get3A_107 {offsets = [7], sizes = [1], strides = [1]} : vector<16xi32> to vector<1xi32>
      %squeeze3A_162 = vector.extract %slice3A_161[0] : i32 from vector<1xi32>
      %mul3A_163 = arith.constant 16 : i32
      %mul3A_164 = arith.muli %scan3A_102, %mul3A_163 : i32
      %add3A_165 = arith.constant 7 : i32
      %add3A_166 = arith.addi %mul3A_164, %add3A_165 : i32
      %swap3A_167 = arith.index_cast %add3A_166 : i32 to index
      %swap3A_168 = memref.load %arg8[%swap3A_167] : memref<256xi32, #tpu.memory_space<smem>>
      memref.store %squeeze3A_162, %arg8[%swap3A_167] : memref<256xi32, #tpu.memory_space<smem>>
      %slice3A_169 = vector.extract_strided_slice %get3A_107 {offsets = [8], sizes = [1], strides = [1]} : vector<16xi32> to vector<1xi32>
      %squeeze3A_170 = vector.extract %slice3A_169[0] : i32 from vector<1xi32>
      %mul3A_171 = arith.constant 16 : i32
      %mul3A_172 = arith.muli %scan3A_102, %mul3A_171 : i32
      %add3A_173 = arith.constant 8 : i32
      %add3A_174 = arith.addi %mul3A_172, %add3A_173 : i32
      %swap3A_175 = arith.index_cast %add3A_174 : i32 to index
      %swap3A_176 = memref.load %arg8[%swap3A_175] : memref<256xi32, #tpu.memory_space<smem>>
      memref.store %squeeze3A_170, %arg8[%swap3A_175] : memref<256xi32, #tpu.memory_space<smem>>
      %slice3A_177 = vector.extract_strided_slice %get3A_107 {offsets = [9], sizes = [1], strides = [1]} : vector<16xi32> to vector<1xi32>
      %squeeze3A_178 = vector.extract %slice3A_177[0] : i32 from vector<1xi32>
      %mul3A_179 = arith.constant 16 : i32
      %mul3A_180 = arith.muli %scan3A_102, %mul3A_179 : i32
      %add3A_181 = arith.constant 9 : i32
      %add3A_182 = arith.addi %mul3A_180, %add3A_181 : i32
      %swap3A_183 = arith.index_cast %add3A_182 : i32 to index
      %swap3A_184 = memref.load %arg8[%swap3A_183] : memref<256xi32, #tpu.memory_space<smem>>
      memref.store %squeeze3A_178, %arg8[%swap3A_183] : memref<256xi32, #tpu.memory_space<smem>>
      %slice3A_185 = vector.extract_strided_slice %get3A_107 {offsets = [10], sizes = [1], strides = [1]} : vector<16xi32> to vector<1xi32>
      %squeeze3A_186 = vector.extract %slice3A_185[0] : i32 from vector<1xi32>
      %mul3A_187 = arith.constant 16 : i32
      %mul3A_188 = arith.muli %scan3A_102, %mul3A_187 : i32
      %add3A_189 = arith.constant 10 : i32
      %add3A_190 = arith.addi %mul3A_188, %add3A_189 : i32
      %swap3A_191 = arith.index_cast %add3A_190 : i32 to index
      %swap3A_192 = memref.load %arg8[%swap3A_191] : memref<256xi32, #tpu.memory_space<smem>>
      memref.store %squeeze3A_186, %arg8[%swap3A_191] : memref<256xi32, #tpu.memory_space<smem>>
      %slice3A_193 = vector.extract_strided_slice %get3A_107 {offsets = [11], sizes = [1], strides = [1]} : vector<16xi32> to vector<1xi32>
      %squeeze3A_194 = vector.extract %slice3A_193[0] : i32 from vector<1xi32>
      %mul3A_195 = arith.constant 16 : i32
      %mul3A_196 = arith.muli %scan3A_102, %mul3A_195 : i32
      %add3A_197 = arith.constant 11 : i32
      %add3A_198 = arith.addi %mul3A_196, %add3A_197 : i32
      %swap3A_199 = arith.index_cast %add3A_198 : i32 to index
      %swap3A_200 = memref.load %arg8[%swap3A_199] : memref<256xi32, #tpu.memory_space<smem>>
      memref.store %squeeze3A_194, %arg8[%swap3A_199] : memref<256xi32, #tpu.memory_space<smem>>
      %slice3A_201 = vector.extract_strided_slice %get3A_107 {offsets = [12], sizes = [1], strides = [1]} : vector<16xi32> to vector<1xi32>
      %squeeze3A_202 = vector.extract %slice3A_201[0] : i32 from vector<1xi32>
      %mul3A_203 = arith.constant 16 : i32
      %mul3A_204 = arith.muli %scan3A_102, %mul3A_203 : i32
      %add3A_205 = arith.constant 12 : i32
      %add3A_206 = arith.addi %mul3A_204, %add3A_205 : i32
      %swap3A_207 = arith.index_cast %add3A_206 : i32 to index
      %swap3A_208 = memref.load %arg8[%swap3A_207] : memref<256xi32, #tpu.memory_space<smem>>
      memref.store %squeeze3A_202, %arg8[%swap3A_207] : memref<256xi32, #tpu.memory_space<smem>>
      %slice3A_209 = vector.extract_strided_slice %get3A_107 {offsets = [13], sizes = [1], strides = [1]} : vector<16xi32> to vector<1xi32>
      %squeeze3A_210 = vector.extract %slice3A_209[0] : i32 from vector<1xi32>
      %mul3A_211 = arith.constant 16 : i32
      %mul3A_212 = arith.muli %scan3A_102, %mul3A_211 : i32
      %add3A_213 = arith.constant 13 : i32
      %add3A_214 = arith.addi %mul3A_212, %add3A_213 : i32
      %swap3A_215 = arith.index_cast %add3A_214 : i32 to index
      %swap3A_216 = memref.load %arg8[%swap3A_215] : memref<256xi32, #tpu.memory_space<smem>>
      memref.store %squeeze3A_210, %arg8[%swap3A_215] : memref<256xi32, #tpu.memory_space<smem>>
      %slice3A_217 = vector.extract_strided_slice %get3A_107 {offsets = [14], sizes = [1], strides = [1]} : vector<16xi32> to vector<1xi32>
      %squeeze3A_218 = vector.extract %slice3A_217[0] : i32 from vector<1xi32>
      %mul3A_219 = arith.constant 16 : i32
      %mul3A_220 = arith.muli %scan3A_102, %mul3A_219 : i32
      %add3A_221 = arith.constant 14 : i32
      %add3A_222 = arith.addi %mul3A_220, %add3A_221 : i32
      %swap3A_223 = arith.index_cast %add3A_222 : i32 to index
      %swap3A_224 = memref.load %arg8[%swap3A_223] : memref<256xi32, #tpu.memory_space<smem>>
      memref.store %squeeze3A_218, %arg8[%swap3A_223] : memref<256xi32, #tpu.memory_space<smem>>
      %slice3A_225 = vector.extract_strided_slice %get3A_107 {offsets = [15], sizes = [1], strides = [1]} : vector<16xi32> to vector<1xi32>
      %squeeze3A_226 = vector.extract %slice3A_225[0] : i32 from vector<1xi32>
      %mul3A_227 = arith.constant 16 : i32
      %mul3A_228 = arith.muli %scan3A_102, %mul3A_227 : i32
      %add3A_229 = arith.constant 15 : i32
      %add3A_230 = arith.addi %mul3A_228, %add3A_229 : i32
      %swap3A_231 = arith.index_cast %add3A_230 : i32 to index
      %swap3A_232 = memref.load %arg8[%swap3A_231] : memref<256xi32, #tpu.memory_space<smem>>
      memref.store %squeeze3A_226, %arg8[%swap3A_231] : memref<256xi32, #tpu.memory_space<smem>>
      %scan3A_233 = arith.constant 0 : i32
      scf.yield %scan3A_233 : i32
    }
    %scan3A_74 = arith.constant 16 : i32
    %scan3A_75 = arith.constant 0 : i32
    %scan3A_76 = arith.constant 0 : i32
    %scan3A_77 = arith.constant 256 : i32
    %scan3A_78 = arith.addi %scan3A_76, %scan3A_77 : i32
    %scan3A_79 = arith.constant 1 : i32
    %scan3A_80 = scf.for %scan3A_102 = %scan3A_76 to %scan3A_78 step %scan3A_79 iter_args(%scan3A_103 = %scan3A_75) -> (i32)  : i32 {
      %get3A = arith.index_cast %scan3A_102 : i32 to index
      %get3A_104 = memref.load %arg8[%get3A] : memref<256xi32, #tpu.memory_space<smem>>
      %dma_start3A = arith.constant 0 : i32
      %dma_start3A_105 = tpu.memref_slice %arg11[%scan3A_102, %dma_start3A] : memref<256x64xf32, #tpu.memory_space<vmem>> -> memref<1x64xf32, #tpu.memory_space<vmem>>
      %dma_start3A_106 = arith.constant 0 : i32
      %dma_start3A_107 = tpu.memref_slice %arg6[%get3A_104, %dma_start3A_106] : memref<1015808x64xf32, #tpu.memory_space<hbm>> -> memref<1x64xf32, #tpu.memory_space<hbm>>
      %dma_start3A_108 = arith.constant 0 : i32
      %dma_start3A_109 = tpu.memref_slice %arg11[%scan3A_102, %dma_start3A_108] : memref<256x64xf32, #tpu.memory_space<vmem>> -> memref<1x64xf32, #tpu.memory_space<vmem>>
      %dma_start3A_110 = arith.constant 0 : i32
      %dma_start3A_111 = tpu.memref_slice %arg6[%get3A_104, %dma_start3A_110] : memref<1015808x64xf32, #tpu.memory_space<hbm>> -> memref<1x64xf32, #tpu.memory_space<hbm>>
      tpu.enqueue_dma source(%dma_start3A_111 : memref<1x64xf32, #tpu.memory_space<hbm>>) target(%dma_start3A_109 : memref<1x64xf32, #tpu.memory_space<vmem>>) target_semaphore(%arg14 : memref<!tpu.dma_semaphore, #tpu.memory_space<semaphore_mem>>)
      %scan3A_112 = arith.constant 0 : i32
      scf.yield %scan3A_112 : i32
    }
    %scan3A_81 = arith.constant 256 : i32
    %scan3A_82 = arith.constant 0 : i32
    %scan3A_83 = arith.constant 0 : i32
    %scan3A_84 = arith.constant 256 : i32
    %scan3A_85 = arith.addi %scan3A_83, %scan3A_84 : i32
    %scan3A_86 = arith.constant 1 : i32
    %scan3A_87 = scf.for %scan3A_102 = %scan3A_83 to %scan3A_85 step %scan3A_86 iter_args(%scan3A_103 = %scan3A_82) -> (i32)  : i32 {
      %get3A = arith.index_cast %scan3A_102 : i32 to index
      %get3A_104 = arith.constant 0 : index
      %get3A_105 = tpu.vector_load %arg12[%get3A, %get3A_104] {strides = array<i32>} : memref<256x64xf32, #tpu.memory_space<vmem>>, vector<1x16xf32>,
      %get3A_106 = vector.shape_cast %get3A_105 : vector<1x16xf32> to vector<16xf32>
      %swap3A = arith.index_cast %scan3A_102 : i32 to index
      %swap3A_107 = arith.constant 0 : index
      %swap3A_108 = tpu.vector_load %arg10[%swap3A, %swap3A_107] {strides = array<i32>} : memref<256x64xf32, #tpu.memory_space<vmem>>, vector<1x16xf32>,
      %swap3A_109 = vector.shape_cast %swap3A_108 : vector<1x16xf32> to vector<16xf32>
      %swap3A_110 = vector.shape_cast %get3A_106 : vector<16xf32> to vector<1x16xf32>
      tpu.vector_store %arg10[%swap3A, %swap3A_107], %swap3A_110 {add = true, strides = array<i32>} : memref<256x64xf32, #tpu.memory_space<vmem>>, vector<1x16xf32>,
      %get3A_111 = arith.index_cast %scan3A_102 : i32 to index
      %get3A_112 = arith.constant 16 : index
      %get3A_113 = tpu.vector_load %arg12[%get3A_111, %get3A_112] {strides = array<i32>} : memref<256x64xf32, #tpu.memory_space<vmem>>, vector<1x16xf32>,
      %get3A_114 = vector.shape_cast %get3A_113 : vector<1x16xf32> to vector<16xf32>
      %swap3A_115 = arith.index_cast %scan3A_102 : i32 to index
      %swap3A_116 = arith.constant 16 : index
      %swap3A_117 = tpu.vector_load %arg10[%swap3A_115, %swap3A_116] {strides = array<i32>} : memref<256x64xf32, #tpu.memory_space<vmem>>, vector<1x16xf32>,
      %swap3A_118 = vector.shape_cast %swap3A_117 : vector<1x16xf32> to vector<16xf32>
      %swap3A_119 = vector.shape_cast %get3A_114 : vector<16xf32> to vector<1x16xf32>
      tpu.vector_store %arg10[%swap3A_115, %swap3A_116], %swap3A_119 {add = true, strides = array<i32>} : memref<256x64xf32, #tpu.memory_space<vmem>>, vector<1x16xf32>,
      %get3A_120 = arith.index_cast %scan3A_102 : i32 to index
      %get3A_121 = arith.constant 32 : index
      %get3A_122 = tpu.vector_load %arg12[%get3A_120, %get3A_121] {strides = array<i32>} : memref<256x64xf32, #tpu.memory_space<vmem>>, vector<1x16xf32>,
      %get3A_123 = vector.shape_cast %get3A_122 : vector<1x16xf32> to vector<16xf32>
      %swap3A_124 = arith.index_cast %scan3A_102 : i32 to index
      %swap3A_125 = arith.constant 32 : index
      %swap3A_126 = tpu.vector_load %arg10[%swap3A_124, %swap3A_125] {strides = array<i32>} : memref<256x64xf32, #tpu.memory_space<vmem>>, vector<1x16xf32>,
      %swap3A_127 = vector.shape_cast %swap3A_126 : vector<1x16xf32> to vector<16xf32>
      %swap3A_128 = vector.shape_cast %get3A_123 : vector<16xf32> to vector<1x16xf32>
      tpu.vector_store %arg10[%swap3A_124, %swap3A_125], %swap3A_128 {add = true, strides = array<i32>} : memref<256x64xf32, #tpu.memory_space<vmem>>, vector<1x16xf32>,
      %get3A_129 = arith.index_cast %scan3A_102 : i32 to index
      %get3A_130 = arith.constant 48 : index
      %get3A_131 = tpu.vector_load %arg12[%get3A_129, %get3A_130] {strides = array<i32>} : memref<256x64xf32, #tpu.memory_space<vmem>>, vector<1x16xf32>,
      %get3A_132 = vector.shape_cast %get3A_131 : vector<1x16xf32> to vector<16xf32>
      %swap3A_133 = arith.index_cast %scan3A_102 : i32 to index
      %swap3A_134 = arith.constant 48 : index
      %swap3A_135 = tpu.vector_load %arg10[%swap3A_133, %swap3A_134] {strides = array<i32>} : memref<256x64xf32, #tpu.memory_space<vmem>>, vector<1x16xf32>,
      %swap3A_136 = vector.shape_cast %swap3A_135 : vector<1x16xf32> to vector<16xf32>
      %swap3A_137 = vector.shape_cast %get3A_132 : vector<16xf32> to vector<1x16xf32>
      tpu.vector_store %arg10[%swap3A_133, %swap3A_134], %swap3A_137 {add = true, strides = array<i32>} : memref<256x64xf32, #tpu.memory_space<vmem>>, vector<1x16xf32>,
      %scan3A_138 = arith.constant 0 : i32
      scf.yield %scan3A_138 : i32
    }
    %scan3A_88 = arith.constant 256 : i32
    %dma_wait3A_89 = arith.constant 0 : i32
    %dma_wait3A_90 = arith.constant 0 : i32
    %dma_wait3A_91 = tpu.memref_slice %arg6[%dma_wait3A_89, %dma_wait3A_90] : memref<1015808x64xf32, #tpu.memory_space<hbm>> -> memref<256x64xf32, #tpu.memory_space<hbm>>
    %dma_wait3A_92 = arith.constant 0 : i32
    %dma_wait3A_93 = arith.constant 0 : i32
    %dma_wait3A_94 = tpu.memref_slice %arg6[%dma_wait3A_92, %dma_wait3A_93] : memref<1015808x64xf32, #tpu.memory_space<hbm>> -> memref<256x64xf32, #tpu.memory_space<hbm>>
    tpu.wait_dma2 semaphore(%arg14 : memref<!tpu.dma_semaphore, #tpu.memory_space<semaphore_mem>>) src(%dma_wait3A_94 : memref<256x64xf32, #tpu.memory_space<hbm>>) dst(%arg11 : memref<256x64xf32, #tpu.memory_space<vmem>>)
    %scan3A_95 = arith.constant 0 : i32
    %scan3A_96 = arith.constant 0 : i32
    %scan3A_97 = arith.constant 256 : i32
    %scan3A_98 = arith.addi %scan3A_96, %scan3A_97 : i32
    %scan3A_99 = arith.constant 1 : i32
    %scan3A_100 = scf.for %scan3A_102 = %scan3A_96 to %scan3A_98 step %scan3A_99 iter_args(%scan3A_103 = %scan3A_95) -> (i32)  : i32 {
      %get3A = arith.index_cast %scan3A_102 : i32 to index
      %get3A_104 = arith.constant 0 : index
      %get3A_105 = tpu.vector_load %arg11[%get3A, %get3A_104] {strides = array<i32>} : memref<256x64xf32, #tpu.memory_space<vmem>>, vector<1x16xf32>,
      %get3A_106 = vector.shape_cast %get3A_105 : vector<1x16xf32> to vector<16xf32>
      %swap3A = arith.index_cast %scan3A_102 : i32 to index
      %swap3A_107 = arith.constant 0 : index
      %swap3A_108 = tpu.vector_load %arg10[%swap3A, %swap3A_107] {strides = array<i32>} : memref<256x64xf32, #tpu.memory_space<vmem>>, vector<1x16xf32>,
      %swap3A_109 = vector.shape_cast %swap3A_108 : vector<1x16xf32> to vector<16xf32>
      %swap3A_110 = vector.shape_cast %get3A_106 : vector<16xf32> to vector<1x16xf32>
      tpu.vector_store %arg10[%swap3A, %swap3A_107], %swap3A_110 {add = true, strides = array<i32>} : memref<256x64xf32, #tpu.memory_space<vmem>>, vector<1x16xf32>,
      %get3A_111 = arith.index_cast %scan3A_102 : i32 to index
      %get3A_112 = arith.constant 16 : index
      %get3A_113 = tpu.vector_load %arg11[%get3A_111, %get3A_112] {strides = array<i32>} : memref<256x64xf32, #tpu.memory_space<vmem>>, vector<1x16xf32>,
      %get3A_114 = vector.shape_cast %get3A_113 : vector<1x16xf32> to vector<16xf32>
      %swap3A_115 = arith.index_cast %scan3A_102 : i32 to index
      %swap3A_116 = arith.constant 16 : index
      %swap3A_117 = tpu.vector_load %arg10[%swap3A_115, %swap3A_116] {strides = array<i32>} : memref<256x64xf32, #tpu.memory_space<vmem>>, vector<1x16xf32>,
      %swap3A_118 = vector.shape_cast %swap3A_117 : vector<1x16xf32> to vector<16xf32>
      %swap3A_119 = vector.shape_cast %get3A_114 : vector<16xf32> to vector<1x16xf32>
      tpu.vector_store %arg10[%swap3A_115, %swap3A_116], %swap3A_119 {add = true, strides = array<i32>} : memref<256x64xf32, #tpu.memory_space<vmem>>, vector<1x16xf32>,
      %get3A_120 = arith.index_cast %scan3A_102 : i32 to index
      %get3A_121 = arith.constant 32 : index
      %get3A_122 = tpu.vector_load %arg11[%get3A_120, %get3A_121] {strides = array<i32>} : memref<256x64xf32, #tpu.memory_space<vmem>>, vector<1x16xf32>,
      %get3A_123 = vector.shape_cast %get3A_122 : vector<1x16xf32> to vector<16xf32>
      %swap3A_124 = arith.index_cast %scan3A_102 : i32 to index
      %swap3A_125 = arith.constant 32 : index
      %swap3A_126 = tpu.vector_load %arg10[%swap3A_124, %swap3A_125] {strides = array<i32>} : memref<256x64xf32, #tpu.memory_space<vmem>>, vector<1x16xf32>,
      %swap3A_127 = vector.shape_cast %swap3A_126 : vector<1x16xf32> to vector<16xf32>
      %swap3A_128 = vector.shape_cast %get3A_123 : vector<16xf32> to vector<1x16xf32>
      tpu.vector_store %arg10[%swap3A_124, %swap3A_125], %swap3A_128 {add = true, strides = array<i32>} : memref<256x64xf32, #tpu.memory_space<vmem>>, vector<1x16xf32>,
      %get3A_129 = arith.index_cast %scan3A_102 : i32 to index
      %get3A_130 = arith.constant 48 : index
      %get3A_131 = tpu.vector_load %arg11[%get3A_129, %get3A_130] {strides = array<i32>} : memref<256x64xf32, #tpu.memory_space<vmem>>, vector<1x16xf32>,
      %get3A_132 = vector.shape_cast %get3A_131 : vector<1x16xf32> to vector<16xf32>
      %swap3A_133 = arith.index_cast %scan3A_102 : i32 to index
      %swap3A_134 = arith.constant 48 : index
      %swap3A_135 = tpu.vector_load %arg10[%swap3A_133, %swap3A_134] {strides = array<i32>} : memref<256x64xf32, #tpu.memory_space<vmem>>, vector<1x16xf32>,
      %swap3A_136 = vector.shape_cast %swap3A_135 : vector<1x16xf32> to vector<16xf32>
      %swap3A_137 = vector.shape_cast %get3A_132 : vector<16xf32> to vector<1x16xf32>
      tpu.vector_store %arg10[%swap3A_133, %swap3A_134], %swap3A_137 {add = true, strides = array<i32>} : memref<256x64xf32, #tpu.memory_space<vmem>>, vector<1x16xf32>,
      %scan3A_138 = arith.constant 0 : i32
      scf.yield %scan3A_138 : i32
    }
    %scan3A_101 = arith.constant 256 : i32
    "tpu.region"() ({
      %run_scoped3A = tpu.sem_alloc : memref<!tpu.dma_semaphore, #tpu.memory_space<semaphore_mem>>
      %dma_start3A = arith.constant 0 : i32
      %dma_start3A_102 = tpu.memref_slice %arg7[%mul3A_2, %dma_start3A] : memref<8192x64xf32, #tpu.memory_space<hbm>> -> memref<256x64xf32, #tpu.memory_space<hbm>>
      %dma_start3A_103 = arith.constant 0 : i32
      %dma_start3A_104 = tpu.memref_slice %arg7[%mul3A_2, %dma_start3A_103] : memref<8192x64xf32, #tpu.memory_space<hbm>> -> memref<256x64xf32, #tpu.memory_space<hbm>>
      tpu.enqueue_dma source(%arg10 : memref<256x64xf32, #tpu.memory_space<vmem>>) target(%dma_start3A_104 : memref<256x64xf32, #tpu.memory_space<hbm>>) target_semaphore(%run_scoped3A : memref<!tpu.dma_semaphore, #tpu.memory_space<semaphore_mem>>)
      %dma_wait3A_105 = arith.constant 0 : i32
      %dma_wait3A_106 = tpu.memref_slice %arg7[%mul3A_2, %dma_wait3A_105] : memref<8192x64xf32, #tpu.memory_space<hbm>> -> memref<256x64xf32, #tpu.memory_space<hbm>>
      %dma_wait3A_107 = arith.constant 0 : i32
      %dma_wait3A_108 = tpu.memref_slice %arg7[%mul3A_2, %dma_wait3A_107] : memref<8192x64xf32, #tpu.memory_space<hbm>> -> memref<256x64xf32, #tpu.memory_space<hbm>>
      tpu.wait_dma2 semaphore(%run_scoped3A : memref<!tpu.dma_semaphore, #tpu.memory_space<semaphore_mem>>) src(%arg10 : memref<256x64xf32, #tpu.memory_space<vmem>>) dst(%dma_wait3A_108 : memref<256x64xf32, #tpu.memory_space<hbm>>)
      tpu.yield
    }) : () -> ()
    return
  }
}

module attributes {stable_mosaic.version = 14 : i64} {
  func.func @body(%arg0: i32, %arg1: memref<64x64xf32, #tpu.memory_space<vmem>>, %arg2: memref<64x16384xf32, #tpu.memory_space<vmem>>, %arg3: memref<16384x64xf32, #tpu.memory_space<vmem>>) attributes {dimension_semantics = [#tpu.dimension_semantics<arbitrary>], iteration_bounds = array<i64: 62>, scalar_prefetch = 0 : i64, scratch_operands = 0 : i64, tpu.core_type = #tpu.core_type<tc>, window_params = [{pipeline_mode = #tpu.pipeline_mode<synchronous>, transform_indices = @transform_0, window_bounds = array<i64: 64, 64>}, {transform_indices = @transform_1, window_bounds = array<i64: 64, 16384>}, {transform_indices = @transform_2, window_bounds = array<i64: 16384, 64>}]} {
    %get3A = arith.constant 0 : index
    %get3A_0 = arith.constant 0 : index
    %get3A_1 = vector.load %arg2[%get3A, %get3A_0] : memref<64x16384xf32, #tpu.memory_space<vmem>>, vector<64x16384xf32>
    %get3A_2 = arith.constant 0 : index
    %get3A_3 = arith.constant 0 : index
    %get3A_4 = vector.load %arg1[%get3A_2, %get3A_3] : memref<64x64xf32, #tpu.memory_space<vmem>>, vector<64x64xf32>
    %dot_general3A = arith.constant dense<0.000000e+00> : vector<16384x64xf32>
    %dot_general3A_5 = tpu.matmul %get3A_1, %get3A_4, %dot_general3A {dimension_numbers = #tpu.dot_dimension_numbers<[0], [1], [1], [0], [0, 1, 1, 0], [], []>, transpose_lhs_hint = true} : vector<64x16384xf32>, vector<64x64xf32>, vector<16384x64xf32> -> vector<16384x64xf32>
    %swap3A = arith.constant 0 : index
    %swap3A_6 = arith.constant 0 : index
    %swap3A_7 = vector.load %arg3[%swap3A, %swap3A_6] : memref<16384x64xf32, #tpu.memory_space<vmem>>, vector<16384x64xf32>
    tpu.vector_store %arg3[%swap3A, %swap3A_6], %dot_general3A_5 {strides = array<i32>} : memref<16384x64xf32, #tpu.memory_space<vmem>>, vector<16384x64xf32>,
    return
  }
  func.func @transform_0(%arg0: i32) -> (i32, i32) {
    %c0_i32 = arith.constant 0 : i32
    %c0_i32_0 = arith.constant 0 : i32
    %c0_i32_1 = arith.constant 0 : i32
    return %c0_i32, %c0_i32_0 : i32, i32
  }
  func.func @transform_1(%arg0: i32) -> (i32, i32) {
    %c0_i32 = arith.constant 0 : i32
    %c0_i32_0 = arith.constant 0 : i32
    return %c0_i32, %arg0 : i32, i32
  }
  func.func @transform_2(%arg0: i32) -> (i32, i32) {
    %c0_i32 = arith.constant 0 : i32
    %c0_i32_0 = arith.constant 0 : i32
    return %arg0, %c0_i32 : i32, i32
  }
}

</mosaic_0001>

<sc_bundles>
// kernel: kernel.5.cloned.1.call-start
scs
__scs_entry_jumppad:
0x0: {  	(pc) =	sbr.rel $0x88, $3  }
0x1: {  	(tag) =	ssettag $0x0;
	lr =	simm.s32 $0x1  }
0x2: {  	[smem:$0x3F9B] =	sst lr;
	_ =	strace $0xD0000000  }
0x3: {  	_ = 	snop  }
0x4: {  	_ = 	snop  }
0x5: {  	_ = 	snop  }
0x6: {  	_ = 	snop  }
0x7: {  	_ = 	snop  }
__scs_overlays_trampoline_lowered:
0x8: {  	[smem:$0x3FAA] =	sst s0  }
0x9: {  	[smem:$0x3FAB] =	sst s1  }
0xa: {  	[smem:$0x3FAC] =	sst s2  }
0xb: {  	[smem:$0x3FAD] =	sst s3  }
0xc: {  	[smem:$0x3FAE] =	sst s4  }
0xd: {  	[smem:$0x3FAF] =	sst s5  }
0xe: {  	[smem:$0x3FB0] =	sst s6  }
0xf: {  	[smem:$0x3FB1] =	sst s7  }
0x10: {  	[smem:$0x3FB2] =	sst s8  }
0x11: {  	[smem:$0x3FB3] =	sst s9;
	s0 =	simm.s32 @!p0 $0x0  }
0x12: {  	s1 =	sld [smem:$0x3F99];
	s0 =	simm.s32 @p0 $0x1  }
0x13: {  	[smem:$0x3FB4] =	sst s0;
	s0 =	simm.s32 @!p1 $0x0  }
0x14: {  	s2 =	sld [smem:$0x3F98];
	s0 =	simm.s32 @p1 $0x1  }
0x15: {  	[smem:$0x3FB5] =	sst s0;
	s0 =	simm.s32 @!p2 $0x0  }
0x16: {  	s3 =	sld [smem:$0x3FDB];
	s0 =	simm.s32 @p2 $0x1  }
0x17: {  	s4 =	simm.s32 $0x1BF5;
	[smem:$0x3FB7] =	sst s0  }
0x18: {  	s0 =	sld [smem:$0x3F9A];
	_ =	swait.ge [sflag:s4], $0x0  }
0x19: {  	s7 =	sld [smem:$0x3F9B]  }
0x1a: {  	s8 =	sadd.s32 $0xFFFFE003, lr  }
0x1b: {  	s9 =	sadd.s32 $0xFFFFFEF7, lr;
	s5 =	simm.s32 $0xFFFFFFFF;
	p2 =	slt.u32 s8, $0xFFFFF086  }
0x1c: {  	p1 =	slt.u32 s9, $0xF7A;
	s5 =	simm.s32 @!p2 $0x0  }
0x1d: {  	s5 =	simm.s32 @p1 $0x1;
	p0 =	seq.s32 s7, s2  }
0x1e: {  	s7 =	smul.u32 @!p0 $0xF7A, s2;
	p2 =	seq.s32 @!p0 s5, $0x0  }
0x1f: {  	s9 =	smul.u32 $0xF7A, s1;
	s8 =	simm.s32 @!p0 $0x1BF5;
	p2 =	por !p2, p0  }
0x20: {  	[sflag:s8] =	ssyncset.s32 @!p0 $0xFFFFF086;
	s6 =	sadd.s32 @!p0 s3, s7;
	s7 =	simm.s32 @!p0 $0x108  }
0x21: {  	s3 =	sadd.s32 s3, s9;
	s6 =	sadd.s32 @!p0 $0x88, s6;
	s7 =	simm.s32 @p2 $0x1082  }
0x22: {  	[simem:s7], [sflag:s8] =	dma.local @!p0 [hbm:s6], $0xF7A  }
0x23: {  	s9 =	sor.u32 $0xD0000000, s2;
	s6 =	simm.s32 $0x108;
	_ =	swait.ge @!p0 [sflag:s8], $0x0  }
0x24: {  	s3 =	sadd.s32 $0x88, s3;
	s6 =	simm.s32 @!p1 $0x1082;
	[sflag:s4] =	ssyncset.s32 $0xFFFFF086  }
0x25: {  	[simem:s6], [sflag:s4] =	dma.local [hbm:s3], $0xF7A  }
0x26: {  	[smem:$0x3F9B] =	sst s1;
	(tag) =	ssettag s2;
	_ =	strace s9  }
0x27: {  	s1 =	sld [smem:$0x3FAB]  }
0x28: {  	s2 =	sld [smem:$0x3FAC]  }
0x29: {  	s4 =	sld [smem:$0x3FAE]  }
0x2a: {  	p0 =	seq.s32 s5, $0x0;
	s5 =	sld [smem:$0x3FAF]  }
0x2b: {  	s6 =	sld [smem:$0x3FB0]  }
0x2c: {  	s7 =	sld [smem:$0x3FB1]  }
0x2d: {  	s3 =	simm.s32 $0x108;
	s8 =	sld [smem:$0x3FB2]  }
0x2e: {  	s3 =	simm.s32 @!p0 $0x1082;
	s9 =	sld [smem:$0x3FB3]  }
0x2f: {  	lr =	sadd.s32 s0, s3;
	s0 =	sld [smem:$0x3FAA]  }
0x30: {  	s3 =	sld [smem:$0x3FAD]  }
0x31: {  	[smem:$0x3FB6] =	sst s10  }
0x32: {  	s10 =	sld [smem:$0x3FB4];
	_ =	sdelay $0x3  }
0x33: {  	p0 =	seq.s32 s10, $0x1;
	s10 =	sld [smem:$0x3FB6];
	_ =	sdelay $0x3  }
0x34: {  	[smem:$0x3FB6] =	sst s10  }
0x35: {  	s10 =	sld [smem:$0x3FB5];
	_ =	sdelay $0x3  }
0x36: {  	p1 =	seq.s32 s10, $0x1;
	s10 =	sld [smem:$0x3FB6];
	_ =	sdelay $0x3  }
0x37: {  	[smem:$0x3FB6] =	sst s10  }
0x38: {  	s10 =	sld [smem:$0x3FB7]  }
0x39: {  	_ = 	snop;
	(pc) =	sbr.ind lr, $3  }
0x3a: {  	_ = 	snop  }
0x3b: {  	_ = 	snop  }
0x3c: {  	p2 =	seq.s32 s10, $0x1;
	s10 =	sld [smem:$0x3FB6]  }
0x3d: {  	_ =	shalt  }
0x3e: {  	_ =	shalt  }
0x3f: {  	_ =	shalt  }
0x40: {  	_ =	shalt  }
0x41: {  	_ =	shalt  }
0x42: {  	_ =	shalt  }
0x43: {  	_ =	shalt  }
0x44: {  	_ =	shalt  }
0x45: {  	_ =	shalt  }
0x46: {  	_ =	shalt  }
0x47: {  	_ =	shalt  }
0x48: {  	_ =	shalt  }
0x49: {  	_ =	shalt  }
0x4a: {  	_ =	shalt  }
0x4b: {  	_ =	shalt  }
0x4c: {  	_ =	shalt  }
0x4d: {  	_ =	shalt  }
0x4e: {  	_ =	shalt  }
0x4f: {  	_ =	shalt  }
0x50: {  	_ =	shalt  }
0x51: {  	_ =	shalt  }
0x52: {  	_ =	shalt  }
0x53: {  	_ =	shalt  }
0x54: {  	_ =	shalt  }
0x55: {  	_ =	shalt  }
0x56: {  	_ =	shalt  }
0x57: {  	_ =	shalt  }
0x58: {  	_ =	shalt  }
0x59: {  	_ =	shalt  }
0x5a: {  	_ =	shalt  }
0x5b: {  	_ =	shalt  }
0x5c: {  	_ =	shalt  }
0x5d: {  	_ =	shalt  }
0x5e: {  	_ =	shalt  }
0x5f: {  	_ =	shalt  }
0x60: {  	_ =	shalt  }
0x61: {  	_ =	shalt  }
0x62: {  	_ =	shalt  }
0x63: {  	_ =	shalt  }
0x64: {  	_ =	shalt  }
0x65: {  	_ =	shalt  }
0x66: {  	_ =	shalt  }
0x67: {  	_ =	shalt  }
0x68: {  	_ =	shalt  }
0x69: {  	_ =	shalt  }
0x6a: {  	_ =	shalt  }
0x6b: {  	_ =	shalt  }
0x6c: {  	_ =	shalt  }
0x6d: {  	_ =	shalt  }
0x6e: {  	_ =	shalt  }
0x6f: {  	_ =	shalt  }
0x70: {  	_ =	shalt  }
0x71: {  	_ =	shalt  }
0x72: {  	_ =	shalt  }
0x73: {  	_ =	shalt  }
0x74: {  	_ =	shalt  }
0x75: {  	_ =	shalt  }
0x76: {  	_ =	shalt  }
0x77: {  	_ =	shalt  }
0x78: {  	_ =	shalt  }
0x79: {  	_ =	shalt  }
0x7a: {  	_ =	shalt  }
0x7b: {  	_ =	shalt  }
0x7c: {  	_ =	shalt  }
0x7d: {  	_ =	shalt  }
0x7e: {  	_ =	shalt  }
0x7f: {  	_ =	shalt  }
0x80: {  	_ =	shalt  }
0x81: {  	_ =	shalt  }
0x82: {  	_ =	shalt  }
0x83: {  	_ =	shalt  }
0x84: {  	_ =	shalt  }
0x85: {  	_ =	shalt  }
0x86: {  	_ =	shalt  }
0x87: {  	_ =	shalt  }
.Lfunc_end0:
.L_simem_size_0:
called_computation_lowered:
.L_overlay_start_0:
0x88: {  	s2 =	sld [smem:$0x3FD9]  }
0x89: {  	s3 =	sld [smem:$0x3FFE];
	_ =	sdelay $0x1  }
0x8a: {  	s1 =	srdreg.scid  }
0x8b: {  	s0 =	sand.u32 $0x1, s1  }
0x8c: {  	s17 =	sshll.u32 s0, $0xA;
	s2 =	sadd.s32 s3, s2  }
0x8d: {  	s2 =	sadd.s32 s2, s17  }
0x8e: {  	[smem:$0x3FC2] =	sst s2  }
0x8f: {  	_ = 	snop  }
0x90: {  	s18 =	sld [smem:$0x3FD0];
	(tm) =	ssettm $0x1  }
0x91: {  	s19 =	sld [smem:$0x3FFB];
	_ =	sdelay $0x3  }
0x92: {  	_ =	strace s19  }
0x93: {  	s2 =	sld [smem:$0x3FFC];
	_ =	sdelay $0x3  }
0x94: {  	_ =	strace s2  }
0x95: {  	s2 =	sld [smem:$0x3FFD];
	_ =	sdelay $0x3  }
0x96: {  	_ =	strace s2  }
0x97: {  	_ =	strace $0x8FFFFFFF  }
0x98: {  	s20 =	sld [smem:$0x3FDB];
	_ =	sdelay $0x1  }
0x99: {  	s4 =	simm.s32 $_scs_section_size  }
0x9a: {  	s5 =	simm.s32 $_size__tile_overlayer_lowered;
	s6 =	simm.s32 $_tile_overlayer_lowered  }
0x9b: {  	s7 =	simm.s32 $0x1BFF;
	s21 =	sshll.u32 s6, $0x1;
	s4 =	sadd.s32 s4, s20  }
0x9c: {  	s22 =	simm.s32 $0x0;
	s5 =	sshll.u32 s5, $0x1;
	s6 =	sadd.s32 s21, s4  }
0x9d: {  	[timem:s22], [sflag:s7] =	dma.local [hbm:s6], s5  }
0x9e: {  	_ =	swait.ge [sflag:s7], s5  }
0x9f: {  	s5 =	ssub.s32 $0x0, s5;
	[sflag:s7] =	ssyncset.done $0x0  }
0xa0: {  	[sflag:s7] =	ssyncadd.s32 s5;
	_ =	sdelay $0x1  }
0xa1: {  	s23 =	simm.s32 $0x1B8B  }
0xa2: {  	_ =	swait.ge [sflag:s23], $0x1  }
0xa3: {  	[sflag:s23] =	ssyncset.done $0x0  }
0xa4: {  	[sflag:s23] =	ssyncadd.s32 $0xFFFFFFFF  }
0xa5: {  	s5 =	sld [smem:$0x0]  }
0xa6: {  	s6 =	sand.u32 $0xFFFFFFFE, s1  }
0xa7: {  	p0 =	sne.s32 s1, s6  }
0xa8: {  	s6 =	sshll.u32 @p0 s6, $0xE  }
0xa9: {  	s6 =	sadd.s32 @p0 $0x11B8D, s6;
	s7 =	sshll.u32 @p0 s5, $0x11  }
0xaa: {  	s6 =	sor.u32 @p0 s7, s6  }
0xab: {  	[sflag:s6] =	ssyncadd.remote.s32 @p0 $0x1;
	_ =	sdelay $0x1  }
0xac: {  	s6 =	simm.s32 @p0 $0x1B8D  }
0xad: {  	_ =	swait.eq @p0 [sflag:s6], $0x1  }
0xae: {  	[sflag:s6] =	ssyncadd.s32 @p0 $0xFFFFFFFF  }
0xaf: {  	s7 =	sshll.u32 @!p0 s1, $0xE  }
0xb0: {  	s7 =	sor.u32 @!p0 $0x4000, s7;
	s6 =	simm.s32 @!p0 $0x1B8D  }
0xb1: {  	s5 =	sshll.u32 @!p0 s5, $0x11;
	s7 =	sadd.s32 @!p0 $0x11B8D, s7;
	_ =	swait.eq @!p0 [sflag:s6], $0x1  }
0xb2: {  	s5 =	sor.u32 @!p0 s5, s7;
	[sflag:s6] =	ssyncadd.s32 @!p0 $0xFFFFFFFF  }
0xb3: {  	s25 =	simm.s32 $0x1B8E;
	s24 =	sld [smem:$0x3FFE];
	[sflag:s5] =	ssyncadd.remote.s32 @!p0 $0x1  }
0xb4: {  	s26 =	simm.s32 $execute0_lowered;
	[smem:$0x3FD2] =	sst s25  }
0xb5: {  	s6 =	sshll.u32 s26, $0x1;
	_ =	strace $0x80000049;
	[dreg:$0x1] =	wrdreg $0xFFFFFFFF  }
0xb6: {  	s28 =	simm.s32 $_size_execute0_lowered;
	s4 =	sadd.s32 s4, s6;
	[dreg:$0x0] =	wrdreg $0x0  }
0xb7: {  	s6 =	sshll.u32 s28, $0x1;
	[dreg:$0x2] =	wrdreg s4  }
0xb8: {  	[dreg:$0x3] =	wrdreg s6  }
0xb9: {  	[dreg:$0x4] =	wrdreg $0xC0  }
0xba: {  	_ =	task [dreg:s22], $0x5FFFF  }
0xbb: {  	[dreg:$0x1] =	wrdreg $0xFFFFFFFF  }
0xbc: {  	[dreg:$0x0] =	wrdreg $0x60  }
0xbd: {  	[dreg:$0x2] =	wrdreg s24  }
0xbe: {  	[dreg:$0x3] =	wrdreg s18  }
0xbf: {  	[dreg:$0x4] =	wrdreg $0x9  }
0xc0: {  	_ =	task.clear_ibuf [dreg:s22], $0x5FFFF;
	_ =	strace $0x90000049  }
0xc1: {  	s29 =	simm.s32 $0x9;
	_ =	strace $0x8000004B  }
0xc2: {  	_ =	swait.ge [sflag:s29], $0x1  }
0xc3: {  	[sflag:s29] =	ssyncadd.s32 $0xFFFFFFFF  }
0xc4: {  	_ =	strace $0x9000004B  }
0xc5: {  	_ =	sfence  }
0xc6: {  	s30 =	sld [smem:$0x0];
	_ =	sdelay $0x2  }
0xc7: {  	s31 =	sshll.u32 s1, $0xD;
	s1 =	sshrl.u32 s1, $0x2  }
0xc8: {  	s4 =	sand.u32 $0x4000, s31;
	s1 =	sadd.s32 s1, s30  }
0xc9: {  	s0 =	sor.u32 s4, s0;
	s1 =	sshll.u32 s1, $0x11  }
0xca: {  	s0 =	sor.u32 s1, s0  }
0xcb: {  	s0 =	sadd.s32 $0x8F2B, s0  }
0xcc: {  	[sflag:s0] =	ssyncadd.remote.s32 $0x1  }
0xcd: {  	_ =	sfence.sel $0xFFFF  }
0xce: {  	[dreg:$0x0] =	wrdreg $0xFFFFFFFF;
	(pc) =	sbr.abs _section_cstart, $3  }
0xcf: {  	[dreg:$0x1] =	wrdreg $0xFFFFFFFF  }
0xd0: {  	_ =	task.clear_ibuf [dreg:s22], $0x2FFFF;
	_ =	strace $0x9FFFFFFF  }
0xd1: {  	(tm) =	ssettm $0x7FFFFFFF  }
tec
execute0_lowered:
.L_overlay_start_1:
0x0: {  	(tag) =	ssettag $0x1  }
0x1: {  	s1 =	srdreg.scid;
	s3 =	rddreg [dreg:$0x0]  }
0x2: {  	s0 =	stileid.u32;
	s8 =	rddreg [dreg:$0x1]  }
0x3: {  	s2 =	simm.s32 $0x0;
	s12 =	simm.s32 $0x2;
	s13 =	simm.s32 $0x3  }
0x4: {  	s14 =	simm.s32 $0x100;
	s15 =	simm.s32 $0x0;
	s4 =	sand.u32 $0x1, s1  }
0x5: {  	s5 =	sshll.u32 s0, $0x9;
	s1 =	rddreg [dreg:$0x2];
	s6 =	sshll.u32 s4, $0x8  }
0x6: {  	[smem:$0x7FF] =	sst s2;
	s4 =	ssub.s32 $0x2, s4;
	s7 =	sor.u32 s6, s5  }
0x7: {  	_ =	strace $0x8000004A;
	s31 =	sshrl.u32 s4, $0x1;
	s5 =	sshrl.u32 s7, $0x3  }
0x8: {  	s10 =	ssub.s32 s4, s31;
	s11 =	sshll.u32 s7, $0x4;
	s9 =	sadd.s32 s5, s3  }
0x9: {  	s3 =	sadd.s32 $0x2E00, s3;
	s8 =	sadd.s32 s8, s11;
	s11 =	simm.s32 $0x1  }
0xa: {  	s4 =	sadd.s32 $0x1A00, s9;
	s5 =	sadd.s32 $0x1600, s9;
	s6 =	sadd.s32 $0x2A00, s9  }
0xb: {  	s7 =	sadd.s32 $0x2600, s9;
	s9 =	smax.u32 s10, $0x1;
	s10 =	simm.s32 $0x4  }
.LBB2_1:
0xc: {  	[tilespmem:s2], [sflag:$0x4] =	stream.linear.gather [hbm4b:s4+s2], $0x100, $0x38;
	[tilespmem:$0x18100] =	vst v63  }
0xd: {  	_ =	swait.ge [sflag:s10], $0x100  }
0xe: {  	[sflag:s10] =	ssyncset.done $0x0  }
0xf: {  	s17 =	simm.s32 $0x0;
	[sflag:s10] =	ssyncadd.s32 $0xFFFFFF00  }
0x10: {  	v1 =	vld [tilespmem:s17+$0x0];
	_ =	sdelay $0x4  }
0x11: {  	(v2sf) =	vpush v1, $0x0  }
0x12: {  	(v2sf) =	vpush v1, $0x1;
	_ =	sdelay $0x1  }
0x13: {  	(v2sf) =	vpush v1, $0x2  }
0x14: {  	(v2sf) =	vpush v1, $0x3  }
0x15: {  	(v2sf) =	vpush v1, $0x4  }
0x16: {  	(v2sf) =	vpush v1, $0x5  }
0x17: {  	(v2sf) =	vpush v1, $0x6  }
0x18: {  	(v2sf) =	vpush v1, $0x7  }
0x19: {  	(v2sf) =	vpush v1, $0x8  }
0x1a: {  	(v2sf) =	vpush v1, $0x9  }
0x1b: {  	s16 =	simm.s32 $0x10;
	(v2sf) =	vpush v1, $0xA  }
0x1c: {  	v0 =	vld [tilespmem:s16+$0x0];
	(v2sf) =	vpush v1, $0xB  }
0x1d: {  	(v2sf) =	vpush v1, $0xC  }
0x1e: {  	(v2sf) =	vpush v1, $0xD  }
0x1f: {  	(v2sf) =	vpush v1, $0xE;
	s18 =	spop (v2sf)  }
0x20: {  	(v2sf) =	vpush v1, $0xF;
	[smem:s17] =	sst s18;
	s31 =	spop (v2sf)  }
0x21: {  	(v2sf) =	vpush v0, $0x0;
	[smem:$0x1] =	sst s31  }
0x22: {  	s18 =	spop (v2sf)  }
0x23: {  	(v2sf) =	vpush v0, $0x1;
	[smem:$0x2] =	sst s18  }
0x24: {  	s18 =	spop (v2sf)  }
0x25: {  	(v2sf) =	vpush v0, $0x2;
	[smem:$0x3] =	sst s18  }
0x26: {  	s18 =	spop (v2sf)  }
0x27: {  	(v2sf) =	vpush v0, $0x3;
	[smem:$0x4] =	sst s18  }
0x28: {  	s18 =	spop (v2sf)  }
0x29: {  	(v2sf) =	vpush v0, $0x4;
	[smem:$0x5] =	sst s18  }
0x2a: {  	s18 =	spop (v2sf)  }
0x2b: {  	(v2sf) =	vpush v0, $0x5;
	[smem:$0x6] =	sst s18  }
0x2c: {  	s18 =	spop (v2sf)  }
0x2d: {  	(v2sf) =	vpush v0, $0x6;
	[smem:$0x7] =	sst s18  }
0x2e: {  	s18 =	spop (v2sf)  }
0x2f: {  	(v2sf) =	vpush v0, $0x7;
	[smem:$0x8] =	sst s18  }
0x30: {  	s18 =	spop (v2sf)  }
0x31: {  	(v2sf) =	vpush v0, $0x8;
	[smem:$0x9] =	sst s18  }
0x32: {  	s18 =	spop (v2sf)  }
0x33: {  	(v2sf) =	vpush v0, $0x9;
	[smem:$0xA] =	sst s18  }
0x34: {  	s18 =	spop (v2sf)  }
0x35: {  	(v2sf) =	vpush v0, $0xA;
	[smem:$0xB] =	sst s18  }
0x36: {  	s19 =	spop (v2sf)  }
0x37: {  	(v2sf) =	vpush v0, $0xB;
	[smem:$0xC] =	sst s19  }
0x38: {  	s18 =	simm.s32 $0x20;
	s19 =	spop (v2sf)  }
0x39: {  	v1 =	vld [tilespmem:s18+$0x0];
	(v2sf) =	vpush v0, $0xC;
	[smem:$0xD] =	sst s19  }
0x3a: {  	s19 =	spop (v2sf)  }
0x3b: {  	(v2sf) =	vpush v0, $0xD;
	[smem:$0xE] =	sst s19  }
0x3c: {  	s19 =	simm.s32 $0xC0;
	s20 =	spop (v2sf)  }
.LBB2_2:
0x3d: {  	p0 =	sne.s32 s19, $0x3C0;
	[smem:s17+$0xF] =	sst s20;
	s20 =	smov.u32 s19  }
0x3e: {  	(v2sf) =	vpush v0, $0xE;
	s19 =	sadd.s32 $0x40, s19;
	s17 =	smov.u32 s16;
	s16 =	smov.u32 s18  }
0x3f: {  	s18 =	spop (v2sf);
	(v2sf) =	vpush v0, $0xF  }
0x40: {  	[smem:s17] =	sst s18;
	s18 =	spop (v2sf)  }
0x41: {  	(v2sf) =	vpush v1, $0x0;
	[smem:s17+$0x1] =	sst s18;
	s18 =	spop (v2sf);
	v0 =	vmov v1  }
0x42: {  	(v2sf) =	vpush v0, $0x1;
	[smem:s17+$0x2] =	sst s18;
	s18 =	spop (v2sf)  }
0x43: {  	(v2sf) =	vpush v0, $0x2;
	[smem:s17+$0x3] =	sst s18;
	s18 =	spop (v2sf)  }
0x44: {  	(v2sf) =	vpush v0, $0x3;
	[smem:s17+$0x4] =	sst s18;
	s18 =	spop (v2sf)  }
0x45: {  	(v2sf) =	vpush v0, $0x4;
	[smem:s17+$0x5] =	sst s18;
	s18 =	spop (v2sf)  }
0x46: {  	(v2sf) =	vpush v0, $0x5;
	[smem:s17+$0x6] =	sst s18;
	s18 =	spop (v2sf)  }
0x47: {  	(v2sf) =	vpush v0, $0x6;
	[smem:s17+$0x7] =	sst s18;
	s18 =	spop (v2sf)  }
0x48: {  	(v2sf) =	vpush v0, $0x7;
	[smem:s17+$0x8] =	sst s18;
	s18 =	spop (v2sf)  }
0x49: {  	(v2sf) =	vpush v0, $0x8;
	[smem:s17+$0x9] =	sst s18;
	s18 =	spop (v2sf)  }
0x4a: {  	[smem:s17+$0xA] =	sst s18  }
.Ltmp0:
0x4b: {  	(v2sf) =	vpush v0, $0x9;
	s18 =	spop (v2sf);
	(pc) =	sbr.rel @p0 .LBB2_2-.Ltmp0, $4  }
0x4c: {  	(v2sf) =	vpush v0, $0xA;
	[smem:s17+$0xB] =	sst s18;
	s21 =	spop (v2sf)  }
0x4d: {  	s18 =	sshra.s32 s20, $0x2;
	(v2sf) =	vpush v0, $0xB;
	[smem:s17+$0xC] =	sst s21;
	s20 =	spop (v2sf)  }
0x4e: {  	v1 =	vld [tilespmem:s18+$0x0];
	(v2sf) =	vpush v0, $0xC;
	[smem:s17+$0xD] =	sst s20;
	s20 =	spop (v2sf)  }
0x4f: {  	(v2sf) =	vpush v0, $0xD;
	[smem:s17+$0xE] =	sst s20;
	s20 =	spop (v2sf)  }
0x50: {  	_ = 	snop  }
0x51: {  	(v2sf) =	vpush v0, $0xE  }
0x52: {  	[smem:s17+$0xF] =	sst s20;
	s23 =	spop (v2sf);
	(v2sf) =	vpush v0, $0xF  }
0x53: {  	[smem:s16] =	sst s23;
	s24 =	spop (v2sf);
	(v2sf) =	vpush v1, $0x0  }
0x54: {  	[smem:s16+$0x1] =	sst s24;
	s25 =	spop (v2sf);
	(v2sf) =	vpush v1, $0x1  }
0x55: {  	[smem:s16+$0x2] =	sst s25;
	s26 =	spop (v2sf);
	(v2sf) =	vpush v1, $0x2  }
0x56: {  	[smem:s16+$0x3] =	sst s26;
	s28 =	spop (v2sf);
	(v2sf) =	vpush v1, $0x3  }
0x57: {  	[smem:s16+$0x4] =	sst s28;
	s29 =	spop (v2sf);
	(v2sf) =	vpush v1, $0x4  }
0x58: {  	[smem:s16+$0x5] =	sst s29;
	s30 =	spop (v2sf);
	(v2sf) =	vpush v1, $0x5  }
0x59: {  	[smem:s16+$0x6] =	sst s30;
	s31 =	spop (v2sf);
	(v2sf) =	vpush v1, $0x6  }
0x5a: {  	[smem:s16+$0x7] =	sst s31;
	s19 =	spop (v2sf);
	(v2sf) =	vpush v1, $0x7  }
0x5b: {  	[smem:s16+$0x8] =	sst s19;
	s20 =	spop (v2sf);
	(v2sf) =	vpush v1, $0x8  }
0x5c: {  	[smem:s16+$0x9] =	sst s20;
	s21 =	spop (v2sf);
	(v2sf) =	vpush v1, $0x9  }
0x5d: {  	[smem:s16+$0xA] =	sst s21;
	s22 =	spop (v2sf);
	(v2sf) =	vpush v1, $0xA  }
0x5e: {  	[smem:s16+$0xB] =	sst s22;
	s23 =	spop (v2sf);
	(v2sf) =	vpush v1, $0xB  }
0x5f: {  	[smem:s16+$0xC] =	sst s23;
	s24 =	spop (v2sf);
	(v2sf) =	vpush v1, $0xC  }
0x60: {  	[smem:s16+$0xD] =	sst s24;
	s25 =	spop (v2sf);
	(v2sf) =	vpush v1, $0xD  }
0x61: {  	[smem:s16+$0xE] =	sst s25;
	s26 =	spop (v2sf);
	(v2sf) =	vpush v1, $0xE  }
0x62: {  	[smem:s16+$0xF] =	sst s26;
	s28 =	spop (v2sf);
	(v2sf) =	vpush v1, $0xF  }
0x63: {  	[smem:s18] =	sst s28;
	s29 =	spop (v2sf)  }
0x64: {  	[smem:s18+$0x1] =	sst s29;
	s30 =	spop (v2sf)  }
0x65: {  	[smem:s18+$0x2] =	sst s30;
	s31 =	spop (v2sf)  }
0x66: {  	[smem:s18+$0x3] =	sst s31;
	s17 =	spop (v2sf)  }
0x67: {  	[smem:s18+$0x4] =	sst s17;
	s19 =	spop (v2sf)  }
0x68: {  	[smem:s18+$0x5] =	sst s19;
	s20 =	spop (v2sf)  }
0x69: {  	[smem:s18+$0x6] =	sst s20;
	s21 =	spop (v2sf)  }
0x6a: {  	[smem:s18+$0x7] =	sst s21;
	s22 =	spop (v2sf)  }
0x6b: {  	[smem:s18+$0x8] =	sst s22;
	s23 =	spop (v2sf)  }
0x6c: {  	[smem:s18+$0x9] =	sst s23;
	s24 =	spop (v2sf)  }
0x6d: {  	[smem:s18+$0xA] =	sst s24;
	s25 =	spop (v2sf)  }
0x6e: {  	[smem:s18+$0xB] =	sst s25;
	s26 =	spop (v2sf)  }
0x6f: {  	[smem:s18+$0xC] =	sst s26;
	s28 =	spop (v2sf)  }
0x70: {  	[smem:s18+$0xD] =	sst s28;
	s29 =	spop (v2sf)  }
0x71: {  	[smem:s18+$0xE] =	sst s29;
	s30 =	spop (v2sf)  }
0x72: {  	[smem:s18+$0xF] =	sst s30  }
0x73: {  	s16 =	sld [smem:$0x0];
	_ =	sdelay $0x2  }
0x74: {  	s16 =	sshll.u32 s16, $0x4  }
0x75: {  	s31 =	sand.u32 $0x1FFFFFF0, s16  }
0x76: {  	s17 =	sld [smem:$0x1];
	s16 =	simm.s32 $0x100;
	s18 =	sadd.s32 s3, s31  }
0x77: {  	[tilespmem:s16], [sflag:$0x1] =	stream.linear.gather [hbm4b:s18+s2], $0x80, $0x38;
	[tilespmem:$0x18100] =	vst v63  }
0x78: {  	s18 =	simm.s32 $0x8  }
.LBB2_4:
0x79: {  	p0 =	sne.s32 s18, $0x3FC  }
.Ltmp1:
0x7a: {  	_ = 	snop;
	(pc) =	sbr.rel @p0 .LBB2_4-.Ltmp1, $4  }
0x7b: {  	s20 =	sshll.u32 s17, $0x4  }
0x7c: {  	s19 =	sshra.s32 s18, $0x2;
	s16 =	sadd.s32 $0x80, s16;
	s31 =	sand.u32 $0x1FFFFFF0, s20  }
0x7d: {  	s18 =	sadd.s32 $0x4, s18;
	s17 =	sld [smem:s19+$0x0];
	s19 =	sadd.s32 s3, s31  }
0x7e: {  	[tilespmem:s16], [sflag:$0x1] =	stream.linear.gather [hbm4b:s19+s2], $0x80, $0x38;
	[tilespmem:$0x18100] =	vst v63  }
0x7f: {  	_ = 	snop  }
0x80: {  	s17 =	sshll.u32 s17, $0x4  }
0x81: {  	s17 =	sand.u32 $0x1FFFFFF0, s17  }
0x82: {  	s16 =	sadd.s32 $0x80, s16;
	s17 =	sadd.s32 s3, s17  }
0x83: {  	[tilespmem:s16], [sflag:$0x1] =	stream.linear.gather [hbm4b:s17+s2], $0x80, $0x38;
	[tilespmem:$0x18100] =	vst v63  }
0x84: {  	s30 =	simm.s32 $0x0  }
0x85: {  	[tilespmem:s30], [sflag:$0x4] =	stream.linear.gather [hbm4b:s5+s30], $0x100, $0x38;
	[tilespmem:$0x18100] =	vst v63  }
0x86: {  	_ =	swait.ge [sflag:s10], $0x100  }
0x87: {  	[sflag:s10] =	ssyncset.done $0x0  }
0x88: {  	s17 =	simm.s32 $0x0;
	[sflag:s10] =	ssyncadd.s32 $0xFFFFFF00  }
0x89: {  	v1 =	vld [tilespmem:s17+$0x0];
	_ =	sdelay $0x4  }
0x8a: {  	(v2sf) =	vpush v1, $0x0  }
0x8b: {  	(v2sf) =	vpush v1, $0x1;
	_ =	sdelay $0x1  }
0x8c: {  	(v2sf) =	vpush v1, $0x2  }
0x8d: {  	(v2sf) =	vpush v1, $0x3  }
0x8e: {  	(v2sf) =	vpush v1, $0x4  }
0x8f: {  	(v2sf) =	vpush v1, $0x5  }
0x90: {  	(v2sf) =	vpush v1, $0x6  }
0x91: {  	(v2sf) =	vpush v1, $0x7  }
0x92: {  	(v2sf) =	vpush v1, $0x8  }
0x93: {  	(v2sf) =	vpush v1, $0x9  }
0x94: {  	s16 =	simm.s32 $0x10;
	(v2sf) =	vpush v1, $0xA  }
0x95: {  	v0 =	vld [tilespmem:s16+$0x0];
	(v2sf) =	vpush v1, $0xB  }
0x96: {  	(v2sf) =	vpush v1, $0xC  }
0x97: {  	(v2sf) =	vpush v1, $0xD  }
0x98: {  	(v2sf) =	vpush v1, $0xE;
	s18 =	spop (v2sf)  }
0x99: {  	(v2sf) =	vpush v1, $0xF;
	[smem:s17] =	sst s18;
	s31 =	spop (v2sf)  }
0x9a: {  	(v2sf) =	vpush v0, $0x0;
	[smem:$0x1] =	sst s31  }
0x9b: {  	s18 =	spop (v2sf)  }
0x9c: {  	(v2sf) =	vpush v0, $0x1;
	[smem:$0x2] =	sst s18  }
0x9d: {  	s18 =	spop (v2sf)  }
0x9e: {  	(v2sf) =	vpush v0, $0x2;
	[smem:$0x3] =	sst s18  }
0x9f: {  	s18 =	spop (v2sf)  }
0xa0: {  	(v2sf) =	vpush v0, $0x3;
	[smem:$0x4] =	sst s18  }
0xa1: {  	s18 =	spop (v2sf)  }
0xa2: {  	(v2sf) =	vpush v0, $0x4;
	[smem:$0x5] =	sst s18  }
0xa3: {  	s18 =	spop (v2sf)  }
0xa4: {  	(v2sf) =	vpush v0, $0x5;
	[smem:$0x6] =	sst s18  }
0xa5: {  	s18 =	spop (v2sf)  }
0xa6: {  	(v2sf) =	vpush v0, $0x6;
	[smem:$0x7] =	sst s18  }
0xa7: {  	s18 =	spop (v2sf)  }
0xa8: {  	(v2sf) =	vpush v0, $0x7;
	[smem:$0x8] =	sst s18  }
0xa9: {  	s18 =	spop (v2sf)  }
0xaa: {  	(v2sf) =	vpush v0, $0x8;
	[smem:$0x9] =	sst s18  }
0xab: {  	s18 =	spop (v2sf)  }
0xac: {  	(v2sf) =	vpush v0, $0x9;
	[smem:$0xA] =	sst s18  }
0xad: {  	s18 =	spop (v2sf)  }
0xae: {  	(v2sf) =	vpush v0, $0xA;
	[smem:$0xB] =	sst s18  }
0xaf: {  	s19 =	spop (v2sf)  }
0xb0: {  	(v2sf) =	vpush v0, $0xB;
	[smem:$0xC] =	sst s19  }
0xb1: {  	s18 =	simm.s32 $0x20;
	s19 =	spop (v2sf)  }
0xb2: {  	v1 =	vld [tilespmem:s18+$0x0];
	(v2sf) =	vpush v0, $0xC;
	[smem:$0xD] =	sst s19  }
0xb3: {  	s19 =	spop (v2sf)  }
0xb4: {  	(v2sf) =	vpush v0, $0xD;
	[smem:$0xE] =	sst s19  }
0xb5: {  	s19 =	simm.s32 $0xC0;
	s20 =	spop (v2sf)  }
.LBB2_6:
0xb6: {  	p0 =	sne.s32 s19, $0x3C0;
	[smem:s17+$0xF] =	sst s20;
	s20 =	smov.u32 s19  }
0xb7: {  	(v2sf) =	vpush v0, $0xE;
	s19 =	sadd.s32 $0x40, s19;
	s17 =	smov.u32 s16;
	s16 =	smov.u32 s18  }
0xb8: {  	s18 =	spop (v2sf);
	(v2sf) =	vpush v0, $0xF  }
0xb9: {  	[smem:s17] =	sst s18;
	s18 =	spop (v2sf)  }
0xba: {  	(v2sf) =	vpush v1, $0x0;
	[smem:s17+$0x1] =	sst s18;
	s18 =	spop (v2sf);
	v0 =	vmov v1  }
0xbb: {  	(v2sf) =	vpush v0, $0x1;
	[smem:s17+$0x2] =	sst s18;
	s18 =	spop (v2sf)  }
0xbc: {  	(v2sf) =	vpush v0, $0x2;
	[smem:s17+$0x3] =	sst s18;
	s18 =	spop (v2sf)  }
0xbd: {  	(v2sf) =	vpush v0, $0x3;
	[smem:s17+$0x4] =	sst s18;
	s18 =	spop (v2sf)  }
0xbe: {  	(v2sf) =	vpush v0, $0x4;
	[smem:s17+$0x5] =	sst s18;
	s18 =	spop (v2sf)  }
0xbf: {  	(v2sf) =	vpush v0, $0x5;
	[smem:s17+$0x6] =	sst s18;
	s18 =	spop (v2sf)  }
0xc0: {  	(v2sf) =	vpush v0, $0x6;
	[smem:s17+$0x7] =	sst s18;
	s18 =	spop (v2sf)  }
0xc1: {  	(v2sf) =	vpush v0, $0x7;
	[smem:s17+$0x8] =	sst s18;
	s18 =	spop (v2sf)  }
0xc2: {  	(v2sf) =	vpush v0, $0x8;
	[smem:s17+$0x9] =	sst s18;
	s18 =	spop (v2sf)  }
0xc3: {  	[smem:s17+$0xA] =	sst s18  }
.Ltmp2:
0xc4: {  	(v2sf) =	vpush v0, $0x9;
	s18 =	spop (v2sf);
	(pc) =	sbr.rel @p0 .LBB2_6-.Ltmp2, $4  }
0xc5: {  	(v2sf) =	vpush v0, $0xA;
	[smem:s17+$0xB] =	sst s18;
	s21 =	spop (v2sf)  }
0xc6: {  	s18 =	sshra.s32 s20, $0x2;
	(v2sf) =	vpush v0, $0xB;
	[smem:s17+$0xC] =	sst s21;
	s20 =	spop (v2sf)  }
0xc7: {  	v1 =	vld [tilespmem:s18+$0x0];
	(v2sf) =	vpush v0, $0xC;
	[smem:s17+$0xD] =	sst s20;
	s20 =	spop (v2sf)  }
0xc8: {  	(v2sf) =	vpush v0, $0xD;
	[smem:s17+$0xE] =	sst s20;
	s20 =	spop (v2sf)  }
0xc9: {  	_ = 	snop  }
0xca: {  	(v2sf) =	vpush v0, $0xE  }
0xcb: {  	[smem:s17+$0xF] =	sst s20;
	s23 =	spop (v2sf);
	(v2sf) =	vpush v0, $0xF  }
0xcc: {  	[smem:s16] =	sst s23;
	s24 =	spop (v2sf);
	(v2sf) =	vpush v1, $0x0  }
0xcd: {  	[smem:s16+$0x1] =	sst s24;
	s25 =	spop (v2sf);
	(v2sf) =	vpush v1, $0x1  }
0xce: {  	[smem:s16+$0x2] =	sst s25;
	s26 =	spop (v2sf);
	(v2sf) =	vpush v1, $0x2  }
0xcf: {  	[smem:s16+$0x3] =	sst s26;
	s28 =	spop (v2sf);
	(v2sf) =	vpush v1, $0x3  }
0xd0: {  	[smem:s16+$0x4] =	sst s28;
	s29 =	spop (v2sf);
	(v2sf) =	vpush v1, $0x4  }
0xd1: {  	[smem:s16+$0x5] =	sst s29;
	s30 =	spop (v2sf);
	(v2sf) =	vpush v1, $0x5  }
0xd2: {  	[smem:s16+$0x6] =	sst s30;
	s31 =	spop (v2sf);
	(v2sf) =	vpush v1, $0x6  }
0xd3: {  	[smem:s16+$0x7] =	sst s31;
	s19 =	spop (v2sf);
	(v2sf) =	vpush v1, $0x7  }
0xd4: {  	[smem:s16+$0x8] =	sst s19;
	s20 =	spop (v2sf);
	(v2sf) =	vpush v1, $0x8  }
0xd5: {  	[smem:s16+$0x9] =	sst s20;
	s21 =	spop (v2sf);
	(v2sf) =	vpush v1, $0x9  }
0xd6: {  	[smem:s16+$0xA] =	sst s21;
	s22 =	spop (v2sf);
	(v2sf) =	vpush v1, $0xA  }
0xd7: {  	[smem:s16+$0xB] =	sst s22;
	s23 =	spop (v2sf);
	(v2sf) =	vpush v1, $0xB  }
0xd8: {  	[smem:s16+$0xC] =	sst s23;
	s24 =	spop (v2sf);
	(v2sf) =	vpush v1, $0xC  }
0xd9: {  	[smem:s16+$0xD] =	sst s24;
	s25 =	spop (v2sf);
	(v2sf) =	vpush v1, $0xD  }
0xda: {  	[smem:s16+$0xE] =	sst s25;
	s26 =	spop (v2sf);
	(v2sf) =	vpush v1, $0xE  }
0xdb: {  	[smem:s16+$0xF] =	sst s26;
	s28 =	spop (v2sf);
	(v2sf) =	vpush v1, $0xF  }
0xdc: {  	[smem:s18] =	sst s28;
	s29 =	spop (v2sf)  }
0xdd: {  	[smem:s18+$0x1] =	sst s29;
	s30 =	spop (v2sf)  }
0xde: {  	[smem:s18+$0x2] =	sst s30;
	s31 =	spop (v2sf)  }
0xdf: {  	[smem:s18+$0x3] =	sst s31;
	s17 =	spop (v2sf)  }
0xe0: {  	[smem:s18+$0x4] =	sst s17;
	s19 =	spop (v2sf)  }
0xe1: {  	[smem:s18+$0x5] =	sst s19;
	s20 =	spop (v2sf)  }
0xe2: {  	[smem:s18+$0x6] =	sst s20;
	s21 =	spop (v2sf)  }
0xe3: {  	[smem:s18+$0x7] =	sst s21;
	s22 =	spop (v2sf)  }
0xe4: {  	[smem:s18+$0x8] =	sst s22;
	s23 =	spop (v2sf)  }
0xe5: {  	[smem:s18+$0x9] =	sst s23;
	s24 =	spop (v2sf)  }
0xe6: {  	[smem:s18+$0xA] =	sst s24;
	s25 =	spop (v2sf)  }
0xe7: {  	[smem:s18+$0xB] =	sst s25;
	s26 =	spop (v2sf)  }
0xe8: {  	[smem:s18+$0xC] =	sst s26;
	s28 =	spop (v2sf)  }
0xe9: {  	[smem:s18+$0xD] =	sst s28;
	s29 =	spop (v2sf)  }
0xea: {  	[smem:s18+$0xE] =	sst s29;
	s30 =	spop (v2sf)  }
0xeb: {  	[smem:s18+$0xF] =	sst s30  }
0xec: {  	s16 =	sld [smem:$0x0];
	_ =	sdelay $0x2  }
0xed: {  	s16 =	sshll.u32 s16, $0x4  }
0xee: {  	s31 =	sand.u32 $0x1FFFFFF0, s16  }
0xef: {  	s17 =	sld [smem:$0x1];
	s16 =	simm.s32 $0x8100;
	s18 =	sadd.s32 s3, s31  }
0xf0: {  	[tilespmem:s16], [sflag:$0x2] =	stream.linear.gather [hbm4b:s18+s2], $0x80, $0x38;
	[tilespmem:$0x18100] =	vst v63  }
0xf1: {  	s18 =	simm.s32 $0x8  }
.LBB2_8:
0xf2: {  	p0 =	sne.s32 s18, $0x3FC  }
.Ltmp3:
0xf3: {  	_ = 	snop;
	(pc) =	sbr.rel @p0 .LBB2_8-.Ltmp3, $4  }
0xf4: {  	s20 =	sshll.u32 s17, $0x4  }
0xf5: {  	s19 =	sshra.s32 s18, $0x2;
	s16 =	sadd.s32 $0x80, s16;
	s31 =	sand.u32 $0x1FFFFFF0, s20  }
0xf6: {  	s18 =	sadd.s32 $0x4, s18;
	s17 =	sld [smem:s19+$0x0];
	s19 =	sadd.s32 s3, s31  }
0xf7: {  	[tilespmem:s16], [sflag:$0x2] =	stream.linear.gather [hbm4b:s19+s2], $0x80, $0x38;
	[tilespmem:$0x18100] =	vst v63  }
0xf8: {  	_ = 	snop  }
0xf9: {  	s17 =	sshll.u32 s17, $0x4  }
0xfa: {  	s17 =	sand.u32 $0x1FFFFFF0, s17  }
0xfb: {  	s16 =	sadd.s32 $0x80, s16;
	s17 =	sadd.s32 s3, s17  }
0xfc: {  	[tilespmem:s16], [sflag:$0x2] =	stream.linear.gather [hbm4b:s17+s2], $0x80, $0x38;
	[tilespmem:$0x18100] =	vst v63  }
0xfd: {  	s30 =	simm.s32 $0x0  }
0xfe: {  	[tilespmem:s30], [sflag:$0x4] =	stream.linear.gather [hbm4b:s6+s30], $0x100, $0x38;
	[tilespmem:$0x18100] =	vst v63  }
0xff: {  	_ =	swait.ge [sflag:s10], $0x100  }
0x100: {  	[sflag:s10] =	ssyncset.done $0x0  }
0x101: {  	s17 =	simm.s32 $0x0;
	[sflag:s10] =	ssyncadd.s32 $0xFFFFFF00  }
0x102: {  	v1 =	vld [tilespmem:s17+$0x0];
	_ =	sdelay $0x4  }
0x103: {  	(v2sf) =	vpush v1, $0x0  }
0x104: {  	(v2sf) =	vpush v1, $0x1;
	_ =	sdelay $0x1  }
0x105: {  	(v2sf) =	vpush v1, $0x2  }
0x106: {  	(v2sf) =	vpush v1, $0x3  }
0x107: {  	(v2sf) =	vpush v1, $0x4  }
0x108: {  	(v2sf) =	vpush v1, $0x5  }
0x109: {  	(v2sf) =	vpush v1, $0x6  }
0x10a: {  	(v2sf) =	vpush v1, $0x7  }
0x10b: {  	(v2sf) =	vpush v1, $0x8  }
0x10c: {  	(v2sf) =	vpush v1, $0x9  }
0x10d: {  	s16 =	simm.s32 $0x10;
	(v2sf) =	vpush v1, $0xA  }
0x10e: {  	v0 =	vld [tilespmem:s16+$0x0];
	(v2sf) =	vpush v1, $0xB  }
0x10f: {  	(v2sf) =	vpush v1, $0xC  }
0x110: {  	(v2sf) =	vpush v1, $0xD  }
0x111: {  	(v2sf) =	vpush v1, $0xE;
	s18 =	spop (v2sf)  }
0x112: {  	(v2sf) =	vpush v1, $0xF;
	[smem:s17] =	sst s18;
	s31 =	spop (v2sf)  }
0x113: {  	(v2sf) =	vpush v0, $0x0;
	[smem:$0x1] =	sst s31  }
0x114: {  	s18 =	spop (v2sf)  }
0x115: {  	(v2sf) =	vpush v0, $0x1;
	[smem:$0x2] =	sst s18  }
0x116: {  	s18 =	spop (v2sf)  }
0x117: {  	(v2sf) =	vpush v0, $0x2;
	[smem:$0x3] =	sst s18  }
0x118: {  	s18 =	spop (v2sf)  }
0x119: {  	(v2sf) =	vpush v0, $0x3;
	[smem:$0x4] =	sst s18  }
0x11a: {  	s18 =	spop (v2sf)  }
0x11b: {  	(v2sf) =	vpush v0, $0x4;
	[smem:$0x5] =	sst s18  }
0x11c: {  	s18 =	spop (v2sf)  }
0x11d: {  	(v2sf) =	vpush v0, $0x5;
	[smem:$0x6] =	sst s18  }
0x11e: {  	s18 =	spop (v2sf)  }
0x11f: {  	(v2sf) =	vpush v0, $0x6;
	[smem:$0x7] =	sst s18  }
0x120: {  	s18 =	spop (v2sf)  }
0x121: {  	(v2sf) =	vpush v0, $0x7;
	[smem:$0x8] =	sst s18  }
0x122: {  	s18 =	spop (v2sf)  }
0x123: {  	(v2sf) =	vpush v0, $0x8;
	[smem:$0x9] =	sst s18  }
0x124: {  	s18 =	spop (v2sf)  }
0x125: {  	(v2sf) =	vpush v0, $0x9;
	[smem:$0xA] =	sst s18  }
0x126: {  	s18 =	spop (v2sf)  }
0x127: {  	(v2sf) =	vpush v0, $0xA;
	[smem:$0xB] =	sst s18  }
0x128: {  	s19 =	spop (v2sf)  }
0x129: {  	(v2sf) =	vpush v0, $0xB;
	[smem:$0xC] =	sst s19  }
0x12a: {  	s18 =	simm.s32 $0x20;
	s19 =	spop (v2sf)  }
0x12b: {  	v1 =	vld [tilespmem:s18+$0x0];
	(v2sf) =	vpush v0, $0xC;
	[smem:$0xD] =	sst s19  }
0x12c: {  	s19 =	spop (v2sf)  }
0x12d: {  	(v2sf) =	vpush v0, $0xD;
	[smem:$0xE] =	sst s19  }
0x12e: {  	s19 =	simm.s32 $0xC0;
	s20 =	spop (v2sf)  }
.LBB2_10:
0x12f: {  	p0 =	sne.s32 s19, $0x3C0;
	[smem:s17+$0xF] =	sst s20;
	s20 =	smov.u32 s19  }
0x130: {  	(v2sf) =	vpush v0, $0xE;
	s19 =	sadd.s32 $0x40, s19;
	s17 =	smov.u32 s16;
	s16 =	smov.u32 s18  }
0x131: {  	s18 =	spop (v2sf);
	(v2sf) =	vpush v0, $0xF  }
0x132: {  	[smem:s17] =	sst s18;
	s18 =	spop (v2sf)  }
0x133: {  	(v2sf) =	vpush v1, $0x0;
	[smem:s17+$0x1] =	sst s18;
	s18 =	spop (v2sf);
	v0 =	vmov v1  }
0x134: {  	(v2sf) =	vpush v0, $0x1;
	[smem:s17+$0x2] =	sst s18;
	s18 =	spop (v2sf)  }
0x135: {  	(v2sf) =	vpush v0, $0x2;
	[smem:s17+$0x3] =	sst s18;
	s18 =	spop (v2sf)  }
0x136: {  	(v2sf) =	vpush v0, $0x3;
	[smem:s17+$0x4] =	sst s18;
	s18 =	spop (v2sf)  }
0x137: {  	(v2sf) =	vpush v0, $0x4;
	[smem:s17+$0x5] =	sst s18;
	s18 =	spop (v2sf)  }
0x138: {  	(v2sf) =	vpush v0, $0x5;
	[smem:s17+$0x6] =	sst s18;
	s18 =	spop (v2sf)  }
0x139: {  	(v2sf) =	vpush v0, $0x6;
	[smem:s17+$0x7] =	sst s18;
	s18 =	spop (v2sf)  }
0x13a: {  	(v2sf) =	vpush v0, $0x7;
	[smem:s17+$0x8] =	sst s18;
	s18 =	spop (v2sf)  }
0x13b: {  	(v2sf) =	vpush v0, $0x8;
	[smem:s17+$0x9] =	sst s18;
	s18 =	spop (v2sf)  }
0x13c: {  	[smem:s17+$0xA] =	sst s18  }
.Ltmp4:
0x13d: {  	(v2sf) =	vpush v0, $0x9;
	s18 =	spop (v2sf);
	(pc) =	sbr.rel @p0 .LBB2_10-.Ltmp4, $4  }
0x13e: {  	(v2sf) =	vpush v0, $0xA;
	[smem:s17+$0xB] =	sst s18;
	s21 =	spop (v2sf)  }
0x13f: {  	s18 =	sshra.s32 s20, $0x2;
	(v2sf) =	vpush v0, $0xB;
	[smem:s17+$0xC] =	sst s21;
	s20 =	spop (v2sf)  }
0x140: {  	v1 =	vld [tilespmem:s18+$0x0];
	(v2sf) =	vpush v0, $0xC;
	[smem:s17+$0xD] =	sst s20;
	s20 =	spop (v2sf)  }
0x141: {  	(v2sf) =	vpush v0, $0xD;
	[smem:s17+$0xE] =	sst s20;
	s20 =	spop (v2sf)  }
0x142: {  	_ = 	snop  }
0x143: {  	(v2sf) =	vpush v0, $0xE  }
0x144: {  	[smem:s17+$0xF] =	sst s20;
	s23 =	spop (v2sf);
	(v2sf) =	vpush v0, $0xF  }
0x145: {  	[smem:s16] =	sst s23;
	s24 =	spop (v2sf);
	(v2sf) =	vpush v1, $0x0  }
0x146: {  	[smem:s16+$0x1] =	sst s24;
	s25 =	spop (v2sf);
	(v2sf) =	vpush v1, $0x1  }
0x147: {  	[smem:s16+$0x2] =	sst s25;
	s26 =	spop (v2sf);
	(v2sf) =	vpush v1, $0x2  }
0x148: {  	[smem:s16+$0x3] =	sst s26;
	s28 =	spop (v2sf);
	(v2sf) =	vpush v1, $0x3  }
0x149: {  	[smem:s16+$0x4] =	sst s28;
	s29 =	spop (v2sf);
	(v2sf) =	vpush v1, $0x4  }
0x14a: {  	[smem:s16+$0x5] =	sst s29;
	s30 =	spop (v2sf);
	(v2sf) =	vpush v1, $0x5  }
0x14b: {  	[smem:s16+$0x6] =	sst s30;
	s31 =	spop (v2sf);
	(v2sf) =	vpush v1, $0x6  }
0x14c: {  	[smem:s16+$0x7] =	sst s31;
	s19 =	spop (v2sf);
	(v2sf) =	vpush v1, $0x7  }
0x14d: {  	[smem:s16+$0x8] =	sst s19;
	s20 =	spop (v2sf);
	(v2sf) =	vpush v1, $0x8  }
0x14e: {  	[smem:s16+$0x9] =	sst s20;
	s21 =	spop (v2sf);
	(v2sf) =	vpush v1, $0x9  }
0x14f: {  	[smem:s16+$0xA] =	sst s21;
	s22 =	spop (v2sf);
	(v2sf) =	vpush v1, $0xA  }
0x150: {  	[smem:s16+$0xB] =	sst s22;
	s23 =	spop (v2sf);
	(v2sf) =	vpush v1, $0xB  }
0x151: {  	[smem:s16+$0xC] =	sst s23;
	s24 =	spop (v2sf);
	(v2sf) =	vpush v1, $0xC  }
0x152: {  	[smem:s16+$0xD] =	sst s24;
	s25 =	spop (v2sf);
	(v2sf) =	vpush v1, $0xD  }
0x153: {  	[smem:s16+$0xE] =	sst s25;
	s26 =	spop (v2sf);
	(v2sf) =	vpush v1, $0xE  }
0x154: {  	[smem:s16+$0xF] =	sst s26;
	s28 =	spop (v2sf);
	(v2sf) =	vpush v1, $0xF  }
0x155: {  	[smem:s18] =	sst s28;
	s29 =	spop (v2sf)  }
0x156: {  	[smem:s18+$0x1] =	sst s29;
	s30 =	spop (v2sf)  }
0x157: {  	[smem:s18+$0x2] =	sst s30;
	s31 =	spop (v2sf)  }
0x158: {  	[smem:s18+$0x3] =	sst s31;
	s17 =	spop (v2sf)  }
0x159: {  	[smem:s18+$0x4] =	sst s17;
	s19 =	spop (v2sf)  }
0x15a: {  	[smem:s18+$0x5] =	sst s19;
	s20 =	spop (v2sf)  }
0x15b: {  	[smem:s18+$0x6] =	sst s20;
	s21 =	spop (v2sf)  }
0x15c: {  	[smem:s18+$0x7] =	sst s21;
	s22 =	spop (v2sf)  }
0x15d: {  	[smem:s18+$0x8] =	sst s22;
	s23 =	spop (v2sf)  }
0x15e: {  	[smem:s18+$0x9] =	sst s23;
	s24 =	spop (v2sf)  }
0x15f: {  	[smem:s18+$0xA] =	sst s24;
	s25 =	spop (v2sf)  }
0x160: {  	[smem:s18+$0xB] =	sst s25;
	s26 =	spop (v2sf)  }
0x161: {  	[smem:s18+$0xC] =	sst s26;
	s28 =	spop (v2sf)  }
0x162: {  	[smem:s18+$0xD] =	sst s28;
	s29 =	spop (v2sf)  }
0x163: {  	[smem:s18+$0xE] =	sst s29;
	s30 =	spop (v2sf)  }
0x164: {  	[smem:s18+$0xF] =	sst s30  }
0x165: {  	s16 =	sld [smem:$0x0];
	_ =	sdelay $0x2  }
0x166: {  	s16 =	sshll.u32 s16, $0x4  }
0x167: {  	s31 =	sand.u32 $0x1FFFFFF0, s16  }
0x168: {  	s17 =	sld [smem:$0x1];
	s16 =	simm.s32 $0x10100;
	s18 =	sadd.s32 s3, s31  }
0x169: {  	[tilespmem:s16], [sflag:$0x3] =	stream.linear.gather [hbm4b:s18+s2], $0x80, $0x38;
	[tilespmem:$0x18100] =	vst v63  }
0x16a: {  	s18 =	simm.s32 $0x8  }
.LBB2_12:
0x16b: {  	p0 =	sne.s32 s18, $0x3FC  }
.Ltmp5:
0x16c: {  	_ = 	snop;
	(pc) =	sbr.rel @p0 .LBB2_12-.Ltmp5, $4  }
0x16d: {  	s20 =	sshll.u32 s17, $0x4  }
0x16e: {  	s19 =	sshra.s32 s18, $0x2;
	s16 =	sadd.s32 $0x80, s16;
	s31 =	sand.u32 $0x1FFFFFF0, s20  }
0x16f: {  	s18 =	sadd.s32 $0x4, s18;
	s17 =	sld [smem:s19+$0x0];
	s19 =	sadd.s32 s3, s31  }
0x170: {  	[tilespmem:s16], [sflag:$0x3] =	stream.linear.gather [hbm4b:s19+s2], $0x80, $0x38;
	[tilespmem:$0x18100] =	vst v63  }
0x171: {  	_ = 	snop  }
0x172: {  	s17 =	sshll.u32 s17, $0x4  }
0x173: {  	s17 =	sand.u32 $0x1FFFFFF0, s17  }
0x174: {  	s16 =	sadd.s32 $0x80, s16;
	s17 =	sadd.s32 s3, s17  }
0x175: {  	[tilespmem:s16], [sflag:$0x3] =	stream.linear.gather [hbm4b:s17+s2], $0x80, $0x38;
	[tilespmem:$0x18100] =	vst v63  }
0x176: {  	_ =	swait.ge [sflag:s11], $0x8000  }
0x177: {  	[sflag:s11] =	ssyncset.done $0x0  }
0x178: {  	[sflag:s11] =	ssyncadd.s32 $0xFFFF8000  }
0x179: {  	_ =	swait.ge [sflag:s12], $0x8000  }
0x17a: {  	[sflag:s12] =	ssyncset.done $0x0  }
0x17b: {  	s16 =	simm.s32 $0x0;
	[sflag:s12] =	ssyncadd.s32 $0xFFFF8000  }
0x17c: {  	v1 =	vld [tilespmem:s16+$0x8130]  }
0x17d: {  	v2 =	vld [tilespmem:s16+$0x8100]  }
0x17e: {  	v3 =	vld [tilespmem:s16+$0x8110]  }
0x17f: {  	v0 =	vld [tilespmem:s16+$0x8120];
	_ =	sdelay $0x1  }
0x180: {  	[tilespmem:s16+$0x130] =	vst.add.f32.msk $0xffff, v1  }
0x181: {  	[tilespmem:s16+$0x100] =	vst.add.f32.msk $0xffff, v2  }
0x182: {  	s18 =	simm.s32 $0x400;
	s17 =	simm.s32 $0x80;
	[tilespmem:s16+$0x110] =	vst.add.f32.msk $0xffff, v3  }
.LBB2_14:
0x183: {  	p0 =	sne.s32 s18, $0x1FE00;
	v1 =	vld [tilespmem:s17+$0x8130];
	v2 =	vmov v0  }
0x184: {  	v3 =	vld [tilespmem:s17+$0x8100]  }
0x185: {  	v4 =	vld [tilespmem:s17+$0x8110]  }
.Ltmp6:
0x186: {  	v0 =	vld [tilespmem:s17+$0x8120];
	(pc) =	sbr.rel @p0 .LBB2_14-.Ltmp6, $4  }
0x187: {  	[tilespmem:s16+$0x120] =	vst.add.f32.msk $0xffff, v2;
	s16 =	smov.u32 s17  }
0x188: {  	[tilespmem:s16+$0x130] =	vst.add.f32.msk $0xffff, v1  }
0x189: {  	[tilespmem:s16+$0x100] =	vst.add.f32.msk $0xffff, v3  }
0x18a: {  	s17 =	sshra.s32 s18, $0x2;
	s18 =	sadd.s32 $0x200, s18;
	[tilespmem:s16+$0x110] =	vst.add.f32.msk $0xffff, v4  }
0x18b: {  	v1 =	vld [tilespmem:s17+$0x8130]  }
0x18c: {  	v2 =	vld [tilespmem:s17+$0x8100]  }
0x18d: {  	v3 =	vld [tilespmem:s17+$0x8110]  }
0x18e: {  	v4 =	vld [tilespmem:s17+$0x8120]  }
0x18f: {  	[tilespmem:s16+$0x120] =	vst.add.f32.msk $0xffff, v0  }
0x190: {  	[tilespmem:s17+$0x130] =	vst.add.f32.msk $0xffff, v1  }
0x191: {  	[tilespmem:s17+$0x100] =	vst.add.f32.msk $0xffff, v2  }
0x192: {  	[tilespmem:s17+$0x110] =	vst.add.f32.msk $0xffff, v3  }
0x193: {  	[tilespmem:s17+$0x120] =	vst.add.f32.msk $0xffff, v4  }
0x194: {  	_ =	swait.ge [sflag:s13], $0x8000  }
0x195: {  	[sflag:s13] =	ssyncset.done $0x0  }
0x196: {  	s30 =	simm.s32 $0x0;
	[sflag:s13] =	ssyncadd.s32 $0xFFFF8000  }
0x197: {  	[tilespmem:s30], [sflag:$0x4] =	stream.linear.gather [hbm4b:s7+s30], $0x100, $0x38;
	[tilespmem:$0x18100] =	vst v63  }
0x198: {  	_ =	swait.ge [sflag:s10], $0x100  }
0x199: {  	[sflag:s10] =	ssyncset.done $0x0  }
0x19a: {  	s17 =	simm.s32 $0x0;
	[sflag:s10] =	ssyncadd.s32 $0xFFFFFF00  }
0x19b: {  	v1 =	vld [tilespmem:s17+$0x0];
	_ =	sdelay $0x4  }
0x19c: {  	(v2sf) =	vpush v1, $0x0  }
0x19d: {  	(v2sf) =	vpush v1, $0x1;
	_ =	sdelay $0x1  }
0x19e: {  	(v2sf) =	vpush v1, $0x2  }
0x19f: {  	(v2sf) =	vpush v1, $0x3  }
0x1a0: {  	(v2sf) =	vpush v1, $0x4  }
0x1a1: {  	(v2sf) =	vpush v1, $0x5  }
0x1a2: {  	(v2sf) =	vpush v1, $0x6  }
0x1a3: {  	(v2sf) =	vpush v1, $0x7  }
0x1a4: {  	(v2sf) =	vpush v1, $0x8  }
0x1a5: {  	(v2sf) =	vpush v1, $0x9  }
0x1a6: {  	s16 =	simm.s32 $0x10;
	(v2sf) =	vpush v1, $0xA  }
0x1a7: {  	v0 =	vld [tilespmem:s16+$0x0];
	(v2sf) =	vpush v1, $0xB  }
0x1a8: {  	(v2sf) =	vpush v1, $0xC  }
0x1a9: {  	(v2sf) =	vpush v1, $0xD  }
0x1aa: {  	(v2sf) =	vpush v1, $0xE;
	s18 =	spop (v2sf)  }
0x1ab: {  	(v2sf) =	vpush v1, $0xF;
	[smem:s17] =	sst s18;
	s31 =	spop (v2sf)  }
0x1ac: {  	(v2sf) =	vpush v0, $0x0;
	[smem:$0x1] =	sst s31  }
0x1ad: {  	s18 =	spop (v2sf)  }
0x1ae: {  	(v2sf) =	vpush v0, $0x1;
	[smem:$0x2] =	sst s18  }
0x1af: {  	s18 =	spop (v2sf)  }
0x1b0: {  	(v2sf) =	vpush v0, $0x2;
	[smem:$0x3] =	sst s18  }
0x1b1: {  	s18 =	spop (v2sf)  }
0x1b2: {  	(v2sf) =	vpush v0, $0x3;
	[smem:$0x4] =	sst s18  }
0x1b3: {  	s18 =	spop (v2sf)  }
0x1b4: {  	(v2sf) =	vpush v0, $0x4;
	[smem:$0x5] =	sst s18  }
0x1b5: {  	s18 =	spop (v2sf)  }
0x1b6: {  	(v2sf) =	vpush v0, $0x5;
	[smem:$0x6] =	sst s18  }
0x1b7: {  	s18 =	spop (v2sf)  }
0x1b8: {  	(v2sf) =	vpush v0, $0x6;
	[smem:$0x7] =	sst s18  }
0x1b9: {  	s18 =	spop (v2sf)  }
0x1ba: {  	(v2sf) =	vpush v0, $0x7;
	[smem:$0x8] =	sst s18  }
0x1bb: {  	s18 =	spop (v2sf)  }
0x1bc: {  	(v2sf) =	vpush v0, $0x8;
	[smem:$0x9] =	sst s18  }
0x1bd: {  	s18 =	spop (v2sf)  }
0x1be: {  	(v2sf) =	vpush v0, $0x9;
	[smem:$0xA] =	sst s18  }
0x1bf: {  	s18 =	spop (v2sf)  }
0x1c0: {  	(v2sf) =	vpush v0, $0xA;
	[smem:$0xB] =	sst s18  }
0x1c1: {  	s19 =	spop (v2sf)  }
0x1c2: {  	(v2sf) =	vpush v0, $0xB;
	[smem:$0xC] =	sst s19  }
0x1c3: {  	s18 =	simm.s32 $0x20;
	s19 =	spop (v2sf)  }
0x1c4: {  	v1 =	vld [tilespmem:s18+$0x0];
	(v2sf) =	vpush v0, $0xC;
	[smem:$0xD] =	sst s19  }
0x1c5: {  	s19 =	spop (v2sf)  }
0x1c6: {  	(v2sf) =	vpush v0, $0xD;
	[smem:$0xE] =	sst s19  }
0x1c7: {  	s19 =	simm.s32 $0xC0;
	s20 =	spop (v2sf)  }
.LBB2_16:
0x1c8: {  	p0 =	sne.s32 s19, $0x3C0;
	[smem:s17+$0xF] =	sst s20;
	s20 =	smov.u32 s19  }
0x1c9: {  	(v2sf) =	vpush v0, $0xE;
	s19 =	sadd.s32 $0x40, s19;
	s17 =	smov.u32 s16;
	s16 =	smov.u32 s18  }
0x1ca: {  	s18 =	spop (v2sf);
	(v2sf) =	vpush v0, $0xF  }
0x1cb: {  	[smem:s17] =	sst s18;
	s18 =	spop (v2sf)  }
0x1cc: {  	(v2sf) =	vpush v1, $0x0;
	[smem:s17+$0x1] =	sst s18;
	s18 =	spop (v2sf);
	v0 =	vmov v1  }
0x1cd: {  	(v2sf) =	vpush v0, $0x1;
	[smem:s17+$0x2] =	sst s18;
	s18 =	spop (v2sf)  }
0x1ce: {  	(v2sf) =	vpush v0, $0x2;
	[smem:s17+$0x3] =	sst s18;
	s18 =	spop (v2sf)  }
0x1cf: {  	(v2sf) =	vpush v0, $0x3;
	[smem:s17+$0x4] =	sst s18;
	s18 =	spop (v2sf)  }
0x1d0: {  	(v2sf) =	vpush v0, $0x4;
	[smem:s17+$0x5] =	sst s18;
	s18 =	spop (v2sf)  }
0x1d1: {  	(v2sf) =	vpush v0, $0x5;
	[smem:s17+$0x6] =	sst s18;
	s18 =	spop (v2sf)  }
0x1d2: {  	(v2sf) =	vpush v0, $0x6;
	[smem:s17+$0x7] =	sst s18;
	s18 =	spop (v2sf)  }
0x1d3: {  	(v2sf) =	vpush v0, $0x7;
	[smem:s17+$0x8] =	sst s18;
	s18 =	spop (v2sf)  }
0x1d4: {  	(v2sf) =	vpush v0, $0x8;
	[smem:s17+$0x9] =	sst s18;
	s18 =	spop (v2sf)  }
0x1d5: {  	[smem:s17+$0xA] =	sst s18  }
.Ltmp7:
0x1d6: {  	(v2sf) =	vpush v0, $0x9;
	s18 =	spop (v2sf);
	(pc) =	sbr.rel @p0 .LBB2_16-.Ltmp7, $4  }
0x1d7: {  	(v2sf) =	vpush v0, $0xA;
	[smem:s17+$0xB] =	sst s18;
	s21 =	spop (v2sf)  }
0x1d8: {  	s18 =	sshra.s32 s20, $0x2;
	(v2sf) =	vpush v0, $0xB;
	[smem:s17+$0xC] =	sst s21;
	s20 =	spop (v2sf)  }
0x1d9: {  	v1 =	vld [tilespmem:s18+$0x0];
	(v2sf) =	vpush v0, $0xC;
	[smem:s17+$0xD] =	sst s20;
	s20 =	spop (v2sf)  }
0x1da: {  	(v2sf) =	vpush v0, $0xD;
	[smem:s17+$0xE] =	sst s20;
	s20 =	spop (v2sf)  }
0x1db: {  	_ = 	snop  }
0x1dc: {  	(v2sf) =	vpush v0, $0xE  }
0x1dd: {  	[smem:s17+$0xF] =	sst s20;
	s23 =	spop (v2sf);
	(v2sf) =	vpush v0, $0xF  }
0x1de: {  	[smem:s16] =	sst s23;
	s24 =	spop (v2sf);
	(v2sf) =	vpush v1, $0x0  }
0x1df: {  	[smem:s16+$0x1] =	sst s24;
	s25 =	spop (v2sf);
	(v2sf) =	vpush v1, $0x1  }
0x1e0: {  	[smem:s16+$0x2] =	sst s25;
	s26 =	spop (v2sf);
	(v2sf) =	vpush v1, $0x2  }
0x1e1: {  	[smem:s16+$0x3] =	sst s26;
	s28 =	spop (v2sf);
	(v2sf) =	vpush v1, $0x3  }
0x1e2: {  	[smem:s16+$0x4] =	sst s28;
	s29 =	spop (v2sf);
	(v2sf) =	vpush v1, $0x4  }
0x1e3: {  	[smem:s16+$0x5] =	sst s29;
	s30 =	spop (v2sf);
	(v2sf) =	vpush v1, $0x5  }
0x1e4: {  	[smem:s16+$0x6] =	sst s30;
	s31 =	spop (v2sf);
	(v2sf) =	vpush v1, $0x6  }
0x1e5: {  	[smem:s16+$0x7] =	sst s31;
	s19 =	spop (v2sf);
	(v2sf) =	vpush v1, $0x7  }
0x1e6: {  	[smem:s16+$0x8] =	sst s19;
	s20 =	spop (v2sf);
	(v2sf) =	vpush v1, $0x8  }
0x1e7: {  	[smem:s16+$0x9] =	sst s20;
	s21 =	spop (v2sf);
	(v2sf) =	vpush v1, $0x9  }
0x1e8: {  	[smem:s16+$0xA] =	sst s21;
	s22 =	spop (v2sf);
	(v2sf) =	vpush v1, $0xA  }
0x1e9: {  	[smem:s16+$0xB] =	sst s22;
	s23 =	spop (v2sf);
	(v2sf) =	vpush v1, $0xB  }
0x1ea: {  	[smem:s16+$0xC] =	sst s23;
	s24 =	spop (v2sf);
	(v2sf) =	vpush v1, $0xC  }
0x1eb: {  	[smem:s16+$0xD] =	sst s24;
	s25 =	spop (v2sf);
	(v2sf) =	vpush v1, $0xD  }
0x1ec: {  	[smem:s16+$0xE] =	sst s25;
	s26 =	spop (v2sf);
	(v2sf) =	vpush v1, $0xE  }
0x1ed: {  	[smem:s16+$0xF] =	sst s26;
	s28 =	spop (v2sf);
	(v2sf) =	vpush v1, $0xF  }
0x1ee: {  	[smem:s18] =	sst s28;
	s29 =	spop (v2sf)  }
0x1ef: {  	[smem:s18+$0x1] =	sst s29;
	s30 =	spop (v2sf)  }
0x1f0: {  	[smem:s18+$0x2] =	sst s30;
	s31 =	spop (v2sf)  }
0x1f1: {  	[smem:s18+$0x3] =	sst s31;
	s17 =	spop (v2sf)  }
0x1f2: {  	[smem:s18+$0x4] =	sst s17;
	s19 =	spop (v2sf)  }
0x1f3: {  	[smem:s18+$0x5] =	sst s19;
	s20 =	spop (v2sf)  }
0x1f4: {  	[smem:s18+$0x6] =	sst s20;
	s21 =	spop (v2sf)  }
0x1f5: {  	[smem:s18+$0x7] =	sst s21;
	s22 =	spop (v2sf)  }
0x1f6: {  	[smem:s18+$0x8] =	sst s22;
	s23 =	spop (v2sf)  }
0x1f7: {  	[smem:s18+$0x9] =	sst s23;
	s24 =	spop (v2sf)  }
0x1f8: {  	[smem:s18+$0xA] =	sst s24;
	s25 =	spop (v2sf)  }
0x1f9: {  	[smem:s18+$0xB] =	sst s25;
	s26 =	spop (v2sf)  }
0x1fa: {  	[smem:s18+$0xC] =	sst s26;
	s28 =	spop (v2sf)  }
0x1fb: {  	[smem:s18+$0xD] =	sst s28;
	s29 =	spop (v2sf)  }
0x1fc: {  	[smem:s18+$0xE] =	sst s29;
	s30 =	spop (v2sf)  }
0x1fd: {  	[smem:s18+$0xF] =	sst s30  }
0x1fe: {  	s16 =	sld [smem:$0x0];
	_ =	sdelay $0x2  }
0x1ff: {  	s31 =	sshll.u32 s16, $0x4  }
0x200: {  	s17 =	simm.s32 $0x0;
	s19 =	sand.u32 $0x1FFFFFF0, s31  }
0x201: {  	s18 =	sld [smem:$0x1];
	s16 =	simm.s32 $0x8100;
	s19 =	sadd.s32 s3, s19  }
0x202: {  	[tilespmem:s16], [sflag:$0x2] =	stream.linear.gather [hbm4b:s19+s17], $0x80, $0x38;
	[tilespmem:$0x18100] =	vst v63  }
0x203: {  	s19 =	simm.s32 $0x8  }
.LBB2_18:
0x204: {  	p0 =	sne.s32 s19, $0x3FC  }
.Ltmp8:
0x205: {  	_ = 	snop;
	(pc) =	sbr.rel @p0 .LBB2_18-.Ltmp8, $4  }
0x206: {  	s21 =	sshll.u32 s18, $0x4  }
0x207: {  	s20 =	sshra.s32 s19, $0x2;
	s16 =	sadd.s32 $0x80, s16;
	s31 =	sand.u32 $0x1FFFFFF0, s21  }
0x208: {  	s19 =	sadd.s32 $0x4, s19;
	s18 =	sld [smem:s20+$0x0];
	s20 =	sadd.s32 s3, s31  }
0x209: {  	[tilespmem:s16], [sflag:$0x2] =	stream.linear.gather [hbm4b:s20+s17], $0x80, $0x38;
	[tilespmem:$0x18100] =	vst v63  }
0x20a: {  	p1 =	por $0x1, $0x1  }
.Ltmp9:
0x20b: {  	s17 =	sshll.u32 s18, $0x4;
	(pc) =	sbr.rel @!p1 .LBB2_23-.Ltmp9, $4  }
0x20c: {  	s17 =	sand.u32 $0x1FFFFFF0, s17  }
0x20d: {  	s16 =	sadd.s32 $0x80, s16;
	s31 =	simm.s32 $0x0;
	s17 =	sadd.s32 s3, s17  }
0x20e: {  	[tilespmem:s16], [sflag:$0x2] =	stream.linear.gather [hbm4b:s17+s31], $0x80, $0x38;
	[tilespmem:$0x18100] =	vst v63  }
0x20f: {  	p0 =	por $0x0, $0x0;
	s16 =	simm.s32 $0x0;
	s17 =	simm.s32 $0x0  }
0x210: {  	v1 =	vld [tilespmem:s16+$0x10130]  }
0x211: {  	v2 =	vld [tilespmem:s16+$0x10100]  }
0x212: {  	v3 =	vld [tilespmem:s16+$0x10110];
	p1 =	por $0x1, $0x1  }
.Ltmp10:
0x213: {  	v0 =	vld [tilespmem:s16+$0x10120];
	(pc) =	sbr.rel @!p1 .LBB2_21-.Ltmp10, $4  }
0x214: {  	_ = 	snop  }
0x215: {  	[tilespmem:s16+$0x130] =	vst.add.f32.msk $0xffff, v1  }
0x216: {  	s17 =	simm.s32 $0x80;
	[tilespmem:s16+$0x100] =	vst.add.f32.msk $0xffff, v2  }
0x217: {  	s19 =	simm.s32 $0x400;
	p0 =	por $0x1, $0x1;
	s18 =	simm.s32 $0x0;
	[tilespmem:s16+$0x110] =	vst.add.f32.msk $0xffff, v3  }
.LBB2_22:
0x218: {  	p1 =	sne.s32 s19, $0x1FE00;
	v1 =	vld [tilespmem:s17+$0x10130];
	v2 =	vmov v0  }
0x219: {  	v3 =	vld [tilespmem:s17+$0x10100]  }
0x21a: {  	v4 =	vld [tilespmem:s17+$0x10110]  }
.Ltmp11:
0x21b: {  	v0 =	vld [tilespmem:s17+$0x10120];
	(pc) =	sbr.rel @p1 .LBB2_22-.Ltmp11, $4  }
0x21c: {  	[tilespmem:s18+$0x120] =	vst.add.f32.msk $0xffff, v2;
	s18 =	smov.u32 s17  }
0x21d: {  	[tilespmem:s18+$0x130] =	vst.add.f32.msk $0xffff, v1  }
0x21e: {  	[tilespmem:s18+$0x100] =	vst.add.f32.msk $0xffff, v3  }
0x21f: {  	s17 =	sshra.s32 s19, $0x2;
	s19 =	sadd.s32 $0x200, s19;
	[tilespmem:s18+$0x110] =	vst.add.f32.msk $0xffff, v4  }
.LBB2_23:
0x220: {  	v1 =	vld [tilespmem:s17+$0x10130]  }
0x221: {  	v2 =	vld [tilespmem:s17+$0x10100]  }
0x222: {  	v3 =	vld [tilespmem:s17+$0x10110]  }
0x223: {  	v4 =	vld [tilespmem:s17+$0x10120]  }
0x224: {  	[tilespmem:s18+$0x120] =	vst.add.f32.msk @p0 $0xffff, v0  }
0x225: {  	[tilespmem:s17+$0x130] =	vst.add.f32.msk $0xffff, v1  }
0x226: {  	[tilespmem:s17+$0x100] =	vst.add.f32.msk $0xffff, v2  }
0x227: {  	[tilespmem:s17+$0x110] =	vst.add.f32.msk $0xffff, v3  }
0x228: {  	[tilespmem:s17+$0x120] =	vst.add.f32.msk $0xffff, v4  }
0x229: {  	_ =	swait.ge [sflag:s12], $0x8000  }
0x22a: {  	[sflag:s12] =	ssyncset.done $0x0  }
0x22b: {  	[sflag:s12] =	ssyncadd.s32 $0xFFFF8000  }
0x22c: {  	v1 =	vld [tilespmem:s16+$0x8130]  }
0x22d: {  	v2 =	vld [tilespmem:s16+$0x8100]  }
0x22e: {  	v3 =	vld [tilespmem:s16+$0x8110]  }
0x22f: {  	v0 =	vld [tilespmem:s16+$0x8120];
	_ =	sdelay $0x1  }
0x230: {  	[tilespmem:s16+$0x130] =	vst.add.f32.msk $0xffff, v1  }
0x231: {  	[tilespmem:s16+$0x100] =	vst.add.f32.msk $0xffff, v2  }
0x232: {  	s18 =	simm.s32 $0x400;
	s17 =	simm.s32 $0x80;
	[tilespmem:s16+$0x110] =	vst.add.f32.msk $0xffff, v3  }
.LBB2_24:
0x233: {  	p0 =	sne.s32 s18, $0x1FE00;
	v1 =	vld [tilespmem:s17+$0x8130];
	v2 =	vmov v0  }
0x234: {  	v3 =	vld [tilespmem:s17+$0x8100]  }
0x235: {  	v4 =	vld [tilespmem:s17+$0x8110]  }
.Ltmp12:
0x236: {  	v0 =	vld [tilespmem:s17+$0x8120];
	(pc) =	sbr.rel @p0 .LBB2_24-.Ltmp12, $4  }
0x237: {  	[tilespmem:s16+$0x120] =	vst.add.f32.msk $0xffff, v2;
	s16 =	smov.u32 s17  }
0x238: {  	[tilespmem:s16+$0x130] =	vst.add.f32.msk $0xffff, v1  }
0x239: {  	[tilespmem:s16+$0x100] =	vst.add.f32.msk $0xffff, v3  }
0x23a: {  	s17 =	sshra.s32 s18, $0x2;
	s18 =	sadd.s32 $0x200, s18;
	[tilespmem:s16+$0x110] =	vst.add.f32.msk $0xffff, v4  }
0x23b: {  	v1 =	vld [tilespmem:s17+$0x8130]  }
0x23c: {  	v2 =	vld [tilespmem:s17+$0x8100]  }
0x23d: {  	v3 =	vld [tilespmem:s17+$0x8110]  }
0x23e: {  	v4 =	vld [tilespmem:s17+$0x8120]  }
0x23f: {  	[tilespmem:s16+$0x120] =	vst.add.f32.msk $0xffff, v0  }
0x240: {  	[tilespmem:s17+$0x130] =	vst.add.f32.msk $0xffff, v1  }
0x241: {  	[tilespmem:s17+$0x100] =	vst.add.f32.msk $0xffff, v2  }
0x242: {  	s15 =	sadd.s32 $0x1, s15;
	[tilespmem:s17+$0x110] =	vst.add.f32.msk $0xffff, v3  }
0x243: {  	p0 =	sne.s32 s15, s9;
	[tilespmem:s17+$0x120] =	vst.add.f32.msk $0xffff, v4  }
0x244: {  	[hbm4b:s8+s2] =	stream.linear.scatter [tilespmem:s14], [sflag:$0x4], $0x8000, $0x38;
	[tilespmem:$0x18100] =	vst v63  }
.Ltmp13:
0x245: {  	_ = 	snop;
	(pc) =	sbr.rel @p0 .LBB2_1-.Ltmp13, $4  }
.Ltmp14:
0x246: {  	_ = 	snop;
	(pc) =	sbr.rel @!p0 .LBB2_26-.Ltmp14, $4  }
0x247: {  	_ =	swait.ge [sflag:s10], $0x8000  }
0x248: {  	[sflag:s10] =	ssyncset.done $0x0  }
0x249: {  	[sflag:s10] =	ssyncadd.s32 $0xFFFF8000  }
0x24a: {  	_ = 	snop  }
.LBB2_21:
.Ltmp15:
0x24b: {  	(pc) =	sbr.rel .LBB2_23-.Ltmp15, $2  }
0x24c: {  	_ =	sdelay $0x2  }
0x24d: {  	s18 =	simm.s32 $0x0  }
.LBB2_26:
0x24e: {  	_ =	sfence.sel $0x180000  }
0x24f: {  	[bflag:$0x0] =	sbarrier.arrive $0xFFFF  }
0x250: {  	p0 =	sne.s32 s0, $0x0;
	_ =	strace $0x9000004A  }
0x251: {  	s0 =	sadd.s32 @!p0 $0x100000, s1;
	[bflag:$0x2] =	sbarrier.arrive $0xFFFF  }
0x252: {  	[sflag:s0] =	ssyncadd.tile.s32 @!p0 $0x1;
	_ =	shalt  }
.Lfunc_end2:
_tile_overlayer_lowered:
.L_overlay_start_2:
0x253: {  	(tag) =	ssettag $0x2  }
0x254: {  	s0 =	rddreg [dreg:$0x0];
	s2 =	stileid.u32  }
0x255: {  	s1 =	rddreg [dreg:$0x1];
	p0 =	sne.s32 s2, $0x0  }
0x256: {  	s3 =	rddreg [dreg:$0x2];
	[bflag:$0x3] =	sbarrier.arrive $0xFFFF;
	s2 =	simm.s32 @!p0 $0x1C04  }
0x257: {  	[timem:s3], [sflag:s2] =	dma.local @!p0 [hbm:s0], s1  }
0x258: {  	s0 =	simm.s32 @!p0 $0x4  }
0x259: {  	_ =	swait.ge @!p0 [sflag:s0], s1  }
0x25a: {  	s1 =	ssub.s32 @!p0 $0x0, s1;
	[sflag:s0] =	ssyncset.done @!p0 $0x0  }
0x25b: {  	[sflag:s0] =	ssyncadd.s32 @!p0 s1  }
0x25c: {  	[bflag:$0x3] =	sbarrier.arrive $0xFFFF  }
0x25d: {  	_ =	shalt  }

// kernel: kernel.8.cloned.1.call-start
scs
__scs_entry_jumppad:
0x0: {  	(pc) =	sbr.rel $0x88, $3  }
0x1: {  	(tag) =	ssettag $0x0;
	lr =	simm.s32 $0x1  }
0x2: {  	[smem:$0x3F9B] =	sst lr;
	_ =	strace $0xD0000000  }
0x3: {  	_ = 	snop  }
0x4: {  	_ = 	snop  }
0x5: {  	_ = 	snop  }
0x6: {  	_ = 	snop  }
0x7: {  	_ = 	snop  }
__scs_overlays_trampoline_lowered:
0x8: {  	[smem:$0x3FAA] =	sst s0  }
0x9: {  	[smem:$0x3FAB] =	sst s1  }
0xa: {  	[smem:$0x3FAC] =	sst s2  }
0xb: {  	[smem:$0x3FAD] =	sst s3  }
0xc: {  	[smem:$0x3FAE] =	sst s4  }
0xd: {  	[smem:$0x3FAF] =	sst s5  }
0xe: {  	[smem:$0x3FB0] =	sst s6  }
0xf: {  	[smem:$0x3FB1] =	sst s7  }
0x10: {  	[smem:$0x3FB2] =	sst s8  }
0x11: {  	[smem:$0x3FB3] =	sst s9;
	s0 =	simm.s32 @!p0 $0x0  }
0x12: {  	s1 =	sld [smem:$0x3F99];
	s0 =	simm.s32 @p0 $0x1  }
0x13: {  	[smem:$0x3FB4] =	sst s0;
	s0 =	simm.s32 @!p1 $0x0  }
0x14: {  	s2 =	sld [smem:$0x3F98];
	s0 =	simm.s32 @p1 $0x1  }
0x15: {  	[smem:$0x3FB5] =	sst s0;
	s0 =	simm.s32 @!p2 $0x0  }
0x16: {  	s3 =	sld [smem:$0x3FDB];
	s0 =	simm.s32 @p2 $0x1  }
0x17: {  	s4 =	simm.s32 $0x1BF5;
	[smem:$0x3FB7] =	sst s0  }
0x18: {  	s0 =	sld [smem:$0x3F9A];
	_ =	swait.ge [sflag:s4], $0x0  }
0x19: {  	s7 =	sld [smem:$0x3F9B]  }
0x1a: {  	s8 =	sadd.s32 $0xFFFFE003, lr  }
0x1b: {  	s9 =	sadd.s32 $0xFFFFFEF7, lr;
	s5 =	simm.s32 $0xFFFFFFFF;
	p2 =	slt.u32 s8, $0xFFFFF086  }
0x1c: {  	p1 =	slt.u32 s9, $0xF7A;
	s5 =	simm.s32 @!p2 $0x0  }
0x1d: {  	s5 =	simm.s32 @p1 $0x1;
	p0 =	seq.s32 s7, s2  }
0x1e: {  	s7 =	smul.u32 @!p0 $0xF7A, s2;
	p2 =	seq.s32 @!p0 s5, $0x0  }
0x1f: {  	s9 =	smul.u32 $0xF7A, s1;
	s8 =	simm.s32 @!p0 $0x1BF5;
	p2 =	por !p2, p0  }
0x20: {  	[sflag:s8] =	ssyncset.s32 @!p0 $0xFFFFF086;
	s6 =	sadd.s32 @!p0 s3, s7;
	s7 =	simm.s32 @!p0 $0x108  }
0x21: {  	s3 =	sadd.s32 s3, s9;
	s6 =	sadd.s32 @!p0 $0x88, s6;
	s7 =	simm.s32 @p2 $0x1082  }
0x22: {  	[simem:s7], [sflag:s8] =	dma.local @!p0 [hbm:s6], $0xF7A  }
0x23: {  	s9 =	sor.u32 $0xD0000000, s2;
	s6 =	simm.s32 $0x108;
	_ =	swait.ge @!p0 [sflag:s8], $0x0  }
0x24: {  	s3 =	sadd.s32 $0x88, s3;
	s6 =	simm.s32 @!p1 $0x1082;
	[sflag:s4] =	ssyncset.s32 $0xFFFFF086  }
0x25: {  	[simem:s6], [sflag:s4] =	dma.local [hbm:s3], $0xF7A  }
0x26: {  	[smem:$0x3F9B] =	sst s1;
	(tag) =	ssettag s2;
	_ =	strace s9  }
0x27: {  	s1 =	sld [smem:$0x3FAB]  }
0x28: {  	s2 =	sld [smem:$0x3FAC]  }
0x29: {  	s4 =	sld [smem:$0x3FAE]  }
0x2a: {  	p0 =	seq.s32 s5, $0x0;
	s5 =	sld [smem:$0x3FAF]  }
0x2b: {  	s6 =	sld [smem:$0x3FB0]  }
0x2c: {  	s7 =	sld [smem:$0x3FB1]  }
0x2d: {  	s3 =	simm.s32 $0x108;
	s8 =	sld [smem:$0x3FB2]  }
0x2e: {  	s3 =	simm.s32 @!p0 $0x1082;
	s9 =	sld [smem:$0x3FB3]  }
0x2f: {  	lr =	sadd.s32 s0, s3;
	s0 =	sld [smem:$0x3FAA]  }
0x30: {  	s3 =	sld [smem:$0x3FAD]  }
0x31: {  	[smem:$0x3FB6] =	sst s10  }
0x32: {  	s10 =	sld [smem:$0x3FB4];
	_ =	sdelay $0x3  }
0x33: {  	p0 =	seq.s32 s10, $0x1;
	s10 =	sld [smem:$0x3FB6];
	_ =	sdelay $0x3  }
0x34: {  	[smem:$0x3FB6] =	sst s10  }
0x35: {  	s10 =	sld [smem:$0x3FB5];
	_ =	sdelay $0x3  }
0x36: {  	p1 =	seq.s32 s10, $0x1;
	s10 =	sld [smem:$0x3FB6];
	_ =	sdelay $0x3  }
0x37: {  	[smem:$0x3FB6] =	sst s10  }
0x38: {  	s10 =	sld [smem:$0x3FB7]  }
0x39: {  	_ = 	snop;
	(pc) =	sbr.ind lr, $3  }
0x3a: {  	_ = 	snop  }
0x3b: {  	_ = 	snop  }
0x3c: {  	p2 =	seq.s32 s10, $0x1;
	s10 =	sld [smem:$0x3FB6]  }
0x3d: {  	_ =	shalt  }
0x3e: {  	_ =	shalt  }
0x3f: {  	_ =	shalt  }
0x40: {  	_ =	shalt  }
0x41: {  	_ =	shalt  }
0x42: {  	_ =	shalt  }
0x43: {  	_ =	shalt  }
0x44: {  	_ =	shalt  }
0x45: {  	_ =	shalt  }
0x46: {  	_ =	shalt  }
0x47: {  	_ =	shalt  }
0x48: {  	_ =	shalt  }
0x49: {  	_ =	shalt  }
0x4a: {  	_ =	shalt  }
0x4b: {  	_ =	shalt  }
0x4c: {  	_ =	shalt  }
0x4d: {  	_ =	shalt  }
0x4e: {  	_ =	shalt  }
0x4f: {  	_ =	shalt  }
0x50: {  	_ =	shalt  }
0x51: {  	_ =	shalt  }
0x52: {  	_ =	shalt  }
0x53: {  	_ =	shalt  }
0x54: {  	_ =	shalt  }
0x55: {  	_ =	shalt  }
0x56: {  	_ =	shalt  }
0x57: {  	_ =	shalt  }
0x58: {  	_ =	shalt  }
0x59: {  	_ =	shalt  }
0x5a: {  	_ =	shalt  }
0x5b: {  	_ =	shalt  }
0x5c: {  	_ =	shalt  }
0x5d: {  	_ =	shalt  }
0x5e: {  	_ =	shalt  }
0x5f: {  	_ =	shalt  }
0x60: {  	_ =	shalt  }
0x61: {  	_ =	shalt  }
0x62: {  	_ =	shalt  }
0x63: {  	_ =	shalt  }
0x64: {  	_ =	shalt  }
0x65: {  	_ =	shalt  }
0x66: {  	_ =	shalt  }
0x67: {  	_ =	shalt  }
0x68: {  	_ =	shalt  }
0x69: {  	_ =	shalt  }
0x6a: {  	_ =	shalt  }
0x6b: {  	_ =	shalt  }
0x6c: {  	_ =	shalt  }
0x6d: {  	_ =	shalt  }
0x6e: {  	_ =	shalt  }
0x6f: {  	_ =	shalt  }
0x70: {  	_ =	shalt  }
0x71: {  	_ =	shalt  }
0x72: {  	_ =	shalt  }
0x73: {  	_ =	shalt  }
0x74: {  	_ =	shalt  }
0x75: {  	_ =	shalt  }
0x76: {  	_ =	shalt  }
0x77: {  	_ =	shalt  }
0x78: {  	_ =	shalt  }
0x79: {  	_ =	shalt  }
0x7a: {  	_ =	shalt  }
0x7b: {  	_ =	shalt  }
0x7c: {  	_ =	shalt  }
0x7d: {  	_ =	shalt  }
0x7e: {  	_ =	shalt  }
0x7f: {  	_ =	shalt  }
0x80: {  	_ =	shalt  }
0x81: {  	_ =	shalt  }
0x82: {  	_ =	shalt  }
0x83: {  	_ =	shalt  }
0x84: {  	_ =	shalt  }
0x85: {  	_ =	shalt  }
0x86: {  	_ =	shalt  }
0x87: {  	_ =	shalt  }
.Lfunc_end0:
.L_simem_size_0:
called_computation.1_lowered:
.L_overlay_start_0:
0x88: {  	s2 =	sld [smem:$0x3FD9]  }
0x89: {  	s3 =	sld [smem:$0x3FFE];
	_ =	sdelay $0x1  }
0x8a: {  	s1 =	srdreg.scid  }
0x8b: {  	s0 =	sand.u32 $0x1, s1  }
0x8c: {  	s16 =	sshll.u32 s0, $0xA;
	s2 =	sadd.s32 s3, s2  }
0x8d: {  	s2 =	sadd.s32 s2, s16  }
0x8e: {  	[smem:$0x3FC2] =	sst s2  }
0x8f: {  	_ = 	snop  }
0x90: {  	(tm) =	ssettm $0x1  }
0x91: {  	s17 =	sld [smem:$0x3FFB];
	_ =	sdelay $0x3  }
0x92: {  	_ =	strace s17  }
0x93: {  	s2 =	sld [smem:$0x3FFC];
	_ =	sdelay $0x3  }
0x94: {  	_ =	strace s2  }
0x95: {  	s2 =	sld [smem:$0x3FFD];
	_ =	sdelay $0x3  }
0x96: {  	_ =	strace s2  }
0x97: {  	_ =	strace $0x8FFFFFFF  }
0x98: {  	s18 =	sld [smem:$0x3FDB];
	_ =	sdelay $0x1  }
0x99: {  	s19 =	simm.s32 $_scs_section_size  }
0x9a: {  	s4 =	simm.s32 $_size__tile_overlayer_lowered;
	s5 =	simm.s32 $_tile_overlayer_lowered  }
0x9b: {  	s22 =	simm.s32 $0x1BFF;
	s21 =	sshll.u32 s5, $0x1;
	s2 =	sadd.s32 s19, s18  }
0x9c: {  	s6 =	simm.s32 $0x0;
	s20 =	sshll.u32 s4, $0x1;
	s4 =	sadd.s32 s21, s2  }
0x9d: {  	[timem:s6], [sflag:s22] =	dma.local [hbm:s4], s20  }
0x9e: {  	_ =	swait.ge [sflag:s22], s20  }
0x9f: {  	s3 =	ssub.s32 $0x0, s20;
	[sflag:s22] =	ssyncset.done $0x0  }
0xa0: {  	[sflag:s22] =	ssyncadd.s32 s3;
	_ =	sdelay $0x1  }
0xa1: {  	s23 =	simm.s32 $0x1B8B  }
0xa2: {  	_ =	swait.ge [sflag:s23], $0x1  }
0xa3: {  	[sflag:s23] =	ssyncset.done $0x0  }
0xa4: {  	s25 =	simm.s32 $0x1B8E;
	s24 =	sld [smem:$0x3FFE];
	[sflag:s23] =	ssyncadd.s32 $0xFFFFFFFF  }
0xa5: {  	s26 =	simm.s32 $execute0_lowered;
	[smem:$0x3FD2] =	sst s25  }
0xa6: {  	s4 =	sshll.u32 s26, $0x1;
	_ =	strace $0x80000046;
	[dreg:$0x1] =	wrdreg $0xFFFFFFFF  }
0xa7: {  	s28 =	simm.s32 $_size_execute0_lowered;
	s2 =	sadd.s32 s2, s4;
	[dreg:$0x0] =	wrdreg $0x0  }
0xa8: {  	s4 =	sshll.u32 s28, $0x1;
	[dreg:$0x2] =	wrdreg s2  }
0xa9: {  	[dreg:$0x3] =	wrdreg s4  }
0xaa: {  	[dreg:$0x4] =	wrdreg $0xC0  }
0xab: {  	_ =	task [dreg:s6], $0x5FFFF  }
0xac: {  	[dreg:$0x1] =	wrdreg $0xFFFFFFFF  }
0xad: {  	[dreg:$0x0] =	wrdreg $0x60  }
0xae: {  	[dreg:$0x2] =	wrdreg s24  }
0xaf: {  	[dreg:$0x3] =	wrdreg $0xA  }
0xb0: {  	_ =	task.clear_ibuf [dreg:s6], $0x4FFFF;
	_ =	strace $0x90000046  }
0xb1: {  	s29 =	simm.s32 $0xA;
	_ =	strace $0x80000048  }
0xb2: {  	_ =	swait.ge [sflag:s29], $0x1  }
0xb3: {  	[sflag:s29] =	ssyncadd.s32 $0xFFFFFFFF  }
0xb4: {  	_ =	strace $0x90000048  }
0xb5: {  	_ =	sfence  }
0xb6: {  	s30 =	sld [smem:$0x0];
	_ =	sdelay $0x2  }
0xb7: {  	s31 =	sshll.u32 s1, $0xD;
	s1 =	sshrl.u32 s1, $0x2  }
0xb8: {  	s3 =	sand.u32 $0x4000, s31;
	s1 =	sadd.s32 s1, s30  }
0xb9: {  	s0 =	sor.u32 s3, s0;
	s1 =	sshll.u32 s1, $0x11  }
0xba: {  	s0 =	sor.u32 s1, s0  }
0xbb: {  	s0 =	sadd.s32 $0x8F2B, s0  }
0xbc: {  	[sflag:s0] =	ssyncadd.remote.s32 $0x1  }
0xbd: {  	_ =	sfence.sel $0xFFFF  }
0xbe: {  	[dreg:$0x0] =	wrdreg $0xFFFFFFFF;
	(pc) =	sbr.abs _section_cstart, $3  }
0xbf: {  	[dreg:$0x1] =	wrdreg $0xFFFFFFFF  }
0xc0: {  	_ =	task.clear_ibuf [dreg:s6], $0x2FFFF;
	_ =	strace $0x9FFFFFFF  }
0xc1: {  	(tm) =	ssettm $0x7FFFFFFF  }
tec
execute0_lowered:
.L_overlay_start_1:
0x0: {  	(tag) =	ssettag $0x1  }
0x1: {  	s4 =	rddreg [dreg:$0x0];
	s2 =	srdreg.scid  }
0x2: {  	s0 =	rddreg [dreg:$0x1];
	s1 =	stileid.u32  }
0x3: {  	s11 =	simm.s32 $0x1;
	s12 =	simm.s32 $0x2;
	s13 =	simm.s32 $0x3  }
0x4: {  	s14 =	simm.s32 $0x100;
	s15 =	simm.s32 $0x0;
	s3 =	sand.u32 $0x1, s2  }
0x5: {  	s2 =	simm.s32 $0x0;
	s5 =	sshll.u32 s1, $0x9;
	s6 =	sshll.u32 s3, $0x8  }
0x6: {  	[smem:$0x7FF] =	sst s2;
	s7 =	ssub.s32 $0x2, s3;
	s5 =	sor.u32 s6, s5  }
0x7: {  	s3 =	sadd.s32 $0x2E00, s4;
	_ =	strace $0x80000047;
	s6 =	sshrl.u32 s5, $0x3  }
0x8: {  	s31 =	sshrl.u32 s7, $0x1;
	s5 =	sshll.u32 s5, $0x4;
	s8 =	sadd.s32 s6, s4  }
0x9: {  	s10 =	ssub.s32 s7, s31;
	s9 =	sadd.s32 s5, s4;
	s4 =	sadd.s32 $0x1200, s8  }
0xa: {  	s5 =	sadd.s32 $0xE00, s8;
	s6 =	sadd.s32 $0x2200, s8;
	s7 =	sadd.s32 $0x1E00, s8  }
0xb: {  	s8 =	sadd.s32 $0xF82E00, s9;
	s9 =	smax.u32 s10, $0x1;
	s10 =	simm.s32 $0x4  }
.LBB2_1:
0xc: {  	[tilespmem:s2], [sflag:$0x4] =	stream.linear.gather [hbm4b:s4+s2], $0x100, $0x38;
	[tilespmem:$0x18100] =	vst v63  }
0xd: {  	_ =	swait.ge [sflag:s10], $0x100  }
0xe: {  	[sflag:s10] =	ssyncset.done $0x0  }
0xf: {  	s17 =	simm.s32 $0x0;
	[sflag:s10] =	ssyncadd.s32 $0xFFFFFF00  }
0x10: {  	v1 =	vld [tilespmem:s17+$0x0];
	_ =	sdelay $0x4  }
0x11: {  	(v2sf) =	vpush v1, $0x0  }
0x12: {  	(v2sf) =	vpush v1, $0x1;
	_ =	sdelay $0x1  }
0x13: {  	(v2sf) =	vpush v1, $0x2  }
0x14: {  	(v2sf) =	vpush v1, $0x3  }
0x15: {  	(v2sf) =	vpush v1, $0x4  }
0x16: {  	(v2sf) =	vpush v1, $0x5  }
0x17: {  	(v2sf) =	vpush v1, $0x6  }
0x18: {  	(v2sf) =	vpush v1, $0x7  }
0x19: {  	(v2sf) =	vpush v1, $0x8  }
0x1a: {  	(v2sf) =	vpush v1, $0x9  }
0x1b: {  	s16 =	simm.s32 $0x10;
	(v2sf) =	vpush v1, $0xA  }
0x1c: {  	v0 =	vld [tilespmem:s16+$0x0];
	(v2sf) =	vpush v1, $0xB  }
0x1d: {  	(v2sf) =	vpush v1, $0xC  }
0x1e: {  	(v2sf) =	vpush v1, $0xD  }
0x1f: {  	(v2sf) =	vpush v1, $0xE;
	s18 =	spop (v2sf)  }
0x20: {  	(v2sf) =	vpush v1, $0xF;
	[smem:s17] =	sst s18;
	s31 =	spop (v2sf)  }
0x21: {  	(v2sf) =	vpush v0, $0x0;
	[smem:$0x1] =	sst s31  }
0x22: {  	s18 =	spop (v2sf)  }
0x23: {  	(v2sf) =	vpush v0, $0x1;
	[smem:$0x2] =	sst s18  }
0x24: {  	s18 =	spop (v2sf)  }
0x25: {  	(v2sf) =	vpush v0, $0x2;
	[smem:$0x3] =	sst s18  }
0x26: {  	s18 =	spop (v2sf)  }
0x27: {  	(v2sf) =	vpush v0, $0x3;
	[smem:$0x4] =	sst s18  }
0x28: {  	s18 =	spop (v2sf)  }
0x29: {  	(v2sf) =	vpush v0, $0x4;
	[smem:$0x5] =	sst s18  }
0x2a: {  	s18 =	spop (v2sf)  }
0x2b: {  	(v2sf) =	vpush v0, $0x5;
	[smem:$0x6] =	sst s18  }
0x2c: {  	s18 =	spop (v2sf)  }
0x2d: {  	(v2sf) =	vpush v0, $0x6;
	[smem:$0x7] =	sst s18  }
0x2e: {  	s18 =	spop (v2sf)  }
0x2f: {  	(v2sf) =	vpush v0, $0x7;
	[smem:$0x8] =	sst s18  }
0x30: {  	s18 =	spop (v2sf)  }
0x31: {  	(v2sf) =	vpush v0, $0x8;
	[smem:$0x9] =	sst s18  }
0x32: {  	s18 =	spop (v2sf)  }
0x33: {  	(v2sf) =	vpush v0, $0x9;
	[smem:$0xA] =	sst s18  }
0x34: {  	s18 =	spop (v2sf)  }
0x35: {  	(v2sf) =	vpush v0, $0xA;
	[smem:$0xB] =	sst s18  }
0x36: {  	s19 =	spop (v2sf)  }
0x37: {  	(v2sf) =	vpush v0, $0xB;
	[smem:$0xC] =	sst s19  }
0x38: {  	s18 =	simm.s32 $0x20;
	s19 =	spop (v2sf)  }
0x39: {  	v1 =	vld [tilespmem:s18+$0x0];
	(v2sf) =	vpush v0, $0xC;
	[smem:$0xD] =	sst s19  }
0x3a: {  	s19 =	spop (v2sf)  }
0x3b: {  	(v2sf) =	vpush v0, $0xD;
	[smem:$0xE] =	sst s19  }
0x3c: {  	s19 =	simm.s32 $0xC0;
	s20 =	spop (v2sf)  }
.LBB2_2:
0x3d: {  	p0 =	sne.s32 s19, $0x3C0;
	[smem:s17+$0xF] =	sst s20;
	s20 =	smov.u32 s19  }
0x3e: {  	(v2sf) =	vpush v0, $0xE;
	s19 =	sadd.s32 $0x40, s19;
	s17 =	smov.u32 s16;
	s16 =	smov.u32 s18  }
0x3f: {  	s18 =	spop (v2sf);
	(v2sf) =	vpush v0, $0xF  }
0x40: {  	[smem:s17] =	sst s18;
	s18 =	spop (v2sf)  }
0x41: {  	(v2sf) =	vpush v1, $0x0;
	[smem:s17+$0x1] =	sst s18;
	s18 =	spop (v2sf);
	v0 =	vmov v1  }
0x42: {  	(v2sf) =	vpush v0, $0x1;
	[smem:s17+$0x2] =	sst s18;
	s18 =	spop (v2sf)  }
0x43: {  	(v2sf) =	vpush v0, $0x2;
	[smem:s17+$0x3] =	sst s18;
	s18 =	spop (v2sf)  }
0x44: {  	(v2sf) =	vpush v0, $0x3;
	[smem:s17+$0x4] =	sst s18;
	s18 =	spop (v2sf)  }
0x45: {  	(v2sf) =	vpush v0, $0x4;
	[smem:s17+$0x5] =	sst s18;
	s18 =	spop (v2sf)  }
0x46: {  	(v2sf) =	vpush v0, $0x5;
	[smem:s17+$0x6] =	sst s18;
	s18 =	spop (v2sf)  }
0x47: {  	(v2sf) =	vpush v0, $0x6;
	[smem:s17+$0x7] =	sst s18;
	s18 =	spop (v2sf)  }
0x48: {  	(v2sf) =	vpush v0, $0x7;
	[smem:s17+$0x8] =	sst s18;
	s18 =	spop (v2sf)  }
0x49: {  	(v2sf) =	vpush v0, $0x8;
	[smem:s17+$0x9] =	sst s18;
	s18 =	spop (v2sf)  }
0x4a: {  	[smem:s17+$0xA] =	sst s18  }
.Ltmp0:
0x4b: {  	(v2sf) =	vpush v0, $0x9;
	s18 =	spop (v2sf);
	(pc) =	sbr.rel @p0 .LBB2_2-.Ltmp0, $4  }
0x4c: {  	(v2sf) =	vpush v0, $0xA;
	[smem:s17+$0xB] =	sst s18;
	s21 =	spop (v2sf)  }
0x4d: {  	s18 =	sshra.s32 s20, $0x2;
	(v2sf) =	vpush v0, $0xB;
	[smem:s17+$0xC] =	sst s21;
	s20 =	spop (v2sf)  }
0x4e: {  	v1 =	vld [tilespmem:s18+$0x0];
	(v2sf) =	vpush v0, $0xC;
	[smem:s17+$0xD] =	sst s20;
	s20 =	spop (v2sf)  }
0x4f: {  	(v2sf) =	vpush v0, $0xD;
	[smem:s17+$0xE] =	sst s20;
	s20 =	spop (v2sf)  }
0x50: {  	_ = 	snop  }
0x51: {  	(v2sf) =	vpush v0, $0xE  }
0x52: {  	[smem:s17+$0xF] =	sst s20;
	s23 =	spop (v2sf);
	(v2sf) =	vpush v0, $0xF  }
0x53: {  	[smem:s16] =	sst s23;
	s24 =	spop (v2sf);
	(v2sf) =	vpush v1, $0x0  }
0x54: {  	[smem:s16+$0x1] =	sst s24;
	s25 =	spop (v2sf);
	(v2sf) =	vpush v1, $0x1  }
0x55: {  	[smem:s16+$0x2] =	sst s25;
	s26 =	spop (v2sf);
	(v2sf) =	vpush v1, $0x2  }
0x56: {  	[smem:s16+$0x3] =	sst s26;
	s28 =	spop (v2sf);
	(v2sf) =	vpush v1, $0x3  }
0x57: {  	[smem:s16+$0x4] =	sst s28;
	s29 =	spop (v2sf);
	(v2sf) =	vpush v1, $0x4  }
0x58: {  	[smem:s16+$0x5] =	sst s29;
	s30 =	spop (v2sf);
	(v2sf) =	vpush v1, $0x5  }
0x59: {  	[smem:s16+$0x6] =	sst s30;
	s31 =	spop (v2sf);
	(v2sf) =	vpush v1, $0x6  }
0x5a: {  	[smem:s16+$0x7] =	sst s31;
	s19 =	spop (v2sf);
	(v2sf) =	vpush v1, $0x7  }
0x5b: {  	[smem:s16+$0x8] =	sst s19;
	s20 =	spop (v2sf);
	(v2sf) =	vpush v1, $0x8  }
0x5c: {  	[smem:s16+$0x9] =	sst s20;
	s21 =	spop (v2sf);
	(v2sf) =	vpush v1, $0x9  }
0x5d: {  	[smem:s16+$0xA] =	sst s21;
	s22 =	spop (v2sf);
	(v2sf) =	vpush v1, $0xA  }
0x5e: {  	[smem:s16+$0xB] =	sst s22;
	s23 =	spop (v2sf);
	(v2sf) =	vpush v1, $0xB  }
0x5f: {  	[smem:s16+$0xC] =	sst s23;
	s24 =	spop (v2sf);
	(v2sf) =	vpush v1, $0xC  }
0x60: {  	[smem:s16+$0xD] =	sst s24;
	s25 =	spop (v2sf);
	(v2sf) =	vpush v1, $0xD  }
0x61: {  	[smem:s16+$0xE] =	sst s25;
	s26 =	spop (v2sf);
	(v2sf) =	vpush v1, $0xE  }
0x62: {  	[smem:s16+$0xF] =	sst s26;
	s28 =	spop (v2sf);
	(v2sf) =	vpush v1, $0xF  }
0x63: {  	[smem:s18] =	sst s28;
	s29 =	spop (v2sf)  }
0x64: {  	[smem:s18+$0x1] =	sst s29;
	s30 =	spop (v2sf)  }
0x65: {  	[smem:s18+$0x2] =	sst s30;
	s31 =	spop (v2sf)  }
0x66: {  	[smem:s18+$0x3] =	sst s31;
	s17 =	spop (v2sf)  }
0x67: {  	[smem:s18+$0x4] =	sst s17;
	s19 =	spop (v2sf)  }
0x68: {  	[smem:s18+$0x5] =	sst s19;
	s20 =	spop (v2sf)  }
0x69: {  	[smem:s18+$0x6] =	sst s20;
	s21 =	spop (v2sf)  }
0x6a: {  	[smem:s18+$0x7] =	sst s21;
	s22 =	spop (v2sf)  }
0x6b: {  	[smem:s18+$0x8] =	sst s22;
	s23 =	spop (v2sf)  }
0x6c: {  	[smem:s18+$0x9] =	sst s23;
	s24 =	spop (v2sf)  }
0x6d: {  	[smem:s18+$0xA] =	sst s24;
	s25 =	spop (v2sf)  }
0x6e: {  	[smem:s18+$0xB] =	sst s25;
	s26 =	spop (v2sf)  }
0x6f: {  	[smem:s18+$0xC] =	sst s26;
	s28 =	spop (v2sf)  }
0x70: {  	[smem:s18+$0xD] =	sst s28;
	s29 =	spop (v2sf)  }
0x71: {  	[smem:s18+$0xE] =	sst s29;
	s30 =	spop (v2sf)  }
0x72: {  	[smem:s18+$0xF] =	sst s30  }
0x73: {  	s16 =	sld [smem:$0x0];
	_ =	sdelay $0x2  }
0x74: {  	s16 =	sshll.u32 s16, $0x4  }
0x75: {  	s31 =	sand.u32 $0x1FFFFFF0, s16  }
0x76: {  	s17 =	sld [smem:$0x1];
	s16 =	simm.s32 $0x100;
	s18 =	sadd.s32 s3, s31  }
0x77: {  	[tilespmem:s16], [sflag:$0x1] =	stream.linear.gather [hbm4b:s18+s2], $0x80, $0x38;
	[tilespmem:$0x18100] =	vst v63  }
0x78: {  	s18 =	simm.s32 $0x8  }
.LBB2_4:
0x79: {  	p0 =	sne.s32 s18, $0x3FC  }
.Ltmp1:
0x7a: {  	_ = 	snop;
	(pc) =	sbr.rel @p0 .LBB2_4-.Ltmp1, $4  }
0x7b: {  	s20 =	sshll.u32 s17, $0x4  }
0x7c: {  	s19 =	sshra.s32 s18, $0x2;
	s16 =	sadd.s32 $0x80, s16;
	s31 =	sand.u32 $0x1FFFFFF0, s20  }
0x7d: {  	s18 =	sadd.s32 $0x4, s18;
	s17 =	sld [smem:s19+$0x0];
	s19 =	sadd.s32 s3, s31  }
0x7e: {  	[tilespmem:s16], [sflag:$0x1] =	stream.linear.gather [hbm4b:s19+s2], $0x80, $0x38;
	[tilespmem:$0x18100] =	vst v63  }
0x7f: {  	_ = 	snop  }
0x80: {  	s17 =	sshll.u32 s17, $0x4  }
0x81: {  	s17 =	sand.u32 $0x1FFFFFF0, s17  }
0x82: {  	s16 =	sadd.s32 $0x80, s16;
	s17 =	sadd.s32 s3, s17  }
0x83: {  	[tilespmem:s16], [sflag:$0x1] =	stream.linear.gather [hbm4b:s17+s2], $0x80, $0x38;
	[tilespmem:$0x18100] =	vst v63  }
0x84: {  	s30 =	simm.s32 $0x0  }
0x85: {  	[tilespmem:s30], [sflag:$0x4] =	stream.linear.gather [hbm4b:s5+s30], $0x100, $0x38;
	[tilespmem:$0x18100] =	vst v63  }
0x86: {  	_ =	swait.ge [sflag:s10], $0x100  }
0x87: {  	[sflag:s10] =	ssyncset.done $0x0  }
0x88: {  	s17 =	simm.s32 $0x0;
	[sflag:s10] =	ssyncadd.s32 $0xFFFFFF00  }
0x89: {  	v1 =	vld [tilespmem:s17+$0x0];
	_ =	sdelay $0x4  }
0x8a: {  	(v2sf) =	vpush v1, $0x0  }
0x8b: {  	(v2sf) =	vpush v1, $0x1;
	_ =	sdelay $0x1  }
0x8c: {  	(v2sf) =	vpush v1, $0x2  }
0x8d: {  	(v2sf) =	vpush v1, $0x3  }
0x8e: {  	(v2sf) =	vpush v1, $0x4  }
0x8f: {  	(v2sf) =	vpush v1, $0x5  }
0x90: {  	(v2sf) =	vpush v1, $0x6  }
0x91: {  	(v2sf) =	vpush v1, $0x7  }
0x92: {  	(v2sf) =	vpush v1, $0x8  }
0x93: {  	(v2sf) =	vpush v1, $0x9  }
0x94: {  	s16 =	simm.s32 $0x10;
	(v2sf) =	vpush v1, $0xA  }
0x95: {  	v0 =	vld [tilespmem:s16+$0x0];
	(v2sf) =	vpush v1, $0xB  }
0x96: {  	(v2sf) =	vpush v1, $0xC  }
0x97: {  	(v2sf) =	vpush v1, $0xD  }
0x98: {  	(v2sf) =	vpush v1, $0xE;
	s18 =	spop (v2sf)  }
0x99: {  	(v2sf) =	vpush v1, $0xF;
	[smem:s17] =	sst s18;
	s31 =	spop (v2sf)  }
0x9a: {  	(v2sf) =	vpush v0, $0x0;
	[smem:$0x1] =	sst s31  }
0x9b: {  	s18 =	spop (v2sf)  }
0x9c: {  	(v2sf) =	vpush v0, $0x1;
	[smem:$0x2] =	sst s18  }
0x9d: {  	s18 =	spop (v2sf)  }
0x9e: {  	(v2sf) =	vpush v0, $0x2;
	[smem:$0x3] =	sst s18  }
0x9f: {  	s18 =	spop (v2sf)  }
0xa0: {  	(v2sf) =	vpush v0, $0x3;
	[smem:$0x4] =	sst s18  }
0xa1: {  	s18 =	spop (v2sf)  }
0xa2: {  	(v2sf) =	vpush v0, $0x4;
	[smem:$0x5] =	sst s18  }
0xa3: {  	s18 =	spop (v2sf)  }
0xa4: {  	(v2sf) =	vpush v0, $0x5;
	[smem:$0x6] =	sst s18  }
0xa5: {  	s18 =	spop (v2sf)  }
0xa6: {  	(v2sf) =	vpush v0, $0x6;
	[smem:$0x7] =	sst s18  }
0xa7: {  	s18 =	spop (v2sf)  }
0xa8: {  	(v2sf) =	vpush v0, $0x7;
	[smem:$0x8] =	sst s18  }
0xa9: {  	s18 =	spop (v2sf)  }
0xaa: {  	(v2sf) =	vpush v0, $0x8;
	[smem:$0x9] =	sst s18  }
0xab: {  	s18 =	spop (v2sf)  }
0xac: {  	(v2sf) =	vpush v0, $0x9;
	[smem:$0xA] =	sst s18  }
0xad: {  	s18 =	spop (v2sf)  }
0xae: {  	(v2sf) =	vpush v0, $0xA;
	[smem:$0xB] =	sst s18  }
0xaf: {  	s19 =	spop (v2sf)  }
0xb0: {  	(v2sf) =	vpush v0, $0xB;
	[smem:$0xC] =	sst s19  }
0xb1: {  	s18 =	simm.s32 $0x20;
	s19 =	spop (v2sf)  }
0xb2: {  	v1 =	vld [tilespmem:s18+$0x0];
	(v2sf) =	vpush v0, $0xC;
	[smem:$0xD] =	sst s19  }
0xb3: {  	s19 =	spop (v2sf)  }
0xb4: {  	(v2sf) =	vpush v0, $0xD;
	[smem:$0xE] =	sst s19  }
0xb5: {  	s19 =	simm.s32 $0xC0;
	s20 =	spop (v2sf)  }
.LBB2_6:
0xb6: {  	p0 =	sne.s32 s19, $0x3C0;
	[smem:s17+$0xF] =	sst s20;
	s20 =	smov.u32 s19  }
0xb7: {  	(v2sf) =	vpush v0, $0xE;
	s19 =	sadd.s32 $0x40, s19;
	s17 =	smov.u32 s16;
	s16 =	smov.u32 s18  }
0xb8: {  	s18 =	spop (v2sf);
	(v2sf) =	vpush v0, $0xF  }
0xb9: {  	[smem:s17] =	sst s18;
	s18 =	spop (v2sf)  }
0xba: {  	(v2sf) =	vpush v1, $0x0;
	[smem:s17+$0x1] =	sst s18;
	s18 =	spop (v2sf);
	v0 =	vmov v1  }
0xbb: {  	(v2sf) =	vpush v0, $0x1;
	[smem:s17+$0x2] =	sst s18;
	s18 =	spop (v2sf)  }
0xbc: {  	(v2sf) =	vpush v0, $0x2;
	[smem:s17+$0x3] =	sst s18;
	s18 =	spop (v2sf)  }
0xbd: {  	(v2sf) =	vpush v0, $0x3;
	[smem:s17+$0x4] =	sst s18;
	s18 =	spop (v2sf)  }
0xbe: {  	(v2sf) =	vpush v0, $0x4;
	[smem:s17+$0x5] =	sst s18;
	s18 =	spop (v2sf)  }
0xbf: {  	(v2sf) =	vpush v0, $0x5;
	[smem:s17+$0x6] =	sst s18;
	s18 =	spop (v2sf)  }
0xc0: {  	(v2sf) =	vpush v0, $0x6;
	[smem:s17+$0x7] =	sst s18;
	s18 =	spop (v2sf)  }
0xc1: {  	(v2sf) =	vpush v0, $0x7;
	[smem:s17+$0x8] =	sst s18;
	s18 =	spop (v2sf)  }
0xc2: {  	(v2sf) =	vpush v0, $0x8;
	[smem:s17+$0x9] =	sst s18;
	s18 =	spop (v2sf)  }
0xc3: {  	[smem:s17+$0xA] =	sst s18  }
.Ltmp2:
0xc4: {  	(v2sf) =	vpush v0, $0x9;
	s18 =	spop (v2sf);
	(pc) =	sbr.rel @p0 .LBB2_6-.Ltmp2, $4  }
0xc5: {  	(v2sf) =	vpush v0, $0xA;
	[smem:s17+$0xB] =	sst s18;
	s21 =	spop (v2sf)  }
0xc6: {  	s18 =	sshra.s32 s20, $0x2;
	(v2sf) =	vpush v0, $0xB;
	[smem:s17+$0xC] =	sst s21;
	s20 =	spop (v2sf)  }
0xc7: {  	v1 =	vld [tilespmem:s18+$0x0];
	(v2sf) =	vpush v0, $0xC;
	[smem:s17+$0xD] =	sst s20;
	s20 =	spop (v2sf)  }
0xc8: {  	(v2sf) =	vpush v0, $0xD;
	[smem:s17+$0xE] =	sst s20;
	s20 =	spop (v2sf)  }
0xc9: {  	_ = 	snop  }
0xca: {  	(v2sf) =	vpush v0, $0xE  }
0xcb: {  	[smem:s17+$0xF] =	sst s20;
	s23 =	spop (v2sf);
	(v2sf) =	vpush v0, $0xF  }
0xcc: {  	[smem:s16] =	sst s23;
	s24 =	spop (v2sf);
	(v2sf) =	vpush v1, $0x0  }
0xcd: {  	[smem:s16+$0x1] =	sst s24;
	s25 =	spop (v2sf);
	(v2sf) =	vpush v1, $0x1  }
0xce: {  	[smem:s16+$0x2] =	sst s25;
	s26 =	spop (v2sf);
	(v2sf) =	vpush v1, $0x2  }
0xcf: {  	[smem:s16+$0x3] =	sst s26;
	s28 =	spop (v2sf);
	(v2sf) =	vpush v1, $0x3  }
0xd0: {  	[smem:s16+$0x4] =	sst s28;
	s29 =	spop (v2sf);
	(v2sf) =	vpush v1, $0x4  }
0xd1: {  	[smem:s16+$0x5] =	sst s29;
	s30 =	spop (v2sf);
	(v2sf) =	vpush v1, $0x5  }
0xd2: {  	[smem:s16+$0x6] =	sst s30;
	s31 =	spop (v2sf);
	(v2sf) =	vpush v1, $0x6  }
0xd3: {  	[smem:s16+$0x7] =	sst s31;
	s19 =	spop (v2sf);
	(v2sf) =	vpush v1, $0x7  }
0xd4: {  	[smem:s16+$0x8] =	sst s19;
	s20 =	spop (v2sf);
	(v2sf) =	vpush v1, $0x8  }
0xd5: {  	[smem:s16+$0x9] =	sst s20;
	s21 =	spop (v2sf);
	(v2sf) =	vpush v1, $0x9  }
0xd6: {  	[smem:s16+$0xA] =	sst s21;
	s22 =	spop (v2sf);
	(v2sf) =	vpush v1, $0xA  }
0xd7: {  	[smem:s16+$0xB] =	sst s22;
	s23 =	spop (v2sf);
	(v2sf) =	vpush v1, $0xB  }
0xd8: {  	[smem:s16+$0xC] =	sst s23;
	s24 =	spop (v2sf);
	(v2sf) =	vpush v1, $0xC  }
0xd9: {  	[smem:s16+$0xD] =	sst s24;
	s25 =	spop (v2sf);
	(v2sf) =	vpush v1, $0xD  }
0xda: {  	[smem:s16+$0xE] =	sst s25;
	s26 =	spop (v2sf);
	(v2sf) =	vpush v1, $0xE  }
0xdb: {  	[smem:s16+$0xF] =	sst s26;
	s28 =	spop (v2sf);
	(v2sf) =	vpush v1, $0xF  }
0xdc: {  	[smem:s18] =	sst s28;
	s29 =	spop (v2sf)  }
0xdd: {  	[smem:s18+$0x1] =	sst s29;
	s30 =	spop (v2sf)  }
0xde: {  	[smem:s18+$0x2] =	sst s30;
	s31 =	spop (v2sf)  }
0xdf: {  	[smem:s18+$0x3] =	sst s31;
	s17 =	spop (v2sf)  }
0xe0: {  	[smem:s18+$0x4] =	sst s17;
	s19 =	spop (v2sf)  }
0xe1: {  	[smem:s18+$0x5] =	sst s19;
	s20 =	spop (v2sf)  }
0xe2: {  	[smem:s18+$0x6] =	sst s20;
	s21 =	spop (v2sf)  }
0xe3: {  	[smem:s18+$0x7] =	sst s21;
	s22 =	spop (v2sf)  }
0xe4: {  	[smem:s18+$0x8] =	sst s22;
	s23 =	spop (v2sf)  }
0xe5: {  	[smem:s18+$0x9] =	sst s23;
	s24 =	spop (v2sf)  }
0xe6: {  	[smem:s18+$0xA] =	sst s24;
	s25 =	spop (v2sf)  }
0xe7: {  	[smem:s18+$0xB] =	sst s25;
	s26 =	spop (v2sf)  }
0xe8: {  	[smem:s18+$0xC] =	sst s26;
	s28 =	spop (v2sf)  }
0xe9: {  	[smem:s18+$0xD] =	sst s28;
	s29 =	spop (v2sf)  }
0xea: {  	[smem:s18+$0xE] =	sst s29;
	s30 =	spop (v2sf)  }
0xeb: {  	[smem:s18+$0xF] =	sst s30  }
0xec: {  	s16 =	sld [smem:$0x0];
	_ =	sdelay $0x2  }
0xed: {  	s16 =	sshll.u32 s16, $0x4  }
0xee: {  	s31 =	sand.u32 $0x1FFFFFF0, s16  }
0xef: {  	s17 =	sld [smem:$0x1];
	s16 =	simm.s32 $0x8100;
	s18 =	sadd.s32 s3, s31  }
0xf0: {  	[tilespmem:s16], [sflag:$0x2] =	stream.linear.gather [hbm4b:s18+s2], $0x80, $0x38;
	[tilespmem:$0x18100] =	vst v63  }
0xf1: {  	s18 =	simm.s32 $0x8  }
.LBB2_8:
0xf2: {  	p0 =	sne.s32 s18, $0x3FC  }
.Ltmp3:
0xf3: {  	_ = 	snop;
	(pc) =	sbr.rel @p0 .LBB2_8-.Ltmp3, $4  }
0xf4: {  	s20 =	sshll.u32 s17, $0x4  }
0xf5: {  	s19 =	sshra.s32 s18, $0x2;
	s16 =	sadd.s32 $0x80, s16;
	s31 =	sand.u32 $0x1FFFFFF0, s20  }
0xf6: {  	s18 =	sadd.s32 $0x4, s18;
	s17 =	sld [smem:s19+$0x0];
	s19 =	sadd.s32 s3, s31  }
0xf7: {  	[tilespmem:s16], [sflag:$0x2] =	stream.linear.gather [hbm4b:s19+s2], $0x80, $0x38;
	[tilespmem:$0x18100] =	vst v63  }
0xf8: {  	_ = 	snop  }
0xf9: {  	s17 =	sshll.u32 s17, $0x4  }
0xfa: {  	s17 =	sand.u32 $0x1FFFFFF0, s17  }
0xfb: {  	s16 =	sadd.s32 $0x80, s16;
	s17 =	sadd.s32 s3, s17  }
0xfc: {  	[tilespmem:s16], [sflag:$0x2] =	stream.linear.gather [hbm4b:s17+s2], $0x80, $0x38;
	[tilespmem:$0x18100] =	vst v63  }
0xfd: {  	s30 =	simm.s32 $0x0  }
0xfe: {  	[tilespmem:s30], [sflag:$0x4] =	stream.linear.gather [hbm4b:s6+s30], $0x100, $0x38;
	[tilespmem:$0x18100] =	vst v63  }
0xff: {  	_ =	swait.ge [sflag:s10], $0x100  }
0x100: {  	[sflag:s10] =	ssyncset.done $0x0  }
0x101: {  	s17 =	simm.s32 $0x0;
	[sflag:s10] =	ssyncadd.s32 $0xFFFFFF00  }
0x102: {  	v1 =	vld [tilespmem:s17+$0x0];
	_ =	sdelay $0x4  }
0x103: {  	(v2sf) =	vpush v1, $0x0  }
0x104: {  	(v2sf) =	vpush v1, $0x1;
	_ =	sdelay $0x1  }
0x105: {  	(v2sf) =	vpush v1, $0x2  }
0x106: {  	(v2sf) =	vpush v1, $0x3  }
0x107: {  	(v2sf) =	vpush v1, $0x4  }
0x108: {  	(v2sf) =	vpush v1, $0x5  }
0x109: {  	(v2sf) =	vpush v1, $0x6  }
0x10a: {  	(v2sf) =	vpush v1, $0x7  }
0x10b: {  	(v2sf) =	vpush v1, $0x8  }
0x10c: {  	(v2sf) =	vpush v1, $0x9  }
0x10d: {  	s16 =	simm.s32 $0x10;
	(v2sf) =	vpush v1, $0xA  }
0x10e: {  	v0 =	vld [tilespmem:s16+$0x0];
	(v2sf) =	vpush v1, $0xB  }
0x10f: {  	(v2sf) =	vpush v1, $0xC  }
0x110: {  	(v2sf) =	vpush v1, $0xD  }
0x111: {  	(v2sf) =	vpush v1, $0xE;
	s18 =	spop (v2sf)  }
0x112: {  	(v2sf) =	vpush v1, $0xF;
	[smem:s17] =	sst s18;
	s31 =	spop (v2sf)  }
0x113: {  	(v2sf) =	vpush v0, $0x0;
	[smem:$0x1] =	sst s31  }
0x114: {  	s18 =	spop (v2sf)  }
0x115: {  	(v2sf) =	vpush v0, $0x1;
	[smem:$0x2] =	sst s18  }
0x116: {  	s18 =	spop (v2sf)  }
0x117: {  	(v2sf) =	vpush v0, $0x2;
	[smem:$0x3] =	sst s18  }
0x118: {  	s18 =	spop (v2sf)  }
0x119: {  	(v2sf) =	vpush v0, $0x3;
	[smem:$0x4] =	sst s18  }
0x11a: {  	s18 =	spop (v2sf)  }
0x11b: {  	(v2sf) =	vpush v0, $0x4;
	[smem:$0x5] =	sst s18  }
0x11c: {  	s18 =	spop (v2sf)  }
0x11d: {  	(v2sf) =	vpush v0, $0x5;
	[smem:$0x6] =	sst s18  }
0x11e: {  	s18 =	spop (v2sf)  }
0x11f: {  	(v2sf) =	vpush v0, $0x6;
	[smem:$0x7] =	sst s18  }
0x120: {  	s18 =	spop (v2sf)  }
0x121: {  	(v2sf) =	vpush v0, $0x7;
	[smem:$0x8] =	sst s18  }
0x122: {  	s18 =	spop (v2sf)  }
0x123: {  	(v2sf) =	vpush v0, $0x8;
	[smem:$0x9] =	sst s18  }
0x124: {  	s18 =	spop (v2sf)  }
0x125: {  	(v2sf) =	vpush v0, $0x9;
	[smem:$0xA] =	sst s18  }
0x126: {  	s18 =	spop (v2sf)  }
0x127: {  	(v2sf) =	vpush v0, $0xA;
	[smem:$0xB] =	sst s18  }
0x128: {  	s19 =	spop (v2sf)  }
0x129: {  	(v2sf) =	vpush v0, $0xB;
	[smem:$0xC] =	sst s19  }
0x12a: {  	s18 =	simm.s32 $0x20;
	s19 =	spop (v2sf)  }
0x12b: {  	v1 =	vld [tilespmem:s18+$0x0];
	(v2sf) =	vpush v0, $0xC;
	[smem:$0xD] =	sst s19  }
0x12c: {  	s19 =	spop (v2sf)  }
0x12d: {  	(v2sf) =	vpush v0, $0xD;
	[smem:$0xE] =	sst s19  }
0x12e: {  	s19 =	simm.s32 $0xC0;
	s20 =	spop (v2sf)  }
.LBB2_10:
0x12f: {  	p0 =	sne.s32 s19, $0x3C0;
	[smem:s17+$0xF] =	sst s20;
	s20 =	smov.u32 s19  }
0x130: {  	(v2sf) =	vpush v0, $0xE;
	s19 =	sadd.s32 $0x40, s19;
	s17 =	smov.u32 s16;
	s16 =	smov.u32 s18  }
0x131: {  	s18 =	spop (v2sf);
	(v2sf) =	vpush v0, $0xF  }
0x132: {  	[smem:s17] =	sst s18;
	s18 =	spop (v2sf)  }
0x133: {  	(v2sf) =	vpush v1, $0x0;
	[smem:s17+$0x1] =	sst s18;
	s18 =	spop (v2sf);
	v0 =	vmov v1  }
0x134: {  	(v2sf) =	vpush v0, $0x1;
	[smem:s17+$0x2] =	sst s18;
	s18 =	spop (v2sf)  }
0x135: {  	(v2sf) =	vpush v0, $0x2;
	[smem:s17+$0x3] =	sst s18;
	s18 =	spop (v2sf)  }
0x136: {  	(v2sf) =	vpush v0, $0x3;
	[smem:s17+$0x4] =	sst s18;
	s18 =	spop (v2sf)  }
0x137: {  	(v2sf) =	vpush v0, $0x4;
	[smem:s17+$0x5] =	sst s18;
	s18 =	spop (v2sf)  }
0x138: {  	(v2sf) =	vpush v0, $0x5;
	[smem:s17+$0x6] =	sst s18;
	s18 =	spop (v2sf)  }
0x139: {  	(v2sf) =	vpush v0, $0x6;
	[smem:s17+$0x7] =	sst s18;
	s18 =	spop (v2sf)  }
0x13a: {  	(v2sf) =	vpush v0, $0x7;
	[smem:s17+$0x8] =	sst s18;
	s18 =	spop (v2sf)  }
0x13b: {  	(v2sf) =	vpush v0, $0x8;
	[smem:s17+$0x9] =	sst s18;
	s18 =	spop (v2sf)  }
0x13c: {  	[smem:s17+$0xA] =	sst s18  }
.Ltmp4:
0x13d: {  	(v2sf) =	vpush v0, $0x9;
	s18 =	spop (v2sf);
	(pc) =	sbr.rel @p0 .LBB2_10-.Ltmp4, $4  }
0x13e: {  	(v2sf) =	vpush v0, $0xA;
	[smem:s17+$0xB] =	sst s18;
	s21 =	spop (v2sf)  }
0x13f: {  	s18 =	sshra.s32 s20, $0x2;
	(v2sf) =	vpush v0, $0xB;
	[smem:s17+$0xC] =	sst s21;
	s20 =	spop (v2sf)  }
0x140: {  	v1 =	vld [tilespmem:s18+$0x0];
	(v2sf) =	vpush v0, $0xC;
	[smem:s17+$0xD] =	sst s20;
	s20 =	spop (v2sf)  }
0x141: {  	(v2sf) =	vpush v0, $0xD;
	[smem:s17+$0xE] =	sst s20;
	s20 =	spop (v2sf)  }
0x142: {  	_ = 	snop  }
0x143: {  	(v2sf) =	vpush v0, $0xE  }
0x144: {  	[smem:s17+$0xF] =	sst s20;
	s23 =	spop (v2sf);
	(v2sf) =	vpush v0, $0xF  }
0x145: {  	[smem:s16] =	sst s23;
	s24 =	spop (v2sf);
	(v2sf) =	vpush v1, $0x0  }
0x146: {  	[smem:s16+$0x1] =	sst s24;
	s25 =	spop (v2sf);
	(v2sf) =	vpush v1, $0x1  }
0x147: {  	[smem:s16+$0x2] =	sst s25;
	s26 =	spop (v2sf);
	(v2sf) =	vpush v1, $0x2  }
0x148: {  	[smem:s16+$0x3] =	sst s26;
	s28 =	spop (v2sf);
	(v2sf) =	vpush v1, $0x3  }
0x149: {  	[smem:s16+$0x4] =	sst s28;
	s29 =	spop (v2sf);
	(v2sf) =	vpush v1, $0x4  }
0x14a: {  	[smem:s16+$0x5] =	sst s29;
	s30 =	spop (v2sf);
	(v2sf) =	vpush v1, $0x5  }
0x14b: {  	[smem:s16+$0x6] =	sst s30;
	s31 =	spop (v2sf);
	(v2sf) =	vpush v1, $0x6  }
0x14c: {  	[smem:s16+$0x7] =	sst s31;
	s19 =	spop (v2sf);
	(v2sf) =	vpush v1, $0x7  }
0x14d: {  	[smem:s16+$0x8] =	sst s19;
	s20 =	spop (v2sf);
	(v2sf) =	vpush v1, $0x8  }
0x14e: {  	[smem:s16+$0x9] =	sst s20;
	s21 =	spop (v2sf);
	(v2sf) =	vpush v1, $0x9  }
0x14f: {  	[smem:s16+$0xA] =	sst s21;
	s22 =	spop (v2sf);
	(v2sf) =	vpush v1, $0xA  }
0x150: {  	[smem:s16+$0xB] =	sst s22;
	s23 =	spop (v2sf);
	(v2sf) =	vpush v1, $0xB  }
0x151: {  	[smem:s16+$0xC] =	sst s23;
	s24 =	spop (v2sf);
	(v2sf) =	vpush v1, $0xC  }
0x152: {  	[smem:s16+$0xD] =	sst s24;
	s25 =	spop (v2sf);
	(v2sf) =	vpush v1, $0xD  }
0x153: {  	[smem:s16+$0xE] =	sst s25;
	s26 =	spop (v2sf);
	(v2sf) =	vpush v1, $0xE  }
0x154: {  	[smem:s16+$0xF] =	sst s26;
	s28 =	spop (v2sf);
	(v2sf) =	vpush v1, $0xF  }
0x155: {  	[smem:s18] =	sst s28;
	s29 =	spop (v2sf)  }
0x156: {  	[smem:s18+$0x1] =	sst s29;
	s30 =	spop (v2sf)  }
0x157: {  	[smem:s18+$0x2] =	sst s30;
	s31 =	spop (v2sf)  }
0x158: {  	[smem:s18+$0x3] =	sst s31;
	s17 =	spop (v2sf)  }
0x159: {  	[smem:s18+$0x4] =	sst s17;
	s19 =	spop (v2sf)  }
0x15a: {  	[smem:s18+$0x5] =	sst s19;
	s20 =	spop (v2sf)  }
0x15b: {  	[smem:s18+$0x6] =	sst s20;
	s21 =	spop (v2sf)  }
0x15c: {  	[smem:s18+$0x7] =	sst s21;
	s22 =	spop (v2sf)  }
0x15d: {  	[smem:s18+$0x8] =	sst s22;
	s23 =	spop (v2sf)  }
0x15e: {  	[smem:s18+$0x9] =	sst s23;
	s24 =	spop (v2sf)  }
0x15f: {  	[smem:s18+$0xA] =	sst s24;
	s25 =	spop (v2sf)  }
0x160: {  	[smem:s18+$0xB] =	sst s25;
	s26 =	spop (v2sf)  }
0x161: {  	[smem:s18+$0xC] =	sst s26;
	s28 =	spop (v2sf)  }
0x162: {  	[smem:s18+$0xD] =	sst s28;
	s29 =	spop (v2sf)  }
0x163: {  	[smem:s18+$0xE] =	sst s29;
	s30 =	spop (v2sf)  }
0x164: {  	[smem:s18+$0xF] =	sst s30  }
0x165: {  	s16 =	sld [smem:$0x0];
	_ =	sdelay $0x2  }
0x166: {  	s16 =	sshll.u32 s16, $0x4  }
0x167: {  	s31 =	sand.u32 $0x1FFFFFF0, s16  }
0x168: {  	s17 =	sld [smem:$0x1];
	s16 =	simm.s32 $0x10100;
	s18 =	sadd.s32 s3, s31  }
0x169: {  	[tilespmem:s16], [sflag:$0x3] =	stream.linear.gather [hbm4b:s18+s2], $0x80, $0x38;
	[tilespmem:$0x18100] =	vst v63  }
0x16a: {  	s18 =	simm.s32 $0x8  }
.LBB2_12:
0x16b: {  	p0 =	sne.s32 s18, $0x3FC  }
.Ltmp5:
0x16c: {  	_ = 	snop;
	(pc) =	sbr.rel @p0 .LBB2_12-.Ltmp5, $4  }
0x16d: {  	s20 =	sshll.u32 s17, $0x4  }
0x16e: {  	s19 =	sshra.s32 s18, $0x2;
	s16 =	sadd.s32 $0x80, s16;
	s31 =	sand.u32 $0x1FFFFFF0, s20  }
0x16f: {  	s18 =	sadd.s32 $0x4, s18;
	s17 =	sld [smem:s19+$0x0];
	s19 =	sadd.s32 s3, s31  }
0x170: {  	[tilespmem:s16], [sflag:$0x3] =	stream.linear.gather [hbm4b:s19+s2], $0x80, $0x38;
	[tilespmem:$0x18100] =	vst v63  }
0x171: {  	_ = 	snop  }
0x172: {  	s17 =	sshll.u32 s17, $0x4  }
0x173: {  	s17 =	sand.u32 $0x1FFFFFF0, s17  }
0x174: {  	s16 =	sadd.s32 $0x80, s16;
	s17 =	sadd.s32 s3, s17  }
0x175: {  	[tilespmem:s16], [sflag:$0x3] =	stream.linear.gather [hbm4b:s17+s2], $0x80, $0x38;
	[tilespmem:$0x18100] =	vst v63  }
0x176: {  	_ =	swait.ge [sflag:s11], $0x8000  }
0x177: {  	[sflag:s11] =	ssyncset.done $0x0  }
0x178: {  	[sflag:s11] =	ssyncadd.s32 $0xFFFF8000  }
0x179: {  	_ =	swait.ge [sflag:s12], $0x8000  }
0x17a: {  	[sflag:s12] =	ssyncset.done $0x0  }
0x17b: {  	s16 =	simm.s32 $0x0;
	[sflag:s12] =	ssyncadd.s32 $0xFFFF8000  }
0x17c: {  	v1 =	vld [tilespmem:s16+$0x8130]  }
0x17d: {  	v2 =	vld [tilespmem:s16+$0x8100]  }
0x17e: {  	v3 =	vld [tilespmem:s16+$0x8110]  }
0x17f: {  	v0 =	vld [tilespmem:s16+$0x8120];
	_ =	sdelay $0x1  }
0x180: {  	[tilespmem:s16+$0x130] =	vst.add.f32.msk $0xffff, v1  }
0x181: {  	[tilespmem:s16+$0x100] =	vst.add.f32.msk $0xffff, v2  }
0x182: {  	s18 =	simm.s32 $0x400;
	s17 =	simm.s32 $0x80;
	[tilespmem:s16+$0x110] =	vst.add.f32.msk $0xffff, v3  }
.LBB2_14:
0x183: {  	p0 =	sne.s32 s18, $0x1FE00;
	v1 =	vld [tilespmem:s17+$0x8130];
	v2 =	vmov v0  }
0x184: {  	v3 =	vld [tilespmem:s17+$0x8100]  }
0x185: {  	v4 =	vld [tilespmem:s17+$0x8110]  }
.Ltmp6:
0x186: {  	v0 =	vld [tilespmem:s17+$0x8120];
	(pc) =	sbr.rel @p0 .LBB2_14-.Ltmp6, $4  }
0x187: {  	[tilespmem:s16+$0x120] =	vst.add.f32.msk $0xffff, v2;
	s16 =	smov.u32 s17  }
0x188: {  	[tilespmem:s16+$0x130] =	vst.add.f32.msk $0xffff, v1  }
0x189: {  	[tilespmem:s16+$0x100] =	vst.add.f32.msk $0xffff, v3  }
0x18a: {  	s17 =	sshra.s32 s18, $0x2;
	s18 =	sadd.s32 $0x200, s18;
	[tilespmem:s16+$0x110] =	vst.add.f32.msk $0xffff, v4  }
0x18b: {  	v1 =	vld [tilespmem:s17+$0x8130]  }
0x18c: {  	v2 =	vld [tilespmem:s17+$0x8100]  }
0x18d: {  	v3 =	vld [tilespmem:s17+$0x8110]  }
0x18e: {  	v4 =	vld [tilespmem:s17+$0x8120]  }
0x18f: {  	[tilespmem:s16+$0x120] =	vst.add.f32.msk $0xffff, v0  }
0x190: {  	[tilespmem:s17+$0x130] =	vst.add.f32.msk $0xffff, v1  }
0x191: {  	[tilespmem:s17+$0x100] =	vst.add.f32.msk $0xffff, v2  }
0x192: {  	[tilespmem:s17+$0x110] =	vst.add.f32.msk $0xffff, v3  }
0x193: {  	[tilespmem:s17+$0x120] =	vst.add.f32.msk $0xffff, v4  }
0x194: {  	_ =	swait.ge [sflag:s13], $0x8000  }
0x195: {  	[sflag:s13] =	ssyncset.done $0x0  }
0x196: {  	s30 =	simm.s32 $0x0;
	[sflag:s13] =	ssyncadd.s32 $0xFFFF8000  }
0x197: {  	[tilespmem:s30], [sflag:$0x4] =	stream.linear.gather [hbm4b:s7+s30], $0x100, $0x38;
	[tilespmem:$0x18100] =	vst v63  }
0x198: {  	_ =	swait.ge [sflag:s10], $0x100  }
0x199: {  	[sflag:s10] =	ssyncset.done $0x0  }
0x19a: {  	s17 =	simm.s32 $0x0;
	[sflag:s10] =	ssyncadd.s32 $0xFFFFFF00  }
0x19b: {  	v1 =	vld [tilespmem:s17+$0x0];
	_ =	sdelay $0x4  }
0x19c: {  	(v2sf) =	vpush v1, $0x0  }
0x19d: {  	(v2sf) =	vpush v1, $0x1;
	_ =	sdelay $0x1  }
0x19e: {  	(v2sf) =	vpush v1, $0x2  }
0x19f: {  	(v2sf) =	vpush v1, $0x3  }
0x1a0: {  	(v2sf) =	vpush v1, $0x4  }
0x1a1: {  	(v2sf) =	vpush v1, $0x5  }
0x1a2: {  	(v2sf) =	vpush v1, $0x6  }
0x1a3: {  	(v2sf) =	vpush v1, $0x7  }
0x1a4: {  	(v2sf) =	vpush v1, $0x8  }
0x1a5: {  	(v2sf) =	vpush v1, $0x9  }
0x1a6: {  	s16 =	simm.s32 $0x10;
	(v2sf) =	vpush v1, $0xA  }
0x1a7: {  	v0 =	vld [tilespmem:s16+$0x0];
	(v2sf) =	vpush v1, $0xB  }
0x1a8: {  	(v2sf) =	vpush v1, $0xC  }
0x1a9: {  	(v2sf) =	vpush v1, $0xD  }
0x1aa: {  	(v2sf) =	vpush v1, $0xE;
	s18 =	spop (v2sf)  }
0x1ab: {  	(v2sf) =	vpush v1, $0xF;
	[smem:s17] =	sst s18;
	s31 =	spop (v2sf)  }
0x1ac: {  	(v2sf) =	vpush v0, $0x0;
	[smem:$0x1] =	sst s31  }
0x1ad: {  	s18 =	spop (v2sf)  }
0x1ae: {  	(v2sf) =	vpush v0, $0x1;
	[smem:$0x2] =	sst s18  }
0x1af: {  	s18 =	spop (v2sf)  }
0x1b0: {  	(v2sf) =	vpush v0, $0x2;
	[smem:$0x3] =	sst s18  }
0x1b1: {  	s18 =	spop (v2sf)  }
0x1b2: {  	(v2sf) =	vpush v0, $0x3;
	[smem:$0x4] =	sst s18  }
0x1b3: {  	s18 =	spop (v2sf)  }
0x1b4: {  	(v2sf) =	vpush v0, $0x4;
	[smem:$0x5] =	sst s18  }
0x1b5: {  	s18 =	spop (v2sf)  }
0x1b6: {  	(v2sf) =	vpush v0, $0x5;
	[smem:$0x6] =	sst s18  }
0x1b7: {  	s18 =	spop (v2sf)  }
0x1b8: {  	(v2sf) =	vpush v0, $0x6;
	[smem:$0x7] =	sst s18  }
0x1b9: {  	s18 =	spop (v2sf)  }
0x1ba: {  	(v2sf) =	vpush v0, $0x7;
	[smem:$0x8] =	sst s18  }
0x1bb: {  	s18 =	spop (v2sf)  }
0x1bc: {  	(v2sf) =	vpush v0, $0x8;
	[smem:$0x9] =	sst s18  }
0x1bd: {  	s18 =	spop (v2sf)  }
0x1be: {  	(v2sf) =	vpush v0, $0x9;
	[smem:$0xA] =	sst s18  }
0x1bf: {  	s18 =	spop (v2sf)  }
0x1c0: {  	(v2sf) =	vpush v0, $0xA;
	[smem:$0xB] =	sst s18  }
0x1c1: {  	s19 =	spop (v2sf)  }
0x1c2: {  	(v2sf) =	vpush v0, $0xB;
	[smem:$0xC] =	sst s19  }
0x1c3: {  	s18 =	simm.s32 $0x20;
	s19 =	spop (v2sf)  }
0x1c4: {  	v1 =	vld [tilespmem:s18+$0x0];
	(v2sf) =	vpush v0, $0xC;
	[smem:$0xD] =	sst s19  }
0x1c5: {  	s19 =	spop (v2sf)  }
0x1c6: {  	(v2sf) =	vpush v0, $0xD;
	[smem:$0xE] =	sst s19  }
0x1c7: {  	s19 =	simm.s32 $0xC0;
	s20 =	spop (v2sf)  }
.LBB2_16:
0x1c8: {  	p0 =	sne.s32 s19, $0x3C0;
	[smem:s17+$0xF] =	sst s20;
	s20 =	smov.u32 s19  }
0x1c9: {  	(v2sf) =	vpush v0, $0xE;
	s19 =	sadd.s32 $0x40, s19;
	s17 =	smov.u32 s16;
	s16 =	smov.u32 s18  }
0x1ca: {  	s18 =	spop (v2sf);
	(v2sf) =	vpush v0, $0xF  }
0x1cb: {  	[smem:s17] =	sst s18;
	s18 =	spop (v2sf)  }
0x1cc: {  	(v2sf) =	vpush v1, $0x0;
	[smem:s17+$0x1] =	sst s18;
	s18 =	spop (v2sf);
	v0 =	vmov v1  }
0x1cd: {  	(v2sf) =	vpush v0, $0x1;
	[smem:s17+$0x2] =	sst s18;
	s18 =	spop (v2sf)  }
0x1ce: {  	(v2sf) =	vpush v0, $0x2;
	[smem:s17+$0x3] =	sst s18;
	s18 =	spop (v2sf)  }
0x1cf: {  	(v2sf) =	vpush v0, $0x3;
	[smem:s17+$0x4] =	sst s18;
	s18 =	spop (v2sf)  }
0x1d0: {  	(v2sf) =	vpush v0, $0x4;
	[smem:s17+$0x5] =	sst s18;
	s18 =	spop (v2sf)  }
0x1d1: {  	(v2sf) =	vpush v0, $0x5;
	[smem:s17+$0x6] =	sst s18;
	s18 =	spop (v2sf)  }
0x1d2: {  	(v2sf) =	vpush v0, $0x6;
	[smem:s17+$0x7] =	sst s18;
	s18 =	spop (v2sf)  }
0x1d3: {  	(v2sf) =	vpush v0, $0x7;
	[smem:s17+$0x8] =	sst s18;
	s18 =	spop (v2sf)  }
0x1d4: {  	(v2sf) =	vpush v0, $0x8;
	[smem:s17+$0x9] =	sst s18;
	s18 =	spop (v2sf)  }
0x1d5: {  	[smem:s17+$0xA] =	sst s18  }
.Ltmp7:
0x1d6: {  	(v2sf) =	vpush v0, $0x9;
	s18 =	spop (v2sf);
	(pc) =	sbr.rel @p0 .LBB2_16-.Ltmp7, $4  }
0x1d7: {  	(v2sf) =	vpush v0, $0xA;
	[smem:s17+$0xB] =	sst s18;
	s21 =	spop (v2sf)  }
0x1d8: {  	s18 =	sshra.s32 s20, $0x2;
	(v2sf) =	vpush v0, $0xB;
	[smem:s17+$0xC] =	sst s21;
	s20 =	spop (v2sf)  }
0x1d9: {  	v1 =	vld [tilespmem:s18+$0x0];
	(v2sf) =	vpush v0, $0xC;
	[smem:s17+$0xD] =	sst s20;
	s20 =	spop (v2sf)  }
0x1da: {  	(v2sf) =	vpush v0, $0xD;
	[smem:s17+$0xE] =	sst s20;
	s20 =	spop (v2sf)  }
0x1db: {  	_ = 	snop  }
0x1dc: {  	(v2sf) =	vpush v0, $0xE  }
0x1dd: {  	[smem:s17+$0xF] =	sst s20;
	s23 =	spop (v2sf);
	(v2sf) =	vpush v0, $0xF  }
0x1de: {  	[smem:s16] =	sst s23;
	s24 =	spop (v2sf);
	(v2sf) =	vpush v1, $0x0  }
0x1df: {  	[smem:s16+$0x1] =	sst s24;
	s25 =	spop (v2sf);
	(v2sf) =	vpush v1, $0x1  }
0x1e0: {  	[smem:s16+$0x2] =	sst s25;
	s26 =	spop (v2sf);
	(v2sf) =	vpush v1, $0x2  }
0x1e1: {  	[smem:s16+$0x3] =	sst s26;
	s28 =	spop (v2sf);
	(v2sf) =	vpush v1, $0x3  }
0x1e2: {  	[smem:s16+$0x4] =	sst s28;
	s29 =	spop (v2sf);
	(v2sf) =	vpush v1, $0x4  }
0x1e3: {  	[smem:s16+$0x5] =	sst s29;
	s30 =	spop (v2sf);
	(v2sf) =	vpush v1, $0x5  }
0x1e4: {  	[smem:s16+$0x6] =	sst s30;
	s31 =	spop (v2sf);
	(v2sf) =	vpush v1, $0x6  }
0x1e5: {  	[smem:s16+$0x7] =	sst s31;
	s19 =	spop (v2sf);
	(v2sf) =	vpush v1, $0x7  }
0x1e6: {  	[smem:s16+$0x8] =	sst s19;
	s20 =	spop (v2sf);
	(v2sf) =	vpush v1, $0x8  }
0x1e7: {  	[smem:s16+$0x9] =	sst s20;
	s21 =	spop (v2sf);
	(v2sf) =	vpush v1, $0x9  }
0x1e8: {  	[smem:s16+$0xA] =	sst s21;
	s22 =	spop (v2sf);
	(v2sf) =	vpush v1, $0xA  }
0x1e9: {  	[smem:s16+$0xB] =	sst s22;
	s23 =	spop (v2sf);
	(v2sf) =	vpush v1, $0xB  }
0x1ea: {  	[smem:s16+$0xC] =	sst s23;
	s24 =	spop (v2sf);
	(v2sf) =	vpush v1, $0xC  }
0x1eb: {  	[smem:s16+$0xD] =	sst s24;
	s25 =	spop (v2sf);
	(v2sf) =	vpush v1, $0xD  }
0x1ec: {  	[smem:s16+$0xE] =	sst s25;
	s26 =	spop (v2sf);
	(v2sf) =	vpush v1, $0xE  }
0x1ed: {  	[smem:s16+$0xF] =	sst s26;
	s28 =	spop (v2sf);
	(v2sf) =	vpush v1, $0xF  }
0x1ee: {  	[smem:s18] =	sst s28;
	s29 =	spop (v2sf)  }
0x1ef: {  	[smem:s18+$0x1] =	sst s29;
	s30 =	spop (v2sf)  }
0x1f0: {  	[smem:s18+$0x2] =	sst s30;
	s31 =	spop (v2sf)  }
0x1f1: {  	[smem:s18+$0x3] =	sst s31;
	s17 =	spop (v2sf)  }
0x1f2: {  	[smem:s18+$0x4] =	sst s17;
	s19 =	spop (v2sf)  }
0x1f3: {  	[smem:s18+$0x5] =	sst s19;
	s20 =	spop (v2sf)  }
0x1f4: {  	[smem:s18+$0x6] =	sst s20;
	s21 =	spop (v2sf)  }
0x1f5: {  	[smem:s18+$0x7] =	sst s21;
	s22 =	spop (v2sf)  }
0x1f6: {  	[smem:s18+$0x8] =	sst s22;
	s23 =	spop (v2sf)  }
0x1f7: {  	[smem:s18+$0x9] =	sst s23;
	s24 =	spop (v2sf)  }
0x1f8: {  	[smem:s18+$0xA] =	sst s24;
	s25 =	spop (v2sf)  }
0x1f9: {  	[smem:s18+$0xB] =	sst s25;
	s26 =	spop (v2sf)  }
0x1fa: {  	[smem:s18+$0xC] =	sst s26;
	s28 =	spop (v2sf)  }
0x1fb: {  	[smem:s18+$0xD] =	sst s28;
	s29 =	spop (v2sf)  }
0x1fc: {  	[smem:s18+$0xE] =	sst s29;
	s30 =	spop (v2sf)  }
0x1fd: {  	[smem:s18+$0xF] =	sst s30  }
0x1fe: {  	s16 =	sld [smem:$0x0];
	_ =	sdelay $0x2  }
0x1ff: {  	s31 =	sshll.u32 s16, $0x4  }
0x200: {  	s17 =	simm.s32 $0x0;
	s19 =	sand.u32 $0x1FFFFFF0, s31  }
0x201: {  	s18 =	sld [smem:$0x1];
	s16 =	simm.s32 $0x8100;
	s19 =	sadd.s32 s3, s19  }
0x202: {  	[tilespmem:s16], [sflag:$0x2] =	stream.linear.gather [hbm4b:s19+s17], $0x80, $0x38;
	[tilespmem:$0x18100] =	vst v63  }
0x203: {  	s19 =	simm.s32 $0x8  }
.LBB2_18:
0x204: {  	p0 =	sne.s32 s19, $0x3FC  }
.Ltmp8:
0x205: {  	_ = 	snop;
	(pc) =	sbr.rel @p0 .LBB2_18-.Ltmp8, $4  }
0x206: {  	s21 =	sshll.u32 s18, $0x4  }
0x207: {  	s20 =	sshra.s32 s19, $0x2;
	s16 =	sadd.s32 $0x80, s16;
	s31 =	sand.u32 $0x1FFFFFF0, s21  }
0x208: {  	s19 =	sadd.s32 $0x4, s19;
	s18 =	sld [smem:s20+$0x0];
	s20 =	sadd.s32 s3, s31  }
0x209: {  	[tilespmem:s16], [sflag:$0x2] =	stream.linear.gather [hbm4b:s20+s17], $0x80, $0x38;
	[tilespmem:$0x18100] =	vst v63  }
0x20a: {  	p1 =	por $0x1, $0x1  }
.Ltmp9:
0x20b: {  	s17 =	sshll.u32 s18, $0x4;
	(pc) =	sbr.rel @!p1 .LBB2_23-.Ltmp9, $4  }
0x20c: {  	s17 =	sand.u32 $0x1FFFFFF0, s17  }
0x20d: {  	s16 =	sadd.s32 $0x80, s16;
	s31 =	simm.s32 $0x0;
	s17 =	sadd.s32 s3, s17  }
0x20e: {  	[tilespmem:s16], [sflag:$0x2] =	stream.linear.gather [hbm4b:s17+s31], $0x80, $0x38;
	[tilespmem:$0x18100] =	vst v63  }
0x20f: {  	p0 =	por $0x0, $0x0;
	s16 =	simm.s32 $0x0;
	s17 =	simm.s32 $0x0  }
0x210: {  	v1 =	vld [tilespmem:s16+$0x10130]  }
0x211: {  	v2 =	vld [tilespmem:s16+$0x10100]  }
0x212: {  	v3 =	vld [tilespmem:s16+$0x10110];
	p1 =	por $0x1, $0x1  }
.Ltmp10:
0x213: {  	v0 =	vld [tilespmem:s16+$0x10120];
	(pc) =	sbr.rel @!p1 .LBB2_21-.Ltmp10, $4  }
0x214: {  	_ = 	snop  }
0x215: {  	[tilespmem:s16+$0x130] =	vst.add.f32.msk $0xffff, v1  }
0x216: {  	s17 =	simm.s32 $0x80;
	[tilespmem:s16+$0x100] =	vst.add.f32.msk $0xffff, v2  }
0x217: {  	s19 =	simm.s32 $0x400;
	p0 =	por $0x1, $0x1;
	s18 =	simm.s32 $0x0;
	[tilespmem:s16+$0x110] =	vst.add.f32.msk $0xffff, v3  }
.LBB2_22:
0x218: {  	p1 =	sne.s32 s19, $0x1FE00;
	v1 =	vld [tilespmem:s17+$0x10130];
	v2 =	vmov v0  }
0x219: {  	v3 =	vld [tilespmem:s17+$0x10100]  }
0x21a: {  	v4 =	vld [tilespmem:s17+$0x10110]  }
.Ltmp11:
0x21b: {  	v0 =	vld [tilespmem:s17+$0x10120];
	(pc) =	sbr.rel @p1 .LBB2_22-.Ltmp11, $4  }
0x21c: {  	[tilespmem:s18+$0x120] =	vst.add.f32.msk $0xffff, v2;
	s18 =	smov.u32 s17  }
0x21d: {  	[tilespmem:s18+$0x130] =	vst.add.f32.msk $0xffff, v1  }
0x21e: {  	[tilespmem:s18+$0x100] =	vst.add.f32.msk $0xffff, v3  }
0x21f: {  	s17 =	sshra.s32 s19, $0x2;
	s19 =	sadd.s32 $0x200, s19;
	[tilespmem:s18+$0x110] =	vst.add.f32.msk $0xffff, v4  }
.LBB2_23:
0x220: {  	v1 =	vld [tilespmem:s17+$0x10130]  }
0x221: {  	v2 =	vld [tilespmem:s17+$0x10100]  }
0x222: {  	v3 =	vld [tilespmem:s17+$0x10110]  }
0x223: {  	v4 =	vld [tilespmem:s17+$0x10120]  }
0x224: {  	[tilespmem:s18+$0x120] =	vst.add.f32.msk @p0 $0xffff, v0  }
0x225: {  	[tilespmem:s17+$0x130] =	vst.add.f32.msk $0xffff, v1  }
0x226: {  	[tilespmem:s17+$0x100] =	vst.add.f32.msk $0xffff, v2  }
0x227: {  	[tilespmem:s17+$0x110] =	vst.add.f32.msk $0xffff, v3  }
0x228: {  	[tilespmem:s17+$0x120] =	vst.add.f32.msk $0xffff, v4  }
0x229: {  	_ =	swait.ge [sflag:s12], $0x8000  }
0x22a: {  	[sflag:s12] =	ssyncset.done $0x0  }
0x22b: {  	[sflag:s12] =	ssyncadd.s32 $0xFFFF8000  }
0x22c: {  	v1 =	vld [tilespmem:s16+$0x8130]  }
0x22d: {  	v2 =	vld [tilespmem:s16+$0x8100]  }
0x22e: {  	v3 =	vld [tilespmem:s16+$0x8110]  }
0x22f: {  	v0 =	vld [tilespmem:s16+$0x8120];
	_ =	sdelay $0x1  }
0x230: {  	[tilespmem:s16+$0x130] =	vst.add.f32.msk $0xffff, v1  }
0x231: {  	[tilespmem:s16+$0x100] =	vst.add.f32.msk $0xffff, v2  }
0x232: {  	s18 =	simm.s32 $0x400;
	s17 =	simm.s32 $0x80;
	[tilespmem:s16+$0x110] =	vst.add.f32.msk $0xffff, v3  }
.LBB2_24:
0x233: {  	p0 =	sne.s32 s18, $0x1FE00;
	v1 =	vld [tilespmem:s17+$0x8130];
	v2 =	vmov v0  }
0x234: {  	v3 =	vld [tilespmem:s17+$0x8100]  }
0x235: {  	v4 =	vld [tilespmem:s17+$0x8110]  }
.Ltmp12:
0x236: {  	v0 =	vld [tilespmem:s17+$0x8120];
	(pc) =	sbr.rel @p0 .LBB2_24-.Ltmp12, $4  }
0x237: {  	[tilespmem:s16+$0x120] =	vst.add.f32.msk $0xffff, v2;
	s16 =	smov.u32 s17  }
0x238: {  	[tilespmem:s16+$0x130] =	vst.add.f32.msk $0xffff, v1  }
0x239: {  	[tilespmem:s16+$0x100] =	vst.add.f32.msk $0xffff, v3  }
0x23a: {  	s17 =	sshra.s32 s18, $0x2;
	s18 =	sadd.s32 $0x200, s18;
	[tilespmem:s16+$0x110] =	vst.add.f32.msk $0xffff, v4  }
0x23b: {  	v1 =	vld [tilespmem:s17+$0x8130]  }
0x23c: {  	v2 =	vld [tilespmem:s17+$0x8100]  }
0x23d: {  	v3 =	vld [tilespmem:s17+$0x8110]  }
0x23e: {  	v4 =	vld [tilespmem:s17+$0x8120]  }
0x23f: {  	[tilespmem:s16+$0x120] =	vst.add.f32.msk $0xffff, v0  }
0x240: {  	[tilespmem:s17+$0x130] =	vst.add.f32.msk $0xffff, v1  }
0x241: {  	[tilespmem:s17+$0x100] =	vst.add.f32.msk $0xffff, v2  }
0x242: {  	s15 =	sadd.s32 $0x1, s15;
	[tilespmem:s17+$0x110] =	vst.add.f32.msk $0xffff, v3  }
0x243: {  	p0 =	sne.s32 s15, s9;
	[tilespmem:s17+$0x120] =	vst.add.f32.msk $0xffff, v4  }
0x244: {  	[hbm4b:s8+s2] =	stream.linear.scatter [tilespmem:s14], [sflag:$0x4], $0x8000, $0x38;
	[tilespmem:$0x18100] =	vst v63  }
.Ltmp13:
0x245: {  	_ = 	snop;
	(pc) =	sbr.rel @p0 .LBB2_1-.Ltmp13, $4  }
.Ltmp14:
0x246: {  	_ = 	snop;
	(pc) =	sbr.rel @!p0 .LBB2_26-.Ltmp14, $4  }
0x247: {  	_ =	swait.ge [sflag:s10], $0x8000  }
0x248: {  	[sflag:s10] =	ssyncset.done $0x0  }
0x249: {  	[sflag:s10] =	ssyncadd.s32 $0xFFFF8000  }
0x24a: {  	_ = 	snop  }
.LBB2_21:
.Ltmp15:
0x24b: {  	(pc) =	sbr.rel .LBB2_23-.Ltmp15, $2  }
0x24c: {  	_ =	sdelay $0x2  }
0x24d: {  	s18 =	simm.s32 $0x0  }
.LBB2_26:
0x24e: {  	_ =	sfence.sel $0x180000  }
0x24f: {  	[bflag:$0x0] =	sbarrier.arrive $0xFFFF  }
0x250: {  	p0 =	sne.s32 s1, $0x0;
	_ =	strace $0x90000047  }
0x251: {  	s0 =	sadd.s32 @!p0 $0x100000, s0;
	[bflag:$0x2] =	sbarrier.arrive $0xFFFF  }
0x252: {  	[sflag:s0] =	ssyncadd.tile.s32 @!p0 $0x1;
	_ =	shalt  }
.Lfunc_end2:
_tile_overlayer_lowered:
.L_overlay_start_2:
0x253: {  	(tag) =	ssettag $0x2  }
0x254: {  	s0 =	rddreg [dreg:$0x0];
	s2 =	stileid.u32  }
0x255: {  	s1 =	rddreg [dreg:$0x1];
	p0 =	sne.s32 s2, $0x0  }
0x256: {  	s3 =	rddreg [dreg:$0x2];
	[bflag:$0x3] =	sbarrier.arrive $0xFFFF;
	s2 =	simm.s32 @!p0 $0x1C04  }
0x257: {  	[timem:s3], [sflag:s2] =	dma.local @!p0 [hbm:s0], s1  }
0x258: {  	s0 =	simm.s32 @!p0 $0x4  }
0x259: {  	_ =	swait.ge @!p0 [sflag:s0], s1  }
0x25a: {  	s1 =	ssub.s32 @!p0 $0x0, s1;
	[sflag:s0] =	ssyncset.done @!p0 $0x0  }
0x25b: {  	[sflag:s0] =	ssyncadd.s32 @!p0 s1  }
0x25c: {  	[bflag:$0x3] =	sbarrier.arrive $0xFFFF  }
0x25d: {  	_ =	shalt  }

</sc_bundles>
